<compile_context>
chip_gen: v7x
topology: tpu7x:2x2x1
jax: 0.10.2.dev20260603
libtpu: 0.0.44.dev20260713+nightly
codegen_flags: <defaults>
</compile_context>

<pallas_src>
import functools

import jax
import jax.numpy as jnp
from jax import lax
from jax.experimental import pallas as pl
from jax.experimental.pallas import tpu as pltpu
from jax.experimental.pallas import tpu_sc as plsc

_S, _B, _D = 8192, 2, 1024
_NC, _NS = 2, 16
_NW = _NC * _NS
_PW = _S // _NW
_C = 4
_NCH = _PW // _C
_NBUF = 4
_NFULL = (_NCH // _NBUF) * _NBUF
_LANES = 16


def _sc_body(emb_hbm, pe_hbm, out_hbm, emb_bufs, pe_bufs, out_bufs, sins, souts):
    wid = lax.axis_index("s") * _NC + lax.axis_index("c")
    base = wid * _PW

    def start_in(g, b):
        s0 = base + g * _C
        pltpu.async_copy(emb_hbm.at[pl.ds(s0, _C)], emb_bufs[b], sins[b])
        pltpu.async_copy(pe_hbm.at[pl.ds(s0, _C)], pe_bufs[b], sins[b])

    def wait_in(b):
        pltpu.make_async_copy(emb_hbm.at[pl.ds(base, _C)], emb_bufs[b], sins[b]).wait()
        pltpu.make_async_copy(pe_hbm.at[pl.ds(base, _C)], pe_bufs[b], sins[b]).wait()

    def start_out(g, b):
        s0 = base + g * _C
        pltpu.async_copy(out_bufs[b], out_hbm.at[pl.ds(s0, _C)], souts[b])

    def wait_out(b):
        pltpu.make_async_copy(out_bufs[b], out_hbm.at[pl.ds(base, _C)], souts[b]).wait()

    def process(g, b):
        g = jnp.int32(g)
        wait_in(b)

        @pl.when(g >= _NBUF)
        def _():
            wait_out(b)

        @plsc.parallel_loop(0, _D // _LANES, unroll=8)
        def lane(j):
            off = j * _LANES
            for i in range(_C):
                pe_vec = pe_bufs[b][i, pl.ds(off, _LANES)]
                out_bufs[b][i, 0, pl.ds(off, _LANES)] = (
                    emb_bufs[b][i, 0, pl.ds(off, _LANES)] + pe_vec)
                out_bufs[b][i, 1, pl.ds(off, _LANES)] = (
                    emb_bufs[b][i, 1, pl.ds(off, _LANES)] + pe_vec)

        start_out(g, b)

        @pl.when(g + _NBUF < _NCH)
        def _():
            start_in(g + _NBUF, b)

    for b in range(_NBUF):
        start_in(b, b)

    def outer(k, _):
        for b in range(_NBUF):
            process(_NBUF * k + b, b)
        return 0

    lax.fori_loop(0, _NFULL // _NBUF, outer, 0)
    for g in range(_NFULL, _NCH):
        process(g, g % _NBUF)
    for b in range(_NBUF):
        wait_out(b)


def kernel(emb, pe_table):
    sc_kernel = pl.kernel(
        _sc_body,
        out_type=jax.ShapeDtypeStruct((_S, _B, _D), jnp.float32),
        mesh=plsc.VectorSubcoreMesh(core_axis_name="c", subcore_axis_name="s"),
        scratch_types=[
            [pltpu.VMEM((_C, _B, _D), jnp.float32) for _ in range(_NBUF)],
            [pltpu.VMEM((_C, _D), jnp.float32) for _ in range(_NBUF)],
            [pltpu.VMEM((_C, _B, _D), jnp.float32) for _ in range(_NBUF)],
            [pltpu.SemaphoreType.DMA for _ in range(_NBUF)],
            [pltpu.SemaphoreType.DMA for _ in range(_NBUF)],
        ],
    )
    return sc_kernel(emb, pe_table)

# --- scband reference (transcript-rebuilt; emitter-appended) ---
"""Pipeline reference for scband-learned-positional-encoding-1580547972831 (READ-ONLY COPY).

The authoritative reference and input builder live on the scoring server;
editing this copy changes nothing except your own understanding.
"""

import jax, jax.numpy as jnp
import numpy as np

SEQ_LEN = 8192
BATCH = 2
DIM = 1024
CONTEXT_SIZE = 8192

def setup_inputs(seed: int = 0) -> dict:
    key = jax.random.key(seed)
    k1, k2 = jax.random.split(key)
    emb = jax.random.normal(k1, (SEQ_LEN, BATCH, DIM), dtype=jnp.float32)
    pe_table = jax.random.normal(k2, (CONTEXT_SIZE, DIM), dtype=jnp.float32) * 0.02
    return {"emb": emb, "pe_table": pe_table}

def reference(emb, pe_table):
    # step=None, offset=None path; dropout p=0 -> identity
    seq_len = emb.shape[0]
    batch = emb.shape[1]
    position_ids = jnp.arange(seq_len, dtype=jnp.int32)            # (seq_len,)
    position_ids = jnp.repeat(position_ids[:, None], batch, axis=1)  # (seq_len, batch)
    pe_vals = jnp.take(pe_table, position_ids, axis=0)             # (seq_len, batch, dim)
    out = emb + pe_vals
    return out

if __name__ == "__main__":
    import jax
    _d = setup_inputs()
    print(jax.jit(kernel)(*tuple(_d.values())))

</pallas_src>

<mosaic_0001>
#map = affine_map<(d0, d1) -> (0, 0, 0)>
#map1 = affine_map<(d0, d1) -> (0, 0)>
module attributes {stable_mosaic.version = 14 : i64} {
  func.func @_sc_body(%arg0: i32, %arg1: i32, %arg2: memref<8192x2x1024xf32, #tpu.memory_space<hbm>>, %arg3: memref<8192x1024xf32, #tpu.memory_space<hbm>>, %arg4: memref<8192x2x1024xf32, #tpu.memory_space<hbm>>, %arg5: memref<4x2x1024xf32, #tpu.memory_space<vmem>>, %arg6: memref<4x2x1024xf32, #tpu.memory_space<vmem>>, %arg7: memref<4x2x1024xf32, #tpu.memory_space<vmem>>, %arg8: memref<4x2x1024xf32, #tpu.memory_space<vmem>>, %arg9: memref<4x1024xf32, #tpu.memory_space<vmem>>, %arg10: memref<4x1024xf32, #tpu.memory_space<vmem>>, %arg11: memref<4x1024xf32, #tpu.memory_space<vmem>>, %arg12: memref<4x1024xf32, #tpu.memory_space<vmem>>, %arg13: memref<4x2x1024xf32, #tpu.memory_space<vmem>>, %arg14: memref<4x2x1024xf32, #tpu.memory_space<vmem>>, %arg15: memref<4x2x1024xf32, #tpu.memory_space<vmem>>, %arg16: memref<4x2x1024xf32, #tpu.memory_space<vmem>>, %arg17: memref<!tpu.dma_semaphore, #tpu.memory_space<semaphore_mem>>, %arg18: memref<!tpu.dma_semaphore, #tpu.memory_space<semaphore_mem>>, %arg19: memref<!tpu.dma_semaphore, #tpu.memory_space<semaphore_mem>>, %arg20: memref<!tpu.dma_semaphore, #tpu.memory_space<semaphore_mem>>, %arg21: memref<!tpu.dma_semaphore, #tpu.memory_space<semaphore_mem>>, %arg22: memref<!tpu.dma_semaphore, #tpu.memory_space<semaphore_mem>>, %arg23: memref<!tpu.dma_semaphore, #tpu.memory_space<semaphore_mem>>, %arg24: memref<!tpu.dma_semaphore, #tpu.memory_space<semaphore_mem>>) attributes {dimension_semantics = [#tpu.dimension_semantics<core_parallel>, #tpu.dimension_semantics<subcore_parallel>], iteration_bounds = array<i64: 2, 16>, scalar_prefetch = 0 : i64, scratch_operands = 20 : i64, tpu.core_type = #tpu.core_type<sc_vector_subcore>, window_params = [{transform_indices = #map}, {transform_indices = #map1}, {transform_indices = #map}]} {
    %mul3A = arith.constant 2 : i32
    %mul3A_0 = arith.muli %arg1, %mul3A : i32
    %add3A = arith.addi %mul3A_0, %arg0 : i32
    %mul3A_1 = arith.constant 256 : i32
    %mul3A_2 = arith.muli %add3A, %mul3A_1 : i32
    %add3A_3 = arith.constant 0 : i32
    %add3A_4 = arith.addi %mul3A_2, %add3A_3 : i32
    %dma_start3A = arith.constant 0 : i32
    %dma_start3A_5 = arith.constant 0 : i32
    %dma_start3A_6 = tpu.memref_slice %arg2[%add3A_4, %dma_start3A, %dma_start3A_5] : memref<8192x2x1024xf32, #tpu.memory_space<hbm>> -> memref<4x2x1024xf32, #tpu.memory_space<hbm>>
    %dma_start3A_7 = arith.constant 0 : i32
    %dma_start3A_8 = arith.constant 0 : i32
    %dma_start3A_9 = tpu.memref_slice %arg2[%add3A_4, %dma_start3A_7, %dma_start3A_8] : memref<8192x2x1024xf32, #tpu.memory_space<hbm>> -> memref<4x2x1024xf32, #tpu.memory_space<hbm>>
    tpu.enqueue_dma source(%dma_start3A_9 : memref<4x2x1024xf32, #tpu.memory_space<hbm>>) target(%arg5 : memref<4x2x1024xf32, #tpu.memory_space<vmem>>) target_semaphore(%arg17 : memref<!tpu.dma_semaphore, #tpu.memory_space<semaphore_mem>>)
    %dma_start3A_10 = arith.constant 0 : i32
    %dma_start3A_11 = tpu.memref_slice %arg3[%add3A_4, %dma_start3A_10] : memref<8192x1024xf32, #tpu.memory_space<hbm>> -> memref<4x1024xf32, #tpu.memory_space<hbm>>
    %dma_start3A_12 = arith.constant 0 : i32
    %dma_start3A_13 = tpu.memref_slice %arg3[%add3A_4, %dma_start3A_12] : memref<8192x1024xf32, #tpu.memory_space<hbm>> -> memref<4x1024xf32, #tpu.memory_space<hbm>>
    tpu.enqueue_dma source(%dma_start3A_13 : memref<4x1024xf32, #tpu.memory_space<hbm>>) target(%arg9 : memref<4x1024xf32, #tpu.memory_space<vmem>>) target_semaphore(%arg17 : memref<!tpu.dma_semaphore, #tpu.memory_space<semaphore_mem>>)
    %add3A_14 = arith.constant 4 : i32
    %add3A_15 = arith.addi %mul3A_2, %add3A_14 : i32
    %dma_start3A_16 = arith.constant 0 : i32
    %dma_start3A_17 = arith.constant 0 : i32
    %dma_start3A_18 = tpu.memref_slice %arg2[%add3A_15, %dma_start3A_16, %dma_start3A_17] : memref<8192x2x1024xf32, #tpu.memory_space<hbm>> -> memref<4x2x1024xf32, #tpu.memory_space<hbm>>
    %dma_start3A_19 = arith.constant 0 : i32
    %dma_start3A_20 = arith.constant 0 : i32
    %dma_start3A_21 = tpu.memref_slice %arg2[%add3A_15, %dma_start3A_19, %dma_start3A_20] : memref<8192x2x1024xf32, #tpu.memory_space<hbm>> -> memref<4x2x1024xf32, #tpu.memory_space<hbm>>
    tpu.enqueue_dma source(%dma_start3A_21 : memref<4x2x1024xf32, #tpu.memory_space<hbm>>) target(%arg6 : memref<4x2x1024xf32, #tpu.memory_space<vmem>>) target_semaphore(%arg18 : memref<!tpu.dma_semaphore, #tpu.memory_space<semaphore_mem>>)
    %dma_start3A_22 = arith.constant 0 : i32
    %dma_start3A_23 = tpu.memref_slice %arg3[%add3A_15, %dma_start3A_22] : memref<8192x1024xf32, #tpu.memory_space<hbm>> -> memref<4x1024xf32, #tpu.memory_space<hbm>>
    %dma_start3A_24 = arith.constant 0 : i32
    %dma_start3A_25 = tpu.memref_slice %arg3[%add3A_15, %dma_start3A_24] : memref<8192x1024xf32, #tpu.memory_space<hbm>> -> memref<4x1024xf32, #tpu.memory_space<hbm>>
    tpu.enqueue_dma source(%dma_start3A_25 : memref<4x1024xf32, #tpu.memory_space<hbm>>) target(%arg10 : memref<4x1024xf32, #tpu.memory_space<vmem>>) target_semaphore(%arg18 : memref<!tpu.dma_semaphore, #tpu.memory_space<semaphore_mem>>)
    %add3A_26 = arith.constant 8 : i32
    %add3A_27 = arith.addi %mul3A_2, %add3A_26 : i32
    %dma_start3A_28 = arith.constant 0 : i32
    %dma_start3A_29 = arith.constant 0 : i32
    %dma_start3A_30 = tpu.memref_slice %arg2[%add3A_27, %dma_start3A_28, %dma_start3A_29] : memref<8192x2x1024xf32, #tpu.memory_space<hbm>> -> memref<4x2x1024xf32, #tpu.memory_space<hbm>>
    %dma_start3A_31 = arith.constant 0 : i32
    %dma_start3A_32 = arith.constant 0 : i32
    %dma_start3A_33 = tpu.memref_slice %arg2[%add3A_27, %dma_start3A_31, %dma_start3A_32] : memref<8192x2x1024xf32, #tpu.memory_space<hbm>> -> memref<4x2x1024xf32, #tpu.memory_space<hbm>>
    tpu.enqueue_dma source(%dma_start3A_33 : memref<4x2x1024xf32, #tpu.memory_space<hbm>>) target(%arg7 : memref<4x2x1024xf32, #tpu.memory_space<vmem>>) target_semaphore(%arg19 : memref<!tpu.dma_semaphore, #tpu.memory_space<semaphore_mem>>)
    %dma_start3A_34 = arith.constant 0 : i32
    %dma_start3A_35 = tpu.memref_slice %arg3[%add3A_27, %dma_start3A_34] : memref<8192x1024xf32, #tpu.memory_space<hbm>> -> memref<4x1024xf32, #tpu.memory_space<hbm>>
    %dma_start3A_36 = arith.constant 0 : i32
    %dma_start3A_37 = tpu.memref_slice %arg3[%add3A_27, %dma_start3A_36] : memref<8192x1024xf32, #tpu.memory_space<hbm>> -> memref<4x1024xf32, #tpu.memory_space<hbm>>
    tpu.enqueue_dma source(%dma_start3A_37 : memref<4x1024xf32, #tpu.memory_space<hbm>>) target(%arg11 : memref<4x1024xf32, #tpu.memory_space<vmem>>) target_semaphore(%arg19 : memref<!tpu.dma_semaphore, #tpu.memory_space<semaphore_mem>>)
    %add3A_38 = arith.constant 12 : i32
    %add3A_39 = arith.addi %mul3A_2, %add3A_38 : i32
    %dma_start3A_40 = arith.constant 0 : i32
    %dma_start3A_41 = arith.constant 0 : i32
    %dma_start3A_42 = tpu.memref_slice %arg2[%add3A_39, %dma_start3A_40, %dma_start3A_41] : memref<8192x2x1024xf32, #tpu.memory_space<hbm>> -> memref<4x2x1024xf32, #tpu.memory_space<hbm>>
    %dma_start3A_43 = arith.constant 0 : i32
    %dma_start3A_44 = arith.constant 0 : i32
    %dma_start3A_45 = tpu.memref_slice %arg2[%add3A_39, %dma_start3A_43, %dma_start3A_44] : memref<8192x2x1024xf32, #tpu.memory_space<hbm>> -> memref<4x2x1024xf32, #tpu.memory_space<hbm>>
    tpu.enqueue_dma source(%dma_start3A_45 : memref<4x2x1024xf32, #tpu.memory_space<hbm>>) target(%arg8 : memref<4x2x1024xf32, #tpu.memory_space<vmem>>) target_semaphore(%arg20 : memref<!tpu.dma_semaphore, #tpu.memory_space<semaphore_mem>>)
    %dma_start3A_46 = arith.constant 0 : i32
    %dma_start3A_47 = tpu.memref_slice %arg3[%add3A_39, %dma_start3A_46] : memref<8192x1024xf32, #tpu.memory_space<hbm>> -> memref<4x1024xf32, #tpu.memory_space<hbm>>
    %dma_start3A_48 = arith.constant 0 : i32
    %dma_start3A_49 = tpu.memref_slice %arg3[%add3A_39, %dma_start3A_48] : memref<8192x1024xf32, #tpu.memory_space<hbm>> -> memref<4x1024xf32, #tpu.memory_space<hbm>>
    tpu.enqueue_dma source(%dma_start3A_49 : memref<4x1024xf32, #tpu.memory_space<hbm>>) target(%arg12 : memref<4x1024xf32, #tpu.memory_space<vmem>>) target_semaphore(%arg20 : memref<!tpu.dma_semaphore, #tpu.memory_space<semaphore_mem>>)
    %scan3A = arith.constant 0 : i32
    %scan3A_50 = arith.constant 0 : i32
    %scan3A_51 = arith.constant 16 : i32
    %scan3A_52 = arith.addi %scan3A_50, %scan3A_51 : i32
    %scan3A_53 = arith.constant 1 : i32
    %scan3A_54 = scf.for %scan3A_79 = %scan3A_50 to %scan3A_52 step %scan3A_53 iter_args(%scan3A_80 = %scan3A) -> (i32)  : i32 {
      %mul3A_81 = arith.constant 4 : i32
      %mul3A_82 = arith.muli %mul3A_81, %scan3A_79 : i32
      %add3A_83 = arith.constant 0 : i32
      %add3A_84 = arith.addi %mul3A_82, %add3A_83 : i32
      %dma_wait3A_85 = arith.constant 0 : i32
      %dma_wait3A_86 = arith.constant 0 : i32
      %dma_wait3A_87 = tpu.memref_slice %arg2[%mul3A_2, %dma_wait3A_85, %dma_wait3A_86] : memref<8192x2x1024xf32, #tpu.memory_space<hbm>> -> memref<4x2x1024xf32, #tpu.memory_space<hbm>>
      %dma_wait3A_88 = arith.constant 0 : i32
      %dma_wait3A_89 = arith.constant 0 : i32
      %dma_wait3A_90 = tpu.memref_slice %arg2[%mul3A_2, %dma_wait3A_88, %dma_wait3A_89] : memref<8192x2x1024xf32, #tpu.memory_space<hbm>> -> memref<4x2x1024xf32, #tpu.memory_space<hbm>>
      tpu.wait_dma2 semaphore(%arg17 : memref<!tpu.dma_semaphore, #tpu.memory_space<semaphore_mem>>) src(%dma_wait3A_90 : memref<4x2x1024xf32, #tpu.memory_space<hbm>>) dst(%arg5 : memref<4x2x1024xf32, #tpu.memory_space<vmem>>)
      %dma_wait3A_91 = arith.constant 0 : i32
      %dma_wait3A_92 = tpu.memref_slice %arg3[%mul3A_2, %dma_wait3A_91] : memref<8192x1024xf32, #tpu.memory_space<hbm>> -> memref<4x1024xf32, #tpu.memory_space<hbm>>
      %dma_wait3A_93 = arith.constant 0 : i32
      %dma_wait3A_94 = tpu.memref_slice %arg3[%mul3A_2, %dma_wait3A_93] : memref<8192x1024xf32, #tpu.memory_space<hbm>> -> memref<4x1024xf32, #tpu.memory_space<hbm>>
      tpu.wait_dma2 semaphore(%arg17 : memref<!tpu.dma_semaphore, #tpu.memory_space<semaphore_mem>>) src(%dma_wait3A_94 : memref<4x1024xf32, #tpu.memory_space<hbm>>) dst(%arg9 : memref<4x1024xf32, #tpu.memory_space<vmem>>)
      %ge3A = arith.constant 4 : i32
      %ge3A_95 = arith.cmpi sge, %add3A_84, %ge3A : i32
      %convert_element_type3A = arith.extui %ge3A_95 : i1 to i32
      %cond3A = arith.constant 0 : i32
      %cond3A_96 = arith.cmpi ne, %convert_element_type3A, %cond3A : i32
      scf.if %cond3A_96 {
        %dma_wait3A_229 = arith.constant 0 : i32
        %dma_wait3A_230 = arith.constant 0 : i32
        %dma_wait3A_231 = tpu.memref_slice %arg4[%mul3A_2, %dma_wait3A_229, %dma_wait3A_230] : memref<8192x2x1024xf32, #tpu.memory_space<hbm>> -> memref<4x2x1024xf32, #tpu.memory_space<hbm>>
        %dma_wait3A_232 = arith.constant 0 : i32
        %dma_wait3A_233 = arith.constant 0 : i32
        %dma_wait3A_234 = tpu.memref_slice %arg4[%mul3A_2, %dma_wait3A_232, %dma_wait3A_233] : memref<8192x2x1024xf32, #tpu.memory_space<hbm>> -> memref<4x2x1024xf32, #tpu.memory_space<hbm>>
        tpu.wait_dma2 semaphore(%arg21 : memref<!tpu.dma_semaphore, #tpu.memory_space<semaphore_mem>>) src(%arg13 : memref<4x2x1024xf32, #tpu.memory_space<vmem>>) dst(%dma_wait3A_234 : memref<4x2x1024xf32, #tpu.memory_space<hbm>>)
      } else {
      }
      %parallel_loop3A = arith.constant 0 : i32
      %parallel_loop3A_97 = arith.constant 64 : i32
      %parallel_loop3A_98 = arith.constant 1 : i32
      scf.for %parallel_loop3A_229 = %parallel_loop3A to %parallel_loop3A_97 step %parallel_loop3A_98  : i32 {
        %parallel_loop3A_230 = arith.constant 16 : i32
        %parallel_loop3A_231 = arith.muli %parallel_loop3A_229, %parallel_loop3A_230 : i32
        %parallel_loop3A_232 = arith.constant 0 : i32
        %parallel_loop3A_233 = arith.index_cast %parallel_loop3A_232 : i32 to index
        %parallel_loop3A_234 = arith.index_cast %parallel_loop3A_231 : i32 to index
        %parallel_loop3A_235 = tpu.vector_load %arg9[%parallel_loop3A_233, %parallel_loop3A_234] {strides = array<i32>} : memref<4x1024xf32, #tpu.memory_space<vmem>>, vector<1x16xf32>,
        %parallel_loop3A_236 = vector.shape_cast %parallel_loop3A_235 : vector<1x16xf32> to vector<16xf32>
        %parallel_loop3A_237 = arith.constant 0 : i32
        %parallel_loop3A_238 = arith.constant 0 : i32
        %parallel_loop3A_239 = arith.index_cast %parallel_loop3A_237 : i32 to index
        %parallel_loop3A_240 = arith.index_cast %parallel_loop3A_238 : i32 to index
        %parallel_loop3A_241 = arith.index_cast %parallel_loop3A_231 : i32 to index
        %parallel_loop3A_242 = tpu.vector_load %arg5[%parallel_loop3A_239, %parallel_loop3A_240, %parallel_loop3A_241] {strides = array<i32>} : memref<4x2x1024xf32, #tpu.memory_space<vmem>>, vector<1x1x16xf32>,
        %parallel_loop3A_243 = vector.shape_cast %parallel_loop3A_242 : vector<1x1x16xf32> to vector<16xf32>
        %parallel_loop3A_244 = arith.addf %parallel_loop3A_243, %parallel_loop3A_236 : vector<16xf32>
        %parallel_loop3A_245 = arith.constant 0 : i32
        %parallel_loop3A_246 = arith.constant 0 : i32
        %parallel_loop3A_247 = arith.index_cast %parallel_loop3A_245 : i32 to index
        %parallel_loop3A_248 = arith.index_cast %parallel_loop3A_246 : i32 to index
        %parallel_loop3A_249 = arith.index_cast %parallel_loop3A_231 : i32 to index
        %parallel_loop3A_250 = tpu.vector_load %arg13[%parallel_loop3A_247, %parallel_loop3A_248, %parallel_loop3A_249] {strides = array<i32>} : memref<4x2x1024xf32, #tpu.memory_space<vmem>>, vector<1x1x16xf32>,
        %parallel_loop3A_251 = vector.shape_cast %parallel_loop3A_250 : vector<1x1x16xf32> to vector<16xf32>
        %parallel_loop3A_252 = vector.shape_cast %parallel_loop3A_244 : vector<16xf32> to vector<1x1x16xf32>
        tpu.vector_store %arg13[%parallel_loop3A_247, %parallel_loop3A_248, %parallel_loop3A_249], %parallel_loop3A_252 {strides = array<i32>} : memref<4x2x1024xf32, #tpu.memory_space<vmem>>, vector<1x1x16xf32>,
        %parallel_loop3A_253 = arith.constant 0 : i32
        %parallel_loop3A_254 = arith.constant 1 : i32
        %parallel_loop3A_255 = arith.index_cast %parallel_loop3A_253 : i32 to index
        %parallel_loop3A_256 = arith.index_cast %parallel_loop3A_254 : i32 to index
        %parallel_loop3A_257 = arith.index_cast %parallel_loop3A_231 : i32 to index
        %parallel_loop3A_258 = tpu.vector_load %arg5[%parallel_loop3A_255, %parallel_loop3A_256, %parallel_loop3A_257] {strides = array<i32>} : memref<4x2x1024xf32, #tpu.memory_space<vmem>>, vector<1x1x16xf32>,
        %parallel_loop3A_259 = vector.shape_cast %parallel_loop3A_258 : vector<1x1x16xf32> to vector<16xf32>
        %parallel_loop3A_260 = arith.addf %parallel_loop3A_259, %parallel_loop3A_236 : vector<16xf32>
        %parallel_loop3A_261 = arith.constant 0 : i32
        %parallel_loop3A_262 = arith.constant 1 : i32
        %parallel_loop3A_263 = arith.index_cast %parallel_loop3A_261 : i32 to index
        %parallel_loop3A_264 = arith.index_cast %parallel_loop3A_262 : i32 to index
        %parallel_loop3A_265 = arith.index_cast %parallel_loop3A_231 : i32 to index
        %parallel_loop3A_266 = tpu.vector_load %arg13[%parallel_loop3A_263, %parallel_loop3A_264, %parallel_loop3A_265] {strides = array<i32>} : memref<4x2x1024xf32, #tpu.memory_space<vmem>>, vector<1x1x16xf32>,
        %parallel_loop3A_267 = vector.shape_cast %parallel_loop3A_266 : vector<1x1x16xf32> to vector<16xf32>
        %parallel_loop3A_268 = vector.shape_cast %parallel_loop3A_260 : vector<16xf32> to vector<1x1x16xf32>
        tpu.vector_store %arg13[%parallel_loop3A_263, %parallel_loop3A_264, %parallel_loop3A_265], %parallel_loop3A_268 {strides = array<i32>} : memref<4x2x1024xf32, #tpu.memory_space<vmem>>, vector<1x1x16xf32>,
        %parallel_loop3A_269 = arith.constant 1 : i32
        %parallel_loop3A_270 = arith.index_cast %parallel_loop3A_269 : i32 to index
        %parallel_loop3A_271 = arith.index_cast %parallel_loop3A_231 : i32 to index
        %parallel_loop3A_272 = tpu.vector_load %arg9[%parallel_loop3A_270, %parallel_loop3A_271] {strides = array<i32>} : memref<4x1024xf32, #tpu.memory_space<vmem>>, vector<1x16xf32>,
        %parallel_loop3A_273 = vector.shape_cast %parallel_loop3A_272 : vector<1x16xf32> to vector<16xf32>
        %parallel_loop3A_274 = arith.constant 1 : i32
        %parallel_loop3A_275 = arith.constant 0 : i32
        %parallel_loop3A_276 = arith.index_cast %parallel_loop3A_274 : i32 to index
        %parallel_loop3A_277 = arith.index_cast %parallel_loop3A_275 : i32 to index
        %parallel_loop3A_278 = arith.index_cast %parallel_loop3A_231 : i32 to index
        %parallel_loop3A_279 = tpu.vector_load %arg5[%parallel_loop3A_276, %parallel_loop3A_277, %parallel_loop3A_278] {strides = array<i32>} : memref<4x2x1024xf32, #tpu.memory_space<vmem>>, vector<1x1x16xf32>,
        %parallel_loop3A_280 = vector.shape_cast %parallel_loop3A_279 : vector<1x1x16xf32> to vector<16xf32>
        %parallel_loop3A_281 = arith.addf %parallel_loop3A_280, %parallel_loop3A_273 : vector<16xf32>
        %parallel_loop3A_282 = arith.constant 1 : i32
        %parallel_loop3A_283 = arith.constant 0 : i32
        %parallel_loop3A_284 = arith.index_cast %parallel_loop3A_282 : i32 to index
        %parallel_loop3A_285 = arith.index_cast %parallel_loop3A_283 : i32 to index
        %parallel_loop3A_286 = arith.index_cast %parallel_loop3A_231 : i32 to index
        %parallel_loop3A_287 = tpu.vector_load %arg13[%parallel_loop3A_284, %parallel_loop3A_285, %parallel_loop3A_286] {strides = array<i32>} : memref<4x2x1024xf32, #tpu.memory_space<vmem>>, vector<1x1x16xf32>,
        %parallel_loop3A_288 = vector.shape_cast %parallel_loop3A_287 : vector<1x1x16xf32> to vector<16xf32>
        %parallel_loop3A_289 = vector.shape_cast %parallel_loop3A_281 : vector<16xf32> to vector<1x1x16xf32>
        tpu.vector_store %arg13[%parallel_loop3A_284, %parallel_loop3A_285, %parallel_loop3A_286], %parallel_loop3A_289 {strides = array<i32>} : memref<4x2x1024xf32, #tpu.memory_space<vmem>>, vector<1x1x16xf32>,
        %parallel_loop3A_290 = arith.constant 1 : i32
        %parallel_loop3A_291 = arith.constant 1 : i32
        %parallel_loop3A_292 = arith.index_cast %parallel_loop3A_290 : i32 to index
        %parallel_loop3A_293 = arith.index_cast %parallel_loop3A_291 : i32 to index
        %parallel_loop3A_294 = arith.index_cast %parallel_loop3A_231 : i32 to index
        %parallel_loop3A_295 = tpu.vector_load %arg5[%parallel_loop3A_292, %parallel_loop3A_293, %parallel_loop3A_294] {strides = array<i32>} : memref<4x2x1024xf32, #tpu.memory_space<vmem>>, vector<1x1x16xf32>,
        %parallel_loop3A_296 = vector.shape_cast %parallel_loop3A_295 : vector<1x1x16xf32> to vector<16xf32>
        %parallel_loop3A_297 = arith.addf %parallel_loop3A_296, %parallel_loop3A_273 : vector<16xf32>
        %parallel_loop3A_298 = arith.constant 1 : i32
        %parallel_loop3A_299 = arith.constant 1 : i32
        %parallel_loop3A_300 = arith.index_cast %parallel_loop3A_298 : i32 to index
        %parallel_loop3A_301 = arith.index_cast %parallel_loop3A_299 : i32 to index
        %parallel_loop3A_302 = arith.index_cast %parallel_loop3A_231 : i32 to index
        %parallel_loop3A_303 = tpu.vector_load %arg13[%parallel_loop3A_300, %parallel_loop3A_301, %parallel_loop3A_302] {strides = array<i32>} : memref<4x2x1024xf32, #tpu.memory_space<vmem>>, vector<1x1x16xf32>,
        %parallel_loop3A_304 = vector.shape_cast %parallel_loop3A_303 : vector<1x1x16xf32> to vector<16xf32>
        %parallel_loop3A_305 = vector.shape_cast %parallel_loop3A_297 : vector<16xf32> to vector<1x1x16xf32>
        tpu.vector_store %arg13[%parallel_loop3A_300, %parallel_loop3A_301, %parallel_loop3A_302], %parallel_loop3A_305 {strides = array<i32>} : memref<4x2x1024xf32, #tpu.memory_space<vmem>>, vector<1x1x16xf32>,
        %parallel_loop3A_306 = arith.constant 2 : i32
        %parallel_loop3A_307 = arith.index_cast %parallel_loop3A_306 : i32 to index
        %parallel_loop3A_308 = arith.index_cast %parallel_loop3A_231 : i32 to index
        %parallel_loop3A_309 = tpu.vector_load %arg9[%parallel_loop3A_307, %parallel_loop3A_308] {strides = array<i32>} : memref<4x1024xf32, #tpu.memory_space<vmem>>, vector<1x16xf32>,
        %parallel_loop3A_310 = vector.shape_cast %parallel_loop3A_309 : vector<1x16xf32> to vector<16xf32>
        %parallel_loop3A_311 = arith.constant 2 : i32
        %parallel_loop3A_312 = arith.constant 0 : i32
        %parallel_loop3A_313 = arith.index_cast %parallel_loop3A_311 : i32 to index
        %parallel_loop3A_314 = arith.index_cast %parallel_loop3A_312 : i32 to index
        %parallel_loop3A_315 = arith.index_cast %parallel_loop3A_231 : i32 to index
        %parallel_loop3A_316 = tpu.vector_load %arg5[%parallel_loop3A_313, %parallel_loop3A_314, %parallel_loop3A_315] {strides = array<i32>} : memref<4x2x1024xf32, #tpu.memory_space<vmem>>, vector<1x1x16xf32>,
        %parallel_loop3A_317 = vector.shape_cast %parallel_loop3A_316 : vector<1x1x16xf32> to vector<16xf32>
        %parallel_loop3A_318 = arith.addf %parallel_loop3A_317, %parallel_loop3A_310 : vector<16xf32>
        %parallel_loop3A_319 = arith.constant 2 : i32
        %parallel_loop3A_320 = arith.constant 0 : i32
        %parallel_loop3A_321 = arith.index_cast %parallel_loop3A_319 : i32 to index
        %parallel_loop3A_322 = arith.index_cast %parallel_loop3A_320 : i32 to index
        %parallel_loop3A_323 = arith.index_cast %parallel_loop3A_231 : i32 to index
        %parallel_loop3A_324 = tpu.vector_load %arg13[%parallel_loop3A_321, %parallel_loop3A_322, %parallel_loop3A_323] {strides = array<i32>} : memref<4x2x1024xf32, #tpu.memory_space<vmem>>, vector<1x1x16xf32>,
        %parallel_loop3A_325 = vector.shape_cast %parallel_loop3A_324 : vector<1x1x16xf32> to vector<16xf32>
        %parallel_loop3A_326 = vector.shape_cast %parallel_loop3A_318 : vector<16xf32> to vector<1x1x16xf32>
        tpu.vector_store %arg13[%parallel_loop3A_321, %parallel_loop3A_322, %parallel_loop3A_323], %parallel_loop3A_326 {strides = array<i32>} : memref<4x2x1024xf32, #tpu.memory_space<vmem>>, vector<1x1x16xf32>,
        %parallel_loop3A_327 = arith.constant 2 : i32
        %parallel_loop3A_328 = arith.constant 1 : i32
        %parallel_loop3A_329 = arith.index_cast %parallel_loop3A_327 : i32 to index
        %parallel_loop3A_330 = arith.index_cast %parallel_loop3A_328 : i32 to index
        %parallel_loop3A_331 = arith.index_cast %parallel_loop3A_231 : i32 to index
        %parallel_loop3A_332 = tpu.vector_load %arg5[%parallel_loop3A_329, %parallel_loop3A_330, %parallel_loop3A_331] {strides = array<i32>} : memref<4x2x1024xf32, #tpu.memory_space<vmem>>, vector<1x1x16xf32>,
        %parallel_loop3A_333 = vector.shape_cast %parallel_loop3A_332 : vector<1x1x16xf32> to vector<16xf32>
        %parallel_loop3A_334 = arith.addf %parallel_loop3A_333, %parallel_loop3A_310 : vector<16xf32>
        %parallel_loop3A_335 = arith.constant 2 : i32
        %parallel_loop3A_336 = arith.constant 1 : i32
        %parallel_loop3A_337 = arith.index_cast %parallel_loop3A_335 : i32 to index
        %parallel_loop3A_338 = arith.index_cast %parallel_loop3A_336 : i32 to index
        %parallel_loop3A_339 = arith.index_cast %parallel_loop3A_231 : i32 to index
        %parallel_loop3A_340 = tpu.vector_load %arg13[%parallel_loop3A_337, %parallel_loop3A_338, %parallel_loop3A_339] {strides = array<i32>} : memref<4x2x1024xf32, #tpu.memory_space<vmem>>, vector<1x1x16xf32>,
        %parallel_loop3A_341 = vector.shape_cast %parallel_loop3A_340 : vector<1x1x16xf32> to vector<16xf32>
        %parallel_loop3A_342 = vector.shape_cast %parallel_loop3A_334 : vector<16xf32> to vector<1x1x16xf32>
        tpu.vector_store %arg13[%parallel_loop3A_337, %parallel_loop3A_338, %parallel_loop3A_339], %parallel_loop3A_342 {strides = array<i32>} : memref<4x2x1024xf32, #tpu.memory_space<vmem>>, vector<1x1x16xf32>,
        %parallel_loop3A_343 = arith.constant 3 : i32
        %parallel_loop3A_344 = arith.index_cast %parallel_loop3A_343 : i32 to index
        %parallel_loop3A_345 = arith.index_cast %parallel_loop3A_231 : i32 to index
        %parallel_loop3A_346 = tpu.vector_load %arg9[%parallel_loop3A_344, %parallel_loop3A_345] {strides = array<i32>} : memref<4x1024xf32, #tpu.memory_space<vmem>>, vector<1x16xf32>,
        %parallel_loop3A_347 = vector.shape_cast %parallel_loop3A_346 : vector<1x16xf32> to vector<16xf32>
        %parallel_loop3A_348 = arith.constant 3 : i32
        %parallel_loop3A_349 = arith.constant 0 : i32
        %parallel_loop3A_350 = arith.index_cast %parallel_loop3A_348 : i32 to index
        %parallel_loop3A_351 = arith.index_cast %parallel_loop3A_349 : i32 to index
        %parallel_loop3A_352 = arith.index_cast %parallel_loop3A_231 : i32 to index
        %parallel_loop3A_353 = tpu.vector_load %arg5[%parallel_loop3A_350, %parallel_loop3A_351, %parallel_loop3A_352] {strides = array<i32>} : memref<4x2x1024xf32, #tpu.memory_space<vmem>>, vector<1x1x16xf32>,
        %parallel_loop3A_354 = vector.shape_cast %parallel_loop3A_353 : vector<1x1x16xf32> to vector<16xf32>
        %parallel_loop3A_355 = arith.addf %parallel_loop3A_354, %parallel_loop3A_347 : vector<16xf32>
        %parallel_loop3A_356 = arith.constant 3 : i32
        %parallel_loop3A_357 = arith.constant 0 : i32
        %parallel_loop3A_358 = arith.index_cast %parallel_loop3A_356 : i32 to index
        %parallel_loop3A_359 = arith.index_cast %parallel_loop3A_357 : i32 to index
        %parallel_loop3A_360 = arith.index_cast %parallel_loop3A_231 : i32 to index
        %parallel_loop3A_361 = tpu.vector_load %arg13[%parallel_loop3A_358, %parallel_loop3A_359, %parallel_loop3A_360] {strides = array<i32>} : memref<4x2x1024xf32, #tpu.memory_space<vmem>>, vector<1x1x16xf32>,
        %parallel_loop3A_362 = vector.shape_cast %parallel_loop3A_361 : vector<1x1x16xf32> to vector<16xf32>
        %parallel_loop3A_363 = vector.shape_cast %parallel_loop3A_355 : vector<16xf32> to vector<1x1x16xf32>
        tpu.vector_store %arg13[%parallel_loop3A_358, %parallel_loop3A_359, %parallel_loop3A_360], %parallel_loop3A_363 {strides = array<i32>} : memref<4x2x1024xf32, #tpu.memory_space<vmem>>, vector<1x1x16xf32>,
        %parallel_loop3A_364 = arith.constant 3 : i32
        %parallel_loop3A_365 = arith.constant 1 : i32
        %parallel_loop3A_366 = arith.index_cast %parallel_loop3A_364 : i32 to index
        %parallel_loop3A_367 = arith.index_cast %parallel_loop3A_365 : i32 to index
        %parallel_loop3A_368 = arith.index_cast %parallel_loop3A_231 : i32 to index
        %parallel_loop3A_369 = tpu.vector_load %arg5[%parallel_loop3A_366, %parallel_loop3A_367, %parallel_loop3A_368] {strides = array<i32>} : memref<4x2x1024xf32, #tpu.memory_space<vmem>>, vector<1x1x16xf32>,
        %parallel_loop3A_370 = vector.shape_cast %parallel_loop3A_369 : vector<1x1x16xf32> to vector<16xf32>
        %parallel_loop3A_371 = arith.addf %parallel_loop3A_370, %parallel_loop3A_347 : vector<16xf32>
        %parallel_loop3A_372 = arith.constant 3 : i32
        %parallel_loop3A_373 = arith.constant 1 : i32
        %parallel_loop3A_374 = arith.index_cast %parallel_loop3A_372 : i32 to index
        %parallel_loop3A_375 = arith.index_cast %parallel_loop3A_373 : i32 to index
        %parallel_loop3A_376 = arith.index_cast %parallel_loop3A_231 : i32 to index
        %parallel_loop3A_377 = tpu.vector_load %arg13[%parallel_loop3A_374, %parallel_loop3A_375, %parallel_loop3A_376] {strides = array<i32>} : memref<4x2x1024xf32, #tpu.memory_space<vmem>>, vector<1x1x16xf32>,
        %parallel_loop3A_378 = vector.shape_cast %parallel_loop3A_377 : vector<1x1x16xf32> to vector<16xf32>
        %parallel_loop3A_379 = vector.shape_cast %parallel_loop3A_371 : vector<16xf32> to vector<1x1x16xf32>
        tpu.vector_store %arg13[%parallel_loop3A_374, %parallel_loop3A_375, %parallel_loop3A_376], %parallel_loop3A_379 {strides = array<i32>} : memref<4x2x1024xf32, #tpu.memory_space<vmem>>, vector<1x1x16xf32>,
      } {sc.loop_unroll_factor = 8 : i64, sc.parallel_access}
      %mul3A_99 = arith.constant 4 : i32
      %mul3A_100 = arith.muli %add3A_84, %mul3A_99 : i32
      %add3A_101 = arith.addi %mul3A_2, %mul3A_100 : i32
      %dma_start3A_102 = arith.constant 0 : i32
      %dma_start3A_103 = arith.constant 0 : i32
      %dma_start3A_104 = tpu.memref_slice %arg4[%add3A_101, %dma_start3A_102, %dma_start3A_103] : memref<8192x2x1024xf32, #tpu.memory_space<hbm>> -> memref<4x2x1024xf32, #tpu.memory_space<hbm>>
      %dma_start3A_105 = arith.constant 0 : i32
      %dma_start3A_106 = arith.constant 0 : i32
      %dma_start3A_107 = tpu.memref_slice %arg4[%add3A_101, %dma_start3A_105, %dma_start3A_106] : memref<8192x2x1024xf32, #tpu.memory_space<hbm>> -> memref<4x2x1024xf32, #tpu.memory_space<hbm>>
      tpu.enqueue_dma source(%arg13 : memref<4x2x1024xf32, #tpu.memory_space<vmem>>) target(%dma_start3A_107 : memref<4x2x1024xf32, #tpu.memory_space<hbm>>) target_semaphore(%arg21 : memref<!tpu.dma_semaphore, #tpu.memory_space<semaphore_mem>>)
      %add3A_108 = arith.constant 4 : i32
      %add3A_109 = arith.addi %add3A_84, %add3A_108 : i32
      %lt3A = arith.constant 64 : i32
      %lt3A_110 = arith.cmpi slt, %add3A_109, %lt3A : i32
      %convert_element_type3A_111 = arith.extui %lt3A_110 : i1 to i32
      %cond3A_112 = arith.constant 0 : i32
      %cond3A_113 = arith.cmpi ne, %convert_element_type3A_111, %cond3A_112 : i32
      scf.if %cond3A_113 {
        %add3A_229 = arith.constant 4 : i32
        %add3A_230 = arith.addi %add3A_84, %add3A_229 : i32
        %mul3A_231 = arith.constant 4 : i32
        %mul3A_232 = arith.muli %add3A_230, %mul3A_231 : i32
        %add3A_233 = arith.addi %mul3A_2, %mul3A_232 : i32
        %dma_start3A_234 = arith.constant 0 : i32
        %dma_start3A_235 = arith.constant 0 : i32
        %dma_start3A_236 = tpu.memref_slice %arg2[%add3A_233, %dma_start3A_234, %dma_start3A_235] : memref<8192x2x1024xf32, #tpu.memory_space<hbm>> -> memref<4x2x1024xf32, #tpu.memory_space<hbm>>
        %dma_start3A_237 = arith.constant 0 : i32
        %dma_start3A_238 = arith.constant 0 : i32
        %dma_start3A_239 = tpu.memref_slice %arg2[%add3A_233, %dma_start3A_237, %dma_start3A_238] : memref<8192x2x1024xf32, #tpu.memory_space<hbm>> -> memref<4x2x1024xf32, #tpu.memory_space<hbm>>
        tpu.enqueue_dma source(%dma_start3A_239 : memref<4x2x1024xf32, #tpu.memory_space<hbm>>) target(%arg5 : memref<4x2x1024xf32, #tpu.memory_space<vmem>>) target_semaphore(%arg17 : memref<!tpu.dma_semaphore, #tpu.memory_space<semaphore_mem>>)
        %dma_start3A_240 = arith.constant 0 : i32
        %dma_start3A_241 = tpu.memref_slice %arg3[%add3A_233, %dma_start3A_240] : memref<8192x1024xf32, #tpu.memory_space<hbm>> -> memref<4x1024xf32, #tpu.memory_space<hbm>>
        %dma_start3A_242 = arith.constant 0 : i32
        %dma_start3A_243 = tpu.memref_slice %arg3[%add3A_233, %dma_start3A_242] : memref<8192x1024xf32, #tpu.memory_space<hbm>> -> memref<4x1024xf32, #tpu.memory_space<hbm>>
        tpu.enqueue_dma source(%dma_start3A_243 : memref<4x1024xf32, #tpu.memory_space<hbm>>) target(%arg9 : memref<4x1024xf32, #tpu.memory_space<vmem>>) target_semaphore(%arg17 : memref<!tpu.dma_semaphore, #tpu.memory_space<semaphore_mem>>)
      } else {
      }
      %mul3A_114 = arith.constant 4 : i32
      %mul3A_115 = arith.muli %mul3A_114, %scan3A_79 : i32
      %add3A_116 = arith.constant 1 : i32
      %add3A_117 = arith.addi %mul3A_115, %add3A_116 : i32
      %dma_wait3A_118 = arith.constant 0 : i32
      %dma_wait3A_119 = arith.constant 0 : i32
      %dma_wait3A_120 = tpu.memref_slice %arg2[%mul3A_2, %dma_wait3A_118, %dma_wait3A_119] : memref<8192x2x1024xf32, #tpu.memory_space<hbm>> -> memref<4x2x1024xf32, #tpu.memory_space<hbm>>
      %dma_wait3A_121 = arith.constant 0 : i32
      %dma_wait3A_122 = arith.constant 0 : i32
      %dma_wait3A_123 = tpu.memref_slice %arg2[%mul3A_2, %dma_wait3A_121, %dma_wait3A_122] : memref<8192x2x1024xf32, #tpu.memory_space<hbm>> -> memref<4x2x1024xf32, #tpu.memory_space<hbm>>
      tpu.wait_dma2 semaphore(%arg18 : memref<!tpu.dma_semaphore, #tpu.memory_space<semaphore_mem>>) src(%dma_wait3A_123 : memref<4x2x1024xf32, #tpu.memory_space<hbm>>) dst(%arg6 : memref<4x2x1024xf32, #tpu.memory_space<vmem>>)
      %dma_wait3A_124 = arith.constant 0 : i32
      %dma_wait3A_125 = tpu.memref_slice %arg3[%mul3A_2, %dma_wait3A_124] : memref<8192x1024xf32, #tpu.memory_space<hbm>> -> memref<4x1024xf32, #tpu.memory_space<hbm>>
      %dma_wait3A_126 = arith.constant 0 : i32
      %dma_wait3A_127 = tpu.memref_slice %arg3[%mul3A_2, %dma_wait3A_126] : memref<8192x1024xf32, #tpu.memory_space<hbm>> -> memref<4x1024xf32, #tpu.memory_space<hbm>>
      tpu.wait_dma2 semaphore(%arg18 : memref<!tpu.dma_semaphore, #tpu.memory_space<semaphore_mem>>) src(%dma_wait3A_127 : memref<4x1024xf32, #tpu.memory_space<hbm>>) dst(%arg10 : memref<4x1024xf32, #tpu.memory_space<vmem>>)
      %ge3A_128 = arith.constant 4 : i32
      %ge3A_129 = arith.cmpi sge, %add3A_117, %ge3A_128 : i32
      %convert_element_type3A_130 = arith.extui %ge3A_129 : i1 to i32
      %cond3A_131 = arith.constant 0 : i32
      %cond3A_132 = arith.cmpi ne, %convert_element_type3A_130, %cond3A_131 : i32
      scf.if %cond3A_132 {
        %dma_wait3A_229 = arith.constant 0 : i32
        %dma_wait3A_230 = arith.constant 0 : i32
        %dma_wait3A_231 = tpu.memref_slice %arg4[%mul3A_2, %dma_wait3A_229, %dma_wait3A_230] : memref<8192x2x1024xf32, #tpu.memory_space<hbm>> -> memref<4x2x1024xf32, #tpu.memory_space<hbm>>
        %dma_wait3A_232 = arith.constant 0 : i32
        %dma_wait3A_233 = arith.constant 0 : i32
        %dma_wait3A_234 = tpu.memref_slice %arg4[%mul3A_2, %dma_wait3A_232, %dma_wait3A_233] : memref<8192x2x1024xf32, #tpu.memory_space<hbm>> -> memref<4x2x1024xf32, #tpu.memory_space<hbm>>
        tpu.wait_dma2 semaphore(%arg22 : memref<!tpu.dma_semaphore, #tpu.memory_space<semaphore_mem>>) src(%arg14 : memref<4x2x1024xf32, #tpu.memory_space<vmem>>) dst(%dma_wait3A_234 : memref<4x2x1024xf32, #tpu.memory_space<hbm>>)
      } else {
      }
      %parallel_loop3A_133 = arith.constant 0 : i32
      %parallel_loop3A_134 = arith.constant 64 : i32
      %parallel_loop3A_135 = arith.constant 1 : i32
      scf.for %parallel_loop3A_229 = %parallel_loop3A_133 to %parallel_loop3A_134 step %parallel_loop3A_135  : i32 {
        %parallel_loop3A_230 = arith.constant 16 : i32
        %parallel_loop3A_231 = arith.muli %parallel_loop3A_229, %parallel_loop3A_230 : i32
        %parallel_loop3A_232 = arith.constant 0 : i32
        %parallel_loop3A_233 = arith.index_cast %parallel_loop3A_232 : i32 to index
        %parallel_loop3A_234 = arith.index_cast %parallel_loop3A_231 : i32 to index
        %parallel_loop3A_235 = tpu.vector_load %arg10[%parallel_loop3A_233, %parallel_loop3A_234] {strides = array<i32>} : memref<4x1024xf32, #tpu.memory_space<vmem>>, vector<1x16xf32>,
        %parallel_loop3A_236 = vector.shape_cast %parallel_loop3A_235 : vector<1x16xf32> to vector<16xf32>
        %parallel_loop3A_237 = arith.constant 0 : i32
        %parallel_loop3A_238 = arith.constant 0 : i32
        %parallel_loop3A_239 = arith.index_cast %parallel_loop3A_237 : i32 to index
        %parallel_loop3A_240 = arith.index_cast %parallel_loop3A_238 : i32 to index
        %parallel_loop3A_241 = arith.index_cast %parallel_loop3A_231 : i32 to index
        %parallel_loop3A_242 = tpu.vector_load %arg6[%parallel_loop3A_239, %parallel_loop3A_240, %parallel_loop3A_241] {strides = array<i32>} : memref<4x2x1024xf32, #tpu.memory_space<vmem>>, vector<1x1x16xf32>,
        %parallel_loop3A_243 = vector.shape_cast %parallel_loop3A_242 : vector<1x1x16xf32> to vector<16xf32>
        %parallel_loop3A_244 = arith.addf %parallel_loop3A_243, %parallel_loop3A_236 : vector<16xf32>
        %parallel_loop3A_245 = arith.constant 0 : i32
        %parallel_loop3A_246 = arith.constant 0 : i32
        %parallel_loop3A_247 = arith.index_cast %parallel_loop3A_245 : i32 to index
        %parallel_loop3A_248 = arith.index_cast %parallel_loop3A_246 : i32 to index
        %parallel_loop3A_249 = arith.index_cast %parallel_loop3A_231 : i32 to index
        %parallel_loop3A_250 = tpu.vector_load %arg14[%parallel_loop3A_247, %parallel_loop3A_248, %parallel_loop3A_249] {strides = array<i32>} : memref<4x2x1024xf32, #tpu.memory_space<vmem>>, vector<1x1x16xf32>,
        %parallel_loop3A_251 = vector.shape_cast %parallel_loop3A_250 : vector<1x1x16xf32> to vector<16xf32>
        %parallel_loop3A_252 = vector.shape_cast %parallel_loop3A_244 : vector<16xf32> to vector<1x1x16xf32>
        tpu.vector_store %arg14[%parallel_loop3A_247, %parallel_loop3A_248, %parallel_loop3A_249], %parallel_loop3A_252 {strides = array<i32>} : memref<4x2x1024xf32, #tpu.memory_space<vmem>>, vector<1x1x16xf32>,
        %parallel_loop3A_253 = arith.constant 0 : i32
        %parallel_loop3A_254 = arith.constant 1 : i32
        %parallel_loop3A_255 = arith.index_cast %parallel_loop3A_253 : i32 to index
        %parallel_loop3A_256 = arith.index_cast %parallel_loop3A_254 : i32 to index
        %parallel_loop3A_257 = arith.index_cast %parallel_loop3A_231 : i32 to index
        %parallel_loop3A_258 = tpu.vector_load %arg6[%parallel_loop3A_255, %parallel_loop3A_256, %parallel_loop3A_257] {strides = array<i32>} : memref<4x2x1024xf32, #tpu.memory_space<vmem>>, vector<1x1x16xf32>,
        %parallel_loop3A_259 = vector.shape_cast %parallel_loop3A_258 : vector<1x1x16xf32> to vector<16xf32>
        %parallel_loop3A_260 = arith.addf %parallel_loop3A_259, %parallel_loop3A_236 : vector<16xf32>
        %parallel_loop3A_261 = arith.constant 0 : i32
        %parallel_loop3A_262 = arith.constant 1 : i32
        %parallel_loop3A_263 = arith.index_cast %parallel_loop3A_261 : i32 to index
        %parallel_loop3A_264 = arith.index_cast %parallel_loop3A_262 : i32 to index
        %parallel_loop3A_265 = arith.index_cast %parallel_loop3A_231 : i32 to index
        %parallel_loop3A_266 = tpu.vector_load %arg14[%parallel_loop3A_263, %parallel_loop3A_264, %parallel_loop3A_265] {strides = array<i32>} : memref<4x2x1024xf32, #tpu.memory_space<vmem>>, vector<1x1x16xf32>,
        %parallel_loop3A_267 = vector.shape_cast %parallel_loop3A_266 : vector<1x1x16xf32> to vector<16xf32>
        %parallel_loop3A_268 = vector.shape_cast %parallel_loop3A_260 : vector<16xf32> to vector<1x1x16xf32>
        tpu.vector_store %arg14[%parallel_loop3A_263, %parallel_loop3A_264, %parallel_loop3A_265], %parallel_loop3A_268 {strides = array<i32>} : memref<4x2x1024xf32, #tpu.memory_space<vmem>>, vector<1x1x16xf32>,
        %parallel_loop3A_269 = arith.constant 1 : i32
        %parallel_loop3A_270 = arith.index_cast %parallel_loop3A_269 : i32 to index
        %parallel_loop3A_271 = arith.index_cast %parallel_loop3A_231 : i32 to index
        %parallel_loop3A_272 = tpu.vector_load %arg10[%parallel_loop3A_270, %parallel_loop3A_271] {strides = array<i32>} : memref<4x1024xf32, #tpu.memory_space<vmem>>, vector<1x16xf32>,
        %parallel_loop3A_273 = vector.shape_cast %parallel_loop3A_272 : vector<1x16xf32> to vector<16xf32>
        %parallel_loop3A_274 = arith.constant 1 : i32
        %parallel_loop3A_275 = arith.constant 0 : i32
        %parallel_loop3A_276 = arith.index_cast %parallel_loop3A_274 : i32 to index
        %parallel_loop3A_277 = arith.index_cast %parallel_loop3A_275 : i32 to index
        %parallel_loop3A_278 = arith.index_cast %parallel_loop3A_231 : i32 to index
        %parallel_loop3A_279 = tpu.vector_load %arg6[%parallel_loop3A_276, %parallel_loop3A_277, %parallel_loop3A_278] {strides = array<i32>} : memref<4x2x1024xf32, #tpu.memory_space<vmem>>, vector<1x1x16xf32>,
        %parallel_loop3A_280 = vector.shape_cast %parallel_loop3A_279 : vector<1x1x16xf32> to vector<16xf32>
        %parallel_loop3A_281 = arith.addf %parallel_loop3A_280, %parallel_loop3A_273 : vector<16xf32>
        %parallel_loop3A_282 = arith.constant 1 : i32
        %parallel_loop3A_283 = arith.constant 0 : i32
        %parallel_loop3A_284 = arith.index_cast %parallel_loop3A_282 : i32 to index
        %parallel_loop3A_285 = arith.index_cast %parallel_loop3A_283 : i32 to index
        %parallel_loop3A_286 = arith.index_cast %parallel_loop3A_231 : i32 to index
        %parallel_loop3A_287 = tpu.vector_load %arg14[%parallel_loop3A_284, %parallel_loop3A_285, %parallel_loop3A_286] {strides = array<i32>} : memref<4x2x1024xf32, #tpu.memory_space<vmem>>, vector<1x1x16xf32>,
        %parallel_loop3A_288 = vector.shape_cast %parallel_loop3A_287 : vector<1x1x16xf32> to vector<16xf32>
        %parallel_loop3A_289 = vector.shape_cast %parallel_loop3A_281 : vector<16xf32> to vector<1x1x16xf32>
        tpu.vector_store %arg14[%parallel_loop3A_284, %parallel_loop3A_285, %parallel_loop3A_286], %parallel_loop3A_289 {strides = array<i32>} : memref<4x2x1024xf32, #tpu.memory_space<vmem>>, vector<1x1x16xf32>,
        %parallel_loop3A_290 = arith.constant 1 : i32
        %parallel_loop3A_291 = arith.constant 1 : i32
        %parallel_loop3A_292 = arith.index_cast %parallel_loop3A_290 : i32 to index
        %parallel_loop3A_293 = arith.index_cast %parallel_loop3A_291 : i32 to index
        %parallel_loop3A_294 = arith.index_cast %parallel_loop3A_231 : i32 to index
        %parallel_loop3A_295 = tpu.vector_load %arg6[%parallel_loop3A_292, %parallel_loop3A_293, %parallel_loop3A_294] {strides = array<i32>} : memref<4x2x1024xf32, #tpu.memory_space<vmem>>, vector<1x1x16xf32>,
        %parallel_loop3A_296 = vector.shape_cast %parallel_loop3A_295 : vector<1x1x16xf32> to vector<16xf32>
        %parallel_loop3A_297 = arith.addf %parallel_loop3A_296, %parallel_loop3A_273 : vector<16xf32>
        %parallel_loop3A_298 = arith.constant 1 : i32
        %parallel_loop3A_299 = arith.constant 1 : i32
        %parallel_loop3A_300 = arith.index_cast %parallel_loop3A_298 : i32 to index
        %parallel_loop3A_301 = arith.index_cast %parallel_loop3A_299 : i32 to index
        %parallel_loop3A_302 = arith.index_cast %parallel_loop3A_231 : i32 to index
        %parallel_loop3A_303 = tpu.vector_load %arg14[%parallel_loop3A_300, %parallel_loop3A_301, %parallel_loop3A_302] {strides = array<i32>} : memref<4x2x1024xf32, #tpu.memory_space<vmem>>, vector<1x1x16xf32>,
        %parallel_loop3A_304 = vector.shape_cast %parallel_loop3A_303 : vector<1x1x16xf32> to vector<16xf32>
        %parallel_loop3A_305 = vector.shape_cast %parallel_loop3A_297 : vector<16xf32> to vector<1x1x16xf32>
        tpu.vector_store %arg14[%parallel_loop3A_300, %parallel_loop3A_301, %parallel_loop3A_302], %parallel_loop3A_305 {strides = array<i32>} : memref<4x2x1024xf32, #tpu.memory_space<vmem>>, vector<1x1x16xf32>,
        %parallel_loop3A_306 = arith.constant 2 : i32
        %parallel_loop3A_307 = arith.index_cast %parallel_loop3A_306 : i32 to index
        %parallel_loop3A_308 = arith.index_cast %parallel_loop3A_231 : i32 to index
        %parallel_loop3A_309 = tpu.vector_load %arg10[%parallel_loop3A_307, %parallel_loop3A_308] {strides = array<i32>} : memref<4x1024xf32, #tpu.memory_space<vmem>>, vector<1x16xf32>,
        %parallel_loop3A_310 = vector.shape_cast %parallel_loop3A_309 : vector<1x16xf32> to vector<16xf32>
        %parallel_loop3A_311 = arith.constant 2 : i32
        %parallel_loop3A_312 = arith.constant 0 : i32
        %parallel_loop3A_313 = arith.index_cast %parallel_loop3A_311 : i32 to index
        %parallel_loop3A_314 = arith.index_cast %parallel_loop3A_312 : i32 to index
        %parallel_loop3A_315 = arith.index_cast %parallel_loop3A_231 : i32 to index
        %parallel_loop3A_316 = tpu.vector_load %arg6[%parallel_loop3A_313, %parallel_loop3A_314, %parallel_loop3A_315] {strides = array<i32>} : memref<4x2x1024xf32, #tpu.memory_space<vmem>>, vector<1x1x16xf32>,
        %parallel_loop3A_317 = vector.shape_cast %parallel_loop3A_316 : vector<1x1x16xf32> to vector<16xf32>
        %parallel_loop3A_318 = arith.addf %parallel_loop3A_317, %parallel_loop3A_310 : vector<16xf32>
        %parallel_loop3A_319 = arith.constant 2 : i32
        %parallel_loop3A_320 = arith.constant 0 : i32
        %parallel_loop3A_321 = arith.index_cast %parallel_loop3A_319 : i32 to index
        %parallel_loop3A_322 = arith.index_cast %parallel_loop3A_320 : i32 to index
        %parallel_loop3A_323 = arith.index_cast %parallel_loop3A_231 : i32 to index
        %parallel_loop3A_324 = tpu.vector_load %arg14[%parallel_loop3A_321, %parallel_loop3A_322, %parallel_loop3A_323] {strides = array<i32>} : memref<4x2x1024xf32, #tpu.memory_space<vmem>>, vector<1x1x16xf32>,
        %parallel_loop3A_325 = vector.shape_cast %parallel_loop3A_324 : vector<1x1x16xf32> to vector<16xf32>
        %parallel_loop3A_326 = vector.shape_cast %parallel_loop3A_318 : vector<16xf32> to vector<1x1x16xf32>
        tpu.vector_store %arg14[%parallel_loop3A_321, %parallel_loop3A_322, %parallel_loop3A_323], %parallel_loop3A_326 {strides = array<i32>} : memref<4x2x1024xf32, #tpu.memory_space<vmem>>, vector<1x1x16xf32>,
        %parallel_loop3A_327 = arith.constant 2 : i32
        %parallel_loop3A_328 = arith.constant 1 : i32
        %parallel_loop3A_329 = arith.index_cast %parallel_loop3A_327 : i32 to index
        %parallel_loop3A_330 = arith.index_cast %parallel_loop3A_328 : i32 to index
        %parallel_loop3A_331 = arith.index_cast %parallel_loop3A_231 : i32 to index
        %parallel_loop3A_332 = tpu.vector_load %arg6[%parallel_loop3A_329, %parallel_loop3A_330, %parallel_loop3A_331] {strides = array<i32>} : memref<4x2x1024xf32, #tpu.memory_space<vmem>>, vector<1x1x16xf32>,
        %parallel_loop3A_333 = vector.shape_cast %parallel_loop3A_332 : vector<1x1x16xf32> to vector<16xf32>
        %parallel_loop3A_334 = arith.addf %parallel_loop3A_333, %parallel_loop3A_310 : vector<16xf32>
        %parallel_loop3A_335 = arith.constant 2 : i32
        %parallel_loop3A_336 = arith.constant 1 : i32
        %parallel_loop3A_337 = arith.index_cast %parallel_loop3A_335 : i32 to index
        %parallel_loop3A_338 = arith.index_cast %parallel_loop3A_336 : i32 to index
        %parallel_loop3A_339 = arith.index_cast %parallel_loop3A_231 : i32 to index
        %parallel_loop3A_340 = tpu.vector_load %arg14[%parallel_loop3A_337, %parallel_loop3A_338, %parallel_loop3A_339] {strides = array<i32>} : memref<4x2x1024xf32, #tpu.memory_space<vmem>>, vector<1x1x16xf32>,
        %parallel_loop3A_341 = vector.shape_cast %parallel_loop3A_340 : vector<1x1x16xf32> to vector<16xf32>
        %parallel_loop3A_342 = vector.shape_cast %parallel_loop3A_334 : vector<16xf32> to vector<1x1x16xf32>
        tpu.vector_store %arg14[%parallel_loop3A_337, %parallel_loop3A_338, %parallel_loop3A_339], %parallel_loop3A_342 {strides = array<i32>} : memref<4x2x1024xf32, #tpu.memory_space<vmem>>, vector<1x1x16xf32>,
        %parallel_loop3A_343 = arith.constant 3 : i32
        %parallel_loop3A_344 = arith.index_cast %parallel_loop3A_343 : i32 to index
        %parallel_loop3A_345 = arith.index_cast %parallel_loop3A_231 : i32 to index
        %parallel_loop3A_346 = tpu.vector_load %arg10[%parallel_loop3A_344, %parallel_loop3A_345] {strides = array<i32>} : memref<4x1024xf32, #tpu.memory_space<vmem>>, vector<1x16xf32>,
        %parallel_loop3A_347 = vector.shape_cast %parallel_loop3A_346 : vector<1x16xf32> to vector<16xf32>
        %parallel_loop3A_348 = arith.constant 3 : i32
        %parallel_loop3A_349 = arith.constant 0 : i32
        %parallel_loop3A_350 = arith.index_cast %parallel_loop3A_348 : i32 to index
        %parallel_loop3A_351 = arith.index_cast %parallel_loop3A_349 : i32 to index
        %parallel_loop3A_352 = arith.index_cast %parallel_loop3A_231 : i32 to index
        %parallel_loop3A_353 = tpu.vector_load %arg6[%parallel_loop3A_350, %parallel_loop3A_351, %parallel_loop3A_352] {strides = array<i32>} : memref<4x2x1024xf32, #tpu.memory_space<vmem>>, vector<1x1x16xf32>,
        %parallel_loop3A_354 = vector.shape_cast %parallel_loop3A_353 : vector<1x1x16xf32> to vector<16xf32>
        %parallel_loop3A_355 = arith.addf %parallel_loop3A_354, %parallel_loop3A_347 : vector<16xf32>
        %parallel_loop3A_356 = arith.constant 3 : i32
        %parallel_loop3A_357 = arith.constant 0 : i32
        %parallel_loop3A_358 = arith.index_cast %parallel_loop3A_356 : i32 to index
        %parallel_loop3A_359 = arith.index_cast %parallel_loop3A_357 : i32 to index
        %parallel_loop3A_360 = arith.index_cast %parallel_loop3A_231 : i32 to index
        %parallel_loop3A_361 = tpu.vector_load %arg14[%parallel_loop3A_358, %parallel_loop3A_359, %parallel_loop3A_360] {strides = array<i32>} : memref<4x2x1024xf32, #tpu.memory_space<vmem>>, vector<1x1x16xf32>,
        %parallel_loop3A_362 = vector.shape_cast %parallel_loop3A_361 : vector<1x1x16xf32> to vector<16xf32>
        %parallel_loop3A_363 = vector.shape_cast %parallel_loop3A_355 : vector<16xf32> to vector<1x1x16xf32>
        tpu.vector_store %arg14[%parallel_loop3A_358, %parallel_loop3A_359, %parallel_loop3A_360], %parallel_loop3A_363 {strides = array<i32>} : memref<4x2x1024xf32, #tpu.memory_space<vmem>>, vector<1x1x16xf32>,
        %parallel_loop3A_364 = arith.constant 3 : i32
        %parallel_loop3A_365 = arith.constant 1 : i32
        %parallel_loop3A_366 = arith.index_cast %parallel_loop3A_364 : i32 to index
        %parallel_loop3A_367 = arith.index_cast %parallel_loop3A_365 : i32 to index
        %parallel_loop3A_368 = arith.index_cast %parallel_loop3A_231 : i32 to index
        %parallel_loop3A_369 = tpu.vector_load %arg6[%parallel_loop3A_366, %parallel_loop3A_367, %parallel_loop3A_368] {strides = array<i32>} : memref<4x2x1024xf32, #tpu.memory_space<vmem>>, vector<1x1x16xf32>,
        %parallel_loop3A_370 = vector.shape_cast %parallel_loop3A_369 : vector<1x1x16xf32> to vector<16xf32>
        %parallel_loop3A_371 = arith.addf %parallel_loop3A_370, %parallel_loop3A_347 : vector<16xf32>
        %parallel_loop3A_372 = arith.constant 3 : i32
        %parallel_loop3A_373 = arith.constant 1 : i32
        %parallel_loop3A_374 = arith.index_cast %parallel_loop3A_372 : i32 to index
        %parallel_loop3A_375 = arith.index_cast %parallel_loop3A_373 : i32 to index
        %parallel_loop3A_376 = arith.index_cast %parallel_loop3A_231 : i32 to index
        %parallel_loop3A_377 = tpu.vector_load %arg14[%parallel_loop3A_374, %parallel_loop3A_375, %parallel_loop3A_376] {strides = array<i32>} : memref<4x2x1024xf32, #tpu.memory_space<vmem>>, vector<1x1x16xf32>,
        %parallel_loop3A_378 = vector.shape_cast %parallel_loop3A_377 : vector<1x1x16xf32> to vector<16xf32>
        %parallel_loop3A_379 = vector.shape_cast %parallel_loop3A_371 : vector<16xf32> to vector<1x1x16xf32>
        tpu.vector_store %arg14[%parallel_loop3A_374, %parallel_loop3A_375, %parallel_loop3A_376], %parallel_loop3A_379 {strides = array<i32>} : memref<4x2x1024xf32, #tpu.memory_space<vmem>>, vector<1x1x16xf32>,
      } {sc.loop_unroll_factor = 8 : i64, sc.parallel_access}
      %mul3A_136 = arith.constant 4 : i32
      %mul3A_137 = arith.muli %add3A_117, %mul3A_136 : i32
      %add3A_138 = arith.addi %mul3A_2, %mul3A_137 : i32
      %dma_start3A_139 = arith.constant 0 : i32
      %dma_start3A_140 = arith.constant 0 : i32
      %dma_start3A_141 = tpu.memref_slice %arg4[%add3A_138, %dma_start3A_139, %dma_start3A_140] : memref<8192x2x1024xf32, #tpu.memory_space<hbm>> -> memref<4x2x1024xf32, #tpu.memory_space<hbm>>
      %dma_start3A_142 = arith.constant 0 : i32
      %dma_start3A_143 = arith.constant 0 : i32
      %dma_start3A_144 = tpu.memref_slice %arg4[%add3A_138, %dma_start3A_142, %dma_start3A_143] : memref<8192x2x1024xf32, #tpu.memory_space<hbm>> -> memref<4x2x1024xf32, #tpu.memory_space<hbm>>
      tpu.enqueue_dma source(%arg14 : memref<4x2x1024xf32, #tpu.memory_space<vmem>>) target(%dma_start3A_144 : memref<4x2x1024xf32, #tpu.memory_space<hbm>>) target_semaphore(%arg22 : memref<!tpu.dma_semaphore, #tpu.memory_space<semaphore_mem>>)
      %add3A_145 = arith.constant 4 : i32
      %add3A_146 = arith.addi %add3A_117, %add3A_145 : i32
      %lt3A_147 = arith.constant 64 : i32
      %lt3A_148 = arith.cmpi slt, %add3A_146, %lt3A_147 : i32
      %convert_element_type3A_149 = arith.extui %lt3A_148 : i1 to i32
      %cond3A_150 = arith.constant 0 : i32
      %cond3A_151 = arith.cmpi ne, %convert_element_type3A_149, %cond3A_150 : i32
      scf.if %cond3A_151 {
        %add3A_229 = arith.constant 4 : i32
        %add3A_230 = arith.addi %add3A_117, %add3A_229 : i32
        %mul3A_231 = arith.constant 4 : i32
        %mul3A_232 = arith.muli %add3A_230, %mul3A_231 : i32
        %add3A_233 = arith.addi %mul3A_2, %mul3A_232 : i32
        %dma_start3A_234 = arith.constant 0 : i32
        %dma_start3A_235 = arith.constant 0 : i32
        %dma_start3A_236 = tpu.memref_slice %arg2[%add3A_233, %dma_start3A_234, %dma_start3A_235] : memref<8192x2x1024xf32, #tpu.memory_space<hbm>> -> memref<4x2x1024xf32, #tpu.memory_space<hbm>>
        %dma_start3A_237 = arith.constant 0 : i32
        %dma_start3A_238 = arith.constant 0 : i32
        %dma_start3A_239 = tpu.memref_slice %arg2[%add3A_233, %dma_start3A_237, %dma_start3A_238] : memref<8192x2x1024xf32, #tpu.memory_space<hbm>> -> memref<4x2x1024xf32, #tpu.memory_space<hbm>>
        tpu.enqueue_dma source(%dma_start3A_239 : memref<4x2x1024xf32, #tpu.memory_space<hbm>>) target(%arg6 : memref<4x2x1024xf32, #tpu.memory_space<vmem>>) target_semaphore(%arg18 : memref<!tpu.dma_semaphore, #tpu.memory_space<semaphore_mem>>)
        %dma_start3A_240 = arith.constant 0 : i32
        %dma_start3A_241 = tpu.memref_slice %arg3[%add3A_233, %dma_start3A_240] : memref<8192x1024xf32, #tpu.memory_space<hbm>> -> memref<4x1024xf32, #tpu.memory_space<hbm>>
        %dma_start3A_242 = arith.constant 0 : i32
        %dma_start3A_243 = tpu.memref_slice %arg3[%add3A_233, %dma_start3A_242] : memref<8192x1024xf32, #tpu.memory_space<hbm>> -> memref<4x1024xf32, #tpu.memory_space<hbm>>
        tpu.enqueue_dma source(%dma_start3A_243 : memref<4x1024xf32, #tpu.memory_space<hbm>>) target(%arg10 : memref<4x1024xf32, #tpu.memory_space<vmem>>) target_semaphore(%arg18 : memref<!tpu.dma_semaphore, #tpu.memory_space<semaphore_mem>>)
      } else {
      }
      %mul3A_152 = arith.constant 4 : i32
      %mul3A_153 = arith.muli %mul3A_152, %scan3A_79 : i32
      %add3A_154 = arith.constant 2 : i32
      %add3A_155 = arith.addi %mul3A_153, %add3A_154 : i32
      %dma_wait3A_156 = arith.constant 0 : i32
      %dma_wait3A_157 = arith.constant 0 : i32
      %dma_wait3A_158 = tpu.memref_slice %arg2[%mul3A_2, %dma_wait3A_156, %dma_wait3A_157] : memref<8192x2x1024xf32, #tpu.memory_space<hbm>> -> memref<4x2x1024xf32, #tpu.memory_space<hbm>>
      %dma_wait3A_159 = arith.constant 0 : i32
      %dma_wait3A_160 = arith.constant 0 : i32
      %dma_wait3A_161 = tpu.memref_slice %arg2[%mul3A_2, %dma_wait3A_159, %dma_wait3A_160] : memref<8192x2x1024xf32, #tpu.memory_space<hbm>> -> memref<4x2x1024xf32, #tpu.memory_space<hbm>>
      tpu.wait_dma2 semaphore(%arg19 : memref<!tpu.dma_semaphore, #tpu.memory_space<semaphore_mem>>) src(%dma_wait3A_161 : memref<4x2x1024xf32, #tpu.memory_space<hbm>>) dst(%arg7 : memref<4x2x1024xf32, #tpu.memory_space<vmem>>)
      %dma_wait3A_162 = arith.constant 0 : i32
      %dma_wait3A_163 = tpu.memref_slice %arg3[%mul3A_2, %dma_wait3A_162] : memref<8192x1024xf32, #tpu.memory_space<hbm>> -> memref<4x1024xf32, #tpu.memory_space<hbm>>
      %dma_wait3A_164 = arith.constant 0 : i32
      %dma_wait3A_165 = tpu.memref_slice %arg3[%mul3A_2, %dma_wait3A_164] : memref<8192x1024xf32, #tpu.memory_space<hbm>> -> memref<4x1024xf32, #tpu.memory_space<hbm>>
      tpu.wait_dma2 semaphore(%arg19 : memref<!tpu.dma_semaphore, #tpu.memory_space<semaphore_mem>>) src(%dma_wait3A_165 : memref<4x1024xf32, #tpu.memory_space<hbm>>) dst(%arg11 : memref<4x1024xf32, #tpu.memory_space<vmem>>)
      %ge3A_166 = arith.constant 4 : i32
      %ge3A_167 = arith.cmpi sge, %add3A_155, %ge3A_166 : i32
      %convert_element_type3A_168 = arith.extui %ge3A_167 : i1 to i32
      %cond3A_169 = arith.constant 0 : i32
      %cond3A_170 = arith.cmpi ne, %convert_element_type3A_168, %cond3A_169 : i32
      scf.if %cond3A_170 {
        %dma_wait3A_229 = arith.constant 0 : i32
        %dma_wait3A_230 = arith.constant 0 : i32
        %dma_wait3A_231 = tpu.memref_slice %arg4[%mul3A_2, %dma_wait3A_229, %dma_wait3A_230] : memref<8192x2x1024xf32, #tpu.memory_space<hbm>> -> memref<4x2x1024xf32, #tpu.memory_space<hbm>>
        %dma_wait3A_232 = arith.constant 0 : i32
        %dma_wait3A_233 = arith.constant 0 : i32
        %dma_wait3A_234 = tpu.memref_slice %arg4[%mul3A_2, %dma_wait3A_232, %dma_wait3A_233] : memref<8192x2x1024xf32, #tpu.memory_space<hbm>> -> memref<4x2x1024xf32, #tpu.memory_space<hbm>>
        tpu.wait_dma2 semaphore(%arg23 : memref<!tpu.dma_semaphore, #tpu.memory_space<semaphore_mem>>) src(%arg15 : memref<4x2x1024xf32, #tpu.memory_space<vmem>>) dst(%dma_wait3A_234 : memref<4x2x1024xf32, #tpu.memory_space<hbm>>)
      } else {
      }
      %parallel_loop3A_171 = arith.constant 0 : i32
      %parallel_loop3A_172 = arith.constant 64 : i32
      %parallel_loop3A_173 = arith.constant 1 : i32
      scf.for %parallel_loop3A_229 = %parallel_loop3A_171 to %parallel_loop3A_172 step %parallel_loop3A_173  : i32 {
        %parallel_loop3A_230 = arith.constant 16 : i32
        %parallel_loop3A_231 = arith.muli %parallel_loop3A_229, %parallel_loop3A_230 : i32
        %parallel_loop3A_232 = arith.constant 0 : i32
        %parallel_loop3A_233 = arith.index_cast %parallel_loop3A_232 : i32 to index
        %parallel_loop3A_234 = arith.index_cast %parallel_loop3A_231 : i32 to index
        %parallel_loop3A_235 = tpu.vector_load %arg11[%parallel_loop3A_233, %parallel_loop3A_234] {strides = array<i32>} : memref<4x1024xf32, #tpu.memory_space<vmem>>, vector<1x16xf32>,
        %parallel_loop3A_236 = vector.shape_cast %parallel_loop3A_235 : vector<1x16xf32> to vector<16xf32>
        %parallel_loop3A_237 = arith.constant 0 : i32
        %parallel_loop3A_238 = arith.constant 0 : i32
        %parallel_loop3A_239 = arith.index_cast %parallel_loop3A_237 : i32 to index
        %parallel_loop3A_240 = arith.index_cast %parallel_loop3A_238 : i32 to index
        %parallel_loop3A_241 = arith.index_cast %parallel_loop3A_231 : i32 to index
        %parallel_loop3A_242 = tpu.vector_load %arg7[%parallel_loop3A_239, %parallel_loop3A_240, %parallel_loop3A_241] {strides = array<i32>} : memref<4x2x1024xf32, #tpu.memory_space<vmem>>, vector<1x1x16xf32>,
        %parallel_loop3A_243 = vector.shape_cast %parallel_loop3A_242 : vector<1x1x16xf32> to vector<16xf32>
        %parallel_loop3A_244 = arith.addf %parallel_loop3A_243, %parallel_loop3A_236 : vector<16xf32>
        %parallel_loop3A_245 = arith.constant 0 : i32
        %parallel_loop3A_246 = arith.constant 0 : i32
        %parallel_loop3A_247 = arith.index_cast %parallel_loop3A_245 : i32 to index
        %parallel_loop3A_248 = arith.index_cast %parallel_loop3A_246 : i32 to index
        %parallel_loop3A_249 = arith.index_cast %parallel_loop3A_231 : i32 to index
        %parallel_loop3A_250 = tpu.vector_load %arg15[%parallel_loop3A_247, %parallel_loop3A_248, %parallel_loop3A_249] {strides = array<i32>} : memref<4x2x1024xf32, #tpu.memory_space<vmem>>, vector<1x1x16xf32>,
        %parallel_loop3A_251 = vector.shape_cast %parallel_loop3A_250 : vector<1x1x16xf32> to vector<16xf32>
        %parallel_loop3A_252 = vector.shape_cast %parallel_loop3A_244 : vector<16xf32> to vector<1x1x16xf32>
        tpu.vector_store %arg15[%parallel_loop3A_247, %parallel_loop3A_248, %parallel_loop3A_249], %parallel_loop3A_252 {strides = array<i32>} : memref<4x2x1024xf32, #tpu.memory_space<vmem>>, vector<1x1x16xf32>,
        %parallel_loop3A_253 = arith.constant 0 : i32
        %parallel_loop3A_254 = arith.constant 1 : i32
        %parallel_loop3A_255 = arith.index_cast %parallel_loop3A_253 : i32 to index
        %parallel_loop3A_256 = arith.index_cast %parallel_loop3A_254 : i32 to index
        %parallel_loop3A_257 = arith.index_cast %parallel_loop3A_231 : i32 to index
        %parallel_loop3A_258 = tpu.vector_load %arg7[%parallel_loop3A_255, %parallel_loop3A_256, %parallel_loop3A_257] {strides = array<i32>} : memref<4x2x1024xf32, #tpu.memory_space<vmem>>, vector<1x1x16xf32>,
        %parallel_loop3A_259 = vector.shape_cast %parallel_loop3A_258 : vector<1x1x16xf32> to vector<16xf32>
        %parallel_loop3A_260 = arith.addf %parallel_loop3A_259, %parallel_loop3A_236 : vector<16xf32>
        %parallel_loop3A_261 = arith.constant 0 : i32
        %parallel_loop3A_262 = arith.constant 1 : i32
        %parallel_loop3A_263 = arith.index_cast %parallel_loop3A_261 : i32 to index
        %parallel_loop3A_264 = arith.index_cast %parallel_loop3A_262 : i32 to index
        %parallel_loop3A_265 = arith.index_cast %parallel_loop3A_231 : i32 to index
        %parallel_loop3A_266 = tpu.vector_load %arg15[%parallel_loop3A_263, %parallel_loop3A_264, %parallel_loop3A_265] {strides = array<i32>} : memref<4x2x1024xf32, #tpu.memory_space<vmem>>, vector<1x1x16xf32>,
        %parallel_loop3A_267 = vector.shape_cast %parallel_loop3A_266 : vector<1x1x16xf32> to vector<16xf32>
        %parallel_loop3A_268 = vector.shape_cast %parallel_loop3A_260 : vector<16xf32> to vector<1x1x16xf32>
        tpu.vector_store %arg15[%parallel_loop3A_263, %parallel_loop3A_264, %parallel_loop3A_265], %parallel_loop3A_268 {strides = array<i32>} : memref<4x2x1024xf32, #tpu.memory_space<vmem>>, vector<1x1x16xf32>,
        %parallel_loop3A_269 = arith.constant 1 : i32
        %parallel_loop3A_270 = arith.index_cast %parallel_loop3A_269 : i32 to index
        %parallel_loop3A_271 = arith.index_cast %parallel_loop3A_231 : i32 to index
        %parallel_loop3A_272 = tpu.vector_load %arg11[%parallel_loop3A_270, %parallel_loop3A_271] {strides = array<i32>} : memref<4x1024xf32, #tpu.memory_space<vmem>>, vector<1x16xf32>,
        %parallel_loop3A_273 = vector.shape_cast %parallel_loop3A_272 : vector<1x16xf32> to vector<16xf32>
        %parallel_loop3A_274 = arith.constant 1 : i32
        %parallel_loop3A_275 = arith.constant 0 : i32
        %parallel_loop3A_276 = arith.index_cast %parallel_loop3A_274 : i32 to index
        %parallel_loop3A_277 = arith.index_cast %parallel_loop3A_275 : i32 to index
        %parallel_loop3A_278 = arith.index_cast %parallel_loop3A_231 : i32 to index
        %parallel_loop3A_279 = tpu.vector_load %arg7[%parallel_loop3A_276, %parallel_loop3A_277, %parallel_loop3A_278] {strides = array<i32>} : memref<4x2x1024xf32, #tpu.memory_space<vmem>>, vector<1x1x16xf32>,
        %parallel_loop3A_280 = vector.shape_cast %parallel_loop3A_279 : vector<1x1x16xf32> to vector<16xf32>
        %parallel_loop3A_281 = arith.addf %parallel_loop3A_280, %parallel_loop3A_273 : vector<16xf32>
        %parallel_loop3A_282 = arith.constant 1 : i32
        %parallel_loop3A_283 = arith.constant 0 : i32
        %parallel_loop3A_284 = arith.index_cast %parallel_loop3A_282 : i32 to index
        %parallel_loop3A_285 = arith.index_cast %parallel_loop3A_283 : i32 to index
        %parallel_loop3A_286 = arith.index_cast %parallel_loop3A_231 : i32 to index
        %parallel_loop3A_287 = tpu.vector_load %arg15[%parallel_loop3A_284, %parallel_loop3A_285, %parallel_loop3A_286] {strides = array<i32>} : memref<4x2x1024xf32, #tpu.memory_space<vmem>>, vector<1x1x16xf32>,
        %parallel_loop3A_288 = vector.shape_cast %parallel_loop3A_287 : vector<1x1x16xf32> to vector<16xf32>
        %parallel_loop3A_289 = vector.shape_cast %parallel_loop3A_281 : vector<16xf32> to vector<1x1x16xf32>
        tpu.vector_store %arg15[%parallel_loop3A_284, %parallel_loop3A_285, %parallel_loop3A_286], %parallel_loop3A_289 {strides = array<i32>} : memref<4x2x1024xf32, #tpu.memory_space<vmem>>, vector<1x1x16xf32>,
        %parallel_loop3A_290 = arith.constant 1 : i32
        %parallel_loop3A_291 = arith.constant 1 : i32
        %parallel_loop3A_292 = arith.index_cast %parallel_loop3A_290 : i32 to index
        %parallel_loop3A_293 = arith.index_cast %parallel_loop3A_291 : i32 to index
        %parallel_loop3A_294 = arith.index_cast %parallel_loop3A_231 : i32 to index
        %parallel_loop3A_295 = tpu.vector_load %arg7[%parallel_loop3A_292, %parallel_loop3A_293, %parallel_loop3A_294] {strides = array<i32>} : memref<4x2x1024xf32, #tpu.memory_space<vmem>>, vector<1x1x16xf32>,
        %parallel_loop3A_296 = vector.shape_cast %parallel_loop3A_295 : vector<1x1x16xf32> to vector<16xf32>
        %parallel_loop3A_297 = arith.addf %parallel_loop3A_296, %parallel_loop3A_273 : vector<16xf32>
        %parallel_loop3A_298 = arith.constant 1 : i32
        %parallel_loop3A_299 = arith.constant 1 : i32
        %parallel_loop3A_300 = arith.index_cast %parallel_loop3A_298 : i32 to index
        %parallel_loop3A_301 = arith.index_cast %parallel_loop3A_299 : i32 to index
        %parallel_loop3A_302 = arith.index_cast %parallel_loop3A_231 : i32 to index
        %parallel_loop3A_303 = tpu.vector_load %arg15[%parallel_loop3A_300, %parallel_loop3A_301, %parallel_loop3A_302] {strides = array<i32>} : memref<4x2x1024xf32, #tpu.memory_space<vmem>>, vector<1x1x16xf32>,
        %parallel_loop3A_304 = vector.shape_cast %parallel_loop3A_303 : vector<1x1x16xf32> to vector<16xf32>
        %parallel_loop3A_305 = vector.shape_cast %parallel_loop3A_297 : vector<16xf32> to vector<1x1x16xf32>
        tpu.vector_store %arg15[%parallel_loop3A_300, %parallel_loop3A_301, %parallel_loop3A_302], %parallel_loop3A_305 {strides = array<i32>} : memref<4x2x1024xf32, #tpu.memory_space<vmem>>, vector<1x1x16xf32>,
        %parallel_loop3A_306 = arith.constant 2 : i32
        %parallel_loop3A_307 = arith.index_cast %parallel_loop3A_306 : i32 to index
        %parallel_loop3A_308 = arith.index_cast %parallel_loop3A_231 : i32 to index
        %parallel_loop3A_309 = tpu.vector_load %arg11[%parallel_loop3A_307, %parallel_loop3A_308] {strides = array<i32>} : memref<4x1024xf32, #tpu.memory_space<vmem>>, vector<1x16xf32>,
        %parallel_loop3A_310 = vector.shape_cast %parallel_loop3A_309 : vector<1x16xf32> to vector<16xf32>
        %parallel_loop3A_311 = arith.constant 2 : i32
        %parallel_loop3A_312 = arith.constant 0 : i32
        %parallel_loop3A_313 = arith.index_cast %parallel_loop3A_311 : i32 to index
        %parallel_loop3A_314 = arith.index_cast %parallel_loop3A_312 : i32 to index
        %parallel_loop3A_315 = arith.index_cast %parallel_loop3A_231 : i32 to index
        %parallel_loop3A_316 = tpu.vector_load %arg7[%parallel_loop3A_313, %parallel_loop3A_314, %parallel_loop3A_315] {strides = array<i32>} : memref<4x2x1024xf32, #tpu.memory_space<vmem>>, vector<1x1x16xf32>,
        %parallel_loop3A_317 = vector.shape_cast %parallel_loop3A_316 : vector<1x1x16xf32> to vector<16xf32>
        %parallel_loop3A_318 = arith.addf %parallel_loop3A_317, %parallel_loop3A_310 : vector<16xf32>
        %parallel_loop3A_319 = arith.constant 2 : i32
        %parallel_loop3A_320 = arith.constant 0 : i32
        %parallel_loop3A_321 = arith.index_cast %parallel_loop3A_319 : i32 to index
        %parallel_loop3A_322 = arith.index_cast %parallel_loop3A_320 : i32 to index
        %parallel_loop3A_323 = arith.index_cast %parallel_loop3A_231 : i32 to index
        %parallel_loop3A_324 = tpu.vector_load %arg15[%parallel_loop3A_321, %parallel_loop3A_322, %parallel_loop3A_323] {strides = array<i32>} : memref<4x2x1024xf32, #tpu.memory_space<vmem>>, vector<1x1x16xf32>,
        %parallel_loop3A_325 = vector.shape_cast %parallel_loop3A_324 : vector<1x1x16xf32> to vector<16xf32>
        %parallel_loop3A_326 = vector.shape_cast %parallel_loop3A_318 : vector<16xf32> to vector<1x1x16xf32>
        tpu.vector_store %arg15[%parallel_loop3A_321, %parallel_loop3A_322, %parallel_loop3A_323], %parallel_loop3A_326 {strides = array<i32>} : memref<4x2x1024xf32, #tpu.memory_space<vmem>>, vector<1x1x16xf32>,
        %parallel_loop3A_327 = arith.constant 2 : i32
        %parallel_loop3A_328 = arith.constant 1 : i32
        %parallel_loop3A_329 = arith.index_cast %parallel_loop3A_327 : i32 to index
        %parallel_loop3A_330 = arith.index_cast %parallel_loop3A_328 : i32 to index
        %parallel_loop3A_331 = arith.index_cast %parallel_loop3A_231 : i32 to index
        %parallel_loop3A_332 = tpu.vector_load %arg7[%parallel_loop3A_329, %parallel_loop3A_330, %parallel_loop3A_331] {strides = array<i32>} : memref<4x2x1024xf32, #tpu.memory_space<vmem>>, vector<1x1x16xf32>,
        %parallel_loop3A_333 = vector.shape_cast %parallel_loop3A_332 : vector<1x1x16xf32> to vector<16xf32>
        %parallel_loop3A_334 = arith.addf %parallel_loop3A_333, %parallel_loop3A_310 : vector<16xf32>
        %parallel_loop3A_335 = arith.constant 2 : i32
        %parallel_loop3A_336 = arith.constant 1 : i32
        %parallel_loop3A_337 = arith.index_cast %parallel_loop3A_335 : i32 to index
        %parallel_loop3A_338 = arith.index_cast %parallel_loop3A_336 : i32 to index
        %parallel_loop3A_339 = arith.index_cast %parallel_loop3A_231 : i32 to index
        %parallel_loop3A_340 = tpu.vector_load %arg15[%parallel_loop3A_337, %parallel_loop3A_338, %parallel_loop3A_339] {strides = array<i32>} : memref<4x2x1024xf32, #tpu.memory_space<vmem>>, vector<1x1x16xf32>,
        %parallel_loop3A_341 = vector.shape_cast %parallel_loop3A_340 : vector<1x1x16xf32> to vector<16xf32>
        %parallel_loop3A_342 = vector.shape_cast %parallel_loop3A_334 : vector<16xf32> to vector<1x1x16xf32>
        tpu.vector_store %arg15[%parallel_loop3A_337, %parallel_loop3A_338, %parallel_loop3A_339], %parallel_loop3A_342 {strides = array<i32>} : memref<4x2x1024xf32, #tpu.memory_space<vmem>>, vector<1x1x16xf32>,
        %parallel_loop3A_343 = arith.constant 3 : i32
        %parallel_loop3A_344 = arith.index_cast %parallel_loop3A_343 : i32 to index
        %parallel_loop3A_345 = arith.index_cast %parallel_loop3A_231 : i32 to index
        %parallel_loop3A_346 = tpu.vector_load %arg11[%parallel_loop3A_344, %parallel_loop3A_345] {strides = array<i32>} : memref<4x1024xf32, #tpu.memory_space<vmem>>, vector<1x16xf32>,
        %parallel_loop3A_347 = vector.shape_cast %parallel_loop3A_346 : vector<1x16xf32> to vector<16xf32>
        %parallel_loop3A_348 = arith.constant 3 : i32
        %parallel_loop3A_349 = arith.constant 0 : i32
        %parallel_loop3A_350 = arith.index_cast %parallel_loop3A_348 : i32 to index
        %parallel_loop3A_351 = arith.index_cast %parallel_loop3A_349 : i32 to index
        %parallel_loop3A_352 = arith.index_cast %parallel_loop3A_231 : i32 to index
        %parallel_loop3A_353 = tpu.vector_load %arg7[%parallel_loop3A_350, %parallel_loop3A_351, %parallel_loop3A_352] {strides = array<i32>} : memref<4x2x1024xf32, #tpu.memory_space<vmem>>, vector<1x1x16xf32>,
        %parallel_loop3A_354 = vector.shape_cast %parallel_loop3A_353 : vector<1x1x16xf32> to vector<16xf32>
        %parallel_loop3A_355 = arith.addf %parallel_loop3A_354, %parallel_loop3A_347 : vector<16xf32>
        %parallel_loop3A_356 = arith.constant 3 : i32
        %parallel_loop3A_357 = arith.constant 0 : i32
        %parallel_loop3A_358 = arith.index_cast %parallel_loop3A_356 : i32 to index
        %parallel_loop3A_359 = arith.index_cast %parallel_loop3A_357 : i32 to index
        %parallel_loop3A_360 = arith.index_cast %parallel_loop3A_231 : i32 to index
        %parallel_loop3A_361 = tpu.vector_load %arg15[%parallel_loop3A_358, %parallel_loop3A_359, %parallel_loop3A_360] {strides = array<i32>} : memref<4x2x1024xf32, #tpu.memory_space<vmem>>, vector<1x1x16xf32>,
        %parallel_loop3A_362 = vector.shape_cast %parallel_loop3A_361 : vector<1x1x16xf32> to vector<16xf32>
        %parallel_loop3A_363 = vector.shape_cast %parallel_loop3A_355 : vector<16xf32> to vector<1x1x16xf32>
        tpu.vector_store %arg15[%parallel_loop3A_358, %parallel_loop3A_359, %parallel_loop3A_360], %parallel_loop3A_363 {strides = array<i32>} : memref<4x2x1024xf32, #tpu.memory_space<vmem>>, vector<1x1x16xf32>,
        %parallel_loop3A_364 = arith.constant 3 : i32
        %parallel_loop3A_365 = arith.constant 1 : i32
        %parallel_loop3A_366 = arith.index_cast %parallel_loop3A_364 : i32 to index
        %parallel_loop3A_367 = arith.index_cast %parallel_loop3A_365 : i32 to index
        %parallel_loop3A_368 = arith.index_cast %parallel_loop3A_231 : i32 to index
        %parallel_loop3A_369 = tpu.vector_load %arg7[%parallel_loop3A_366, %parallel_loop3A_367, %parallel_loop3A_368] {strides = array<i32>} : memref<4x2x1024xf32, #tpu.memory_space<vmem>>, vector<1x1x16xf32>,
        %parallel_loop3A_370 = vector.shape_cast %parallel_loop3A_369 : vector<1x1x16xf32> to vector<16xf32>
        %parallel_loop3A_371 = arith.addf %parallel_loop3A_370, %parallel_loop3A_347 : vector<16xf32>
        %parallel_loop3A_372 = arith.constant 3 : i32
        %parallel_loop3A_373 = arith.constant 1 : i32
        %parallel_loop3A_374 = arith.index_cast %parallel_loop3A_372 : i32 to index
        %parallel_loop3A_375 = arith.index_cast %parallel_loop3A_373 : i32 to index
        %parallel_loop3A_376 = arith.index_cast %parallel_loop3A_231 : i32 to index
        %parallel_loop3A_377 = tpu.vector_load %arg15[%parallel_loop3A_374, %parallel_loop3A_375, %parallel_loop3A_376] {strides = array<i32>} : memref<4x2x1024xf32, #tpu.memory_space<vmem>>, vector<1x1x16xf32>,
        %parallel_loop3A_378 = vector.shape_cast %parallel_loop3A_377 : vector<1x1x16xf32> to vector<16xf32>
        %parallel_loop3A_379 = vector.shape_cast %parallel_loop3A_371 : vector<16xf32> to vector<1x1x16xf32>
        tpu.vector_store %arg15[%parallel_loop3A_374, %parallel_loop3A_375, %parallel_loop3A_376], %parallel_loop3A_379 {strides = array<i32>} : memref<4x2x1024xf32, #tpu.memory_space<vmem>>, vector<1x1x16xf32>,
      } {sc.loop_unroll_factor = 8 : i64, sc.parallel_access}
      %mul3A_174 = arith.constant 4 : i32
      %mul3A_175 = arith.muli %add3A_155, %mul3A_174 : i32
      %add3A_176 = arith.addi %mul3A_2, %mul3A_175 : i32
      %dma_start3A_177 = arith.constant 0 : i32
      %dma_start3A_178 = arith.constant 0 : i32
      %dma_start3A_179 = tpu.memref_slice %arg4[%add3A_176, %dma_start3A_177, %dma_start3A_178] : memref<8192x2x1024xf32, #tpu.memory_space<hbm>> -> memref<4x2x1024xf32, #tpu.memory_space<hbm>>
      %dma_start3A_180 = arith.constant 0 : i32
      %dma_start3A_181 = arith.constant 0 : i32
      %dma_start3A_182 = tpu.memref_slice %arg4[%add3A_176, %dma_start3A_180, %dma_start3A_181] : memref<8192x2x1024xf32, #tpu.memory_space<hbm>> -> memref<4x2x1024xf32, #tpu.memory_space<hbm>>
      tpu.enqueue_dma source(%arg15 : memref<4x2x1024xf32, #tpu.memory_space<vmem>>) target(%dma_start3A_182 : memref<4x2x1024xf32, #tpu.memory_space<hbm>>) target_semaphore(%arg23 : memref<!tpu.dma_semaphore, #tpu.memory_space<semaphore_mem>>)
      %add3A_183 = arith.constant 4 : i32
      %add3A_184 = arith.addi %add3A_155, %add3A_183 : i32
      %lt3A_185 = arith.constant 64 : i32
      %lt3A_186 = arith.cmpi slt, %add3A_184, %lt3A_185 : i32
      %convert_element_type3A_187 = arith.extui %lt3A_186 : i1 to i32
      %cond3A_188 = arith.constant 0 : i32
      %cond3A_189 = arith.cmpi ne, %convert_element_type3A_187, %cond3A_188 : i32
      scf.if %cond3A_189 {
        %add3A_229 = arith.constant 4 : i32
        %add3A_230 = arith.addi %add3A_155, %add3A_229 : i32
        %mul3A_231 = arith.constant 4 : i32
        %mul3A_232 = arith.muli %add3A_230, %mul3A_231 : i32
        %add3A_233 = arith.addi %mul3A_2, %mul3A_232 : i32
        %dma_start3A_234 = arith.constant 0 : i32
        %dma_start3A_235 = arith.constant 0 : i32
        %dma_start3A_236 = tpu.memref_slice %arg2[%add3A_233, %dma_start3A_234, %dma_start3A_235] : memref<8192x2x1024xf32, #tpu.memory_space<hbm>> -> memref<4x2x1024xf32, #tpu.memory_space<hbm>>
        %dma_start3A_237 = arith.constant 0 : i32
        %dma_start3A_238 = arith.constant 0 : i32
        %dma_start3A_239 = tpu.memref_slice %arg2[%add3A_233, %dma_start3A_237, %dma_start3A_238] : memref<8192x2x1024xf32, #tpu.memory_space<hbm>> -> memref<4x2x1024xf32, #tpu.memory_space<hbm>>
        tpu.enqueue_dma source(%dma_start3A_239 : memref<4x2x1024xf32, #tpu.memory_space<hbm>>) target(%arg7 : memref<4x2x1024xf32, #tpu.memory_space<vmem>>) target_semaphore(%arg19 : memref<!tpu.dma_semaphore, #tpu.memory_space<semaphore_mem>>)
        %dma_start3A_240 = arith.constant 0 : i32
        %dma_start3A_241 = tpu.memref_slice %arg3[%add3A_233, %dma_start3A_240] : memref<8192x1024xf32, #tpu.memory_space<hbm>> -> memref<4x1024xf32, #tpu.memory_space<hbm>>
        %dma_start3A_242 = arith.constant 0 : i32
        %dma_start3A_243 = tpu.memref_slice %arg3[%add3A_233, %dma_start3A_242] : memref<8192x1024xf32, #tpu.memory_space<hbm>> -> memref<4x1024xf32, #tpu.memory_space<hbm>>
        tpu.enqueue_dma source(%dma_start3A_243 : memref<4x1024xf32, #tpu.memory_space<hbm>>) target(%arg11 : memref<4x1024xf32, #tpu.memory_space<vmem>>) target_semaphore(%arg19 : memref<!tpu.dma_semaphore, #tpu.memory_space<semaphore_mem>>)
      } else {
      }
      %mul3A_190 = arith.constant 4 : i32
      %mul3A_191 = arith.muli %mul3A_190, %scan3A_79 : i32
      %add3A_192 = arith.constant 3 : i32
      %add3A_193 = arith.addi %mul3A_191, %add3A_192 : i32
      %dma_wait3A_194 = arith.constant 0 : i32
      %dma_wait3A_195 = arith.constant 0 : i32
      %dma_wait3A_196 = tpu.memref_slice %arg2[%mul3A_2, %dma_wait3A_194, %dma_wait3A_195] : memref<8192x2x1024xf32, #tpu.memory_space<hbm>> -> memref<4x2x1024xf32, #tpu.memory_space<hbm>>
      %dma_wait3A_197 = arith.constant 0 : i32
      %dma_wait3A_198 = arith.constant 0 : i32
      %dma_wait3A_199 = tpu.memref_slice %arg2[%mul3A_2, %dma_wait3A_197, %dma_wait3A_198] : memref<8192x2x1024xf32, #tpu.memory_space<hbm>> -> memref<4x2x1024xf32, #tpu.memory_space<hbm>>
      tpu.wait_dma2 semaphore(%arg20 : memref<!tpu.dma_semaphore, #tpu.memory_space<semaphore_mem>>) src(%dma_wait3A_199 : memref<4x2x1024xf32, #tpu.memory_space<hbm>>) dst(%arg8 : memref<4x2x1024xf32, #tpu.memory_space<vmem>>)
      %dma_wait3A_200 = arith.constant 0 : i32
      %dma_wait3A_201 = tpu.memref_slice %arg3[%mul3A_2, %dma_wait3A_200] : memref<8192x1024xf32, #tpu.memory_space<hbm>> -> memref<4x1024xf32, #tpu.memory_space<hbm>>
      %dma_wait3A_202 = arith.constant 0 : i32
      %dma_wait3A_203 = tpu.memref_slice %arg3[%mul3A_2, %dma_wait3A_202] : memref<8192x1024xf32, #tpu.memory_space<hbm>> -> memref<4x1024xf32, #tpu.memory_space<hbm>>
      tpu.wait_dma2 semaphore(%arg20 : memref<!tpu.dma_semaphore, #tpu.memory_space<semaphore_mem>>) src(%dma_wait3A_203 : memref<4x1024xf32, #tpu.memory_space<hbm>>) dst(%arg12 : memref<4x1024xf32, #tpu.memory_space<vmem>>)
      %ge3A_204 = arith.constant 4 : i32
      %ge3A_205 = arith.cmpi sge, %add3A_193, %ge3A_204 : i32
      %convert_element_type3A_206 = arith.extui %ge3A_205 : i1 to i32
      %cond3A_207 = arith.constant 0 : i32
      %cond3A_208 = arith.cmpi ne, %convert_element_type3A_206, %cond3A_207 : i32
      scf.if %cond3A_208 {
        %dma_wait3A_229 = arith.constant 0 : i32
        %dma_wait3A_230 = arith.constant 0 : i32
        %dma_wait3A_231 = tpu.memref_slice %arg4[%mul3A_2, %dma_wait3A_229, %dma_wait3A_230] : memref<8192x2x1024xf32, #tpu.memory_space<hbm>> -> memref<4x2x1024xf32, #tpu.memory_space<hbm>>
        %dma_wait3A_232 = arith.constant 0 : i32
        %dma_wait3A_233 = arith.constant 0 : i32
        %dma_wait3A_234 = tpu.memref_slice %arg4[%mul3A_2, %dma_wait3A_232, %dma_wait3A_233] : memref<8192x2x1024xf32, #tpu.memory_space<hbm>> -> memref<4x2x1024xf32, #tpu.memory_space<hbm>>
        tpu.wait_dma2 semaphore(%arg24 : memref<!tpu.dma_semaphore, #tpu.memory_space<semaphore_mem>>) src(%arg16 : memref<4x2x1024xf32, #tpu.memory_space<vmem>>) dst(%dma_wait3A_234 : memref<4x2x1024xf32, #tpu.memory_space<hbm>>)
      } else {
      }
      %parallel_loop3A_209 = arith.constant 0 : i32
      %parallel_loop3A_210 = arith.constant 64 : i32
      %parallel_loop3A_211 = arith.constant 1 : i32
      scf.for %parallel_loop3A_229 = %parallel_loop3A_209 to %parallel_loop3A_210 step %parallel_loop3A_211  : i32 {
        %parallel_loop3A_230 = arith.constant 16 : i32
        %parallel_loop3A_231 = arith.muli %parallel_loop3A_229, %parallel_loop3A_230 : i32
        %parallel_loop3A_232 = arith.constant 0 : i32
        %parallel_loop3A_233 = arith.index_cast %parallel_loop3A_232 : i32 to index
        %parallel_loop3A_234 = arith.index_cast %parallel_loop3A_231 : i32 to index
        %parallel_loop3A_235 = tpu.vector_load %arg12[%parallel_loop3A_233, %parallel_loop3A_234] {strides = array<i32>} : memref<4x1024xf32, #tpu.memory_space<vmem>>, vector<1x16xf32>,
        %parallel_loop3A_236 = vector.shape_cast %parallel_loop3A_235 : vector<1x16xf32> to vector<16xf32>
        %parallel_loop3A_237 = arith.constant 0 : i32
        %parallel_loop3A_238 = arith.constant 0 : i32
        %parallel_loop3A_239 = arith.index_cast %parallel_loop3A_237 : i32 to index
        %parallel_loop3A_240 = arith.index_cast %parallel_loop3A_238 : i32 to index
        %parallel_loop3A_241 = arith.index_cast %parallel_loop3A_231 : i32 to index
        %parallel_loop3A_242 = tpu.vector_load %arg8[%parallel_loop3A_239, %parallel_loop3A_240, %parallel_loop3A_241] {strides = array<i32>} : memref<4x2x1024xf32, #tpu.memory_space<vmem>>, vector<1x1x16xf32>,
        %parallel_loop3A_243 = vector.shape_cast %parallel_loop3A_242 : vector<1x1x16xf32> to vector<16xf32>
        %parallel_loop3A_244 = arith.addf %parallel_loop3A_243, %parallel_loop3A_236 : vector<16xf32>
        %parallel_loop3A_245 = arith.constant 0 : i32
        %parallel_loop3A_246 = arith.constant 0 : i32
        %parallel_loop3A_247 = arith.index_cast %parallel_loop3A_245 : i32 to index
        %parallel_loop3A_248 = arith.index_cast %parallel_loop3A_246 : i32 to index
        %parallel_loop3A_249 = arith.index_cast %parallel_loop3A_231 : i32 to index
        %parallel_loop3A_250 = tpu.vector_load %arg16[%parallel_loop3A_247, %parallel_loop3A_248, %parallel_loop3A_249] {strides = array<i32>} : memref<4x2x1024xf32, #tpu.memory_space<vmem>>, vector<1x1x16xf32>,
        %parallel_loop3A_251 = vector.shape_cast %parallel_loop3A_250 : vector<1x1x16xf32> to vector<16xf32>
        %parallel_loop3A_252 = vector.shape_cast %parallel_loop3A_244 : vector<16xf32> to vector<1x1x16xf32>
        tpu.vector_store %arg16[%parallel_loop3A_247, %parallel_loop3A_248, %parallel_loop3A_249], %parallel_loop3A_252 {strides = array<i32>} : memref<4x2x1024xf32, #tpu.memory_space<vmem>>, vector<1x1x16xf32>,
        %parallel_loop3A_253 = arith.constant 0 : i32
        %parallel_loop3A_254 = arith.constant 1 : i32
        %parallel_loop3A_255 = arith.index_cast %parallel_loop3A_253 : i32 to index
        %parallel_loop3A_256 = arith.index_cast %parallel_loop3A_254 : i32 to index
        %parallel_loop3A_257 = arith.index_cast %parallel_loop3A_231 : i32 to index
        %parallel_loop3A_258 = tpu.vector_load %arg8[%parallel_loop3A_255, %parallel_loop3A_256, %parallel_loop3A_257] {strides = array<i32>} : memref<4x2x1024xf32, #tpu.memory_space<vmem>>, vector<1x1x16xf32>,
        %parallel_loop3A_259 = vector.shape_cast %parallel_loop3A_258 : vector<1x1x16xf32> to vector<16xf32>
        %parallel_loop3A_260 = arith.addf %parallel_loop3A_259, %parallel_loop3A_236 : vector<16xf32>
        %parallel_loop3A_261 = arith.constant 0 : i32
        %parallel_loop3A_262 = arith.constant 1 : i32
        %parallel_loop3A_263 = arith.index_cast %parallel_loop3A_261 : i32 to index
        %parallel_loop3A_264 = arith.index_cast %parallel_loop3A_262 : i32 to index
        %parallel_loop3A_265 = arith.index_cast %parallel_loop3A_231 : i32 to index
        %parallel_loop3A_266 = tpu.vector_load %arg16[%parallel_loop3A_263, %parallel_loop3A_264, %parallel_loop3A_265] {strides = array<i32>} : memref<4x2x1024xf32, #tpu.memory_space<vmem>>, vector<1x1x16xf32>,
        %parallel_loop3A_267 = vector.shape_cast %parallel_loop3A_266 : vector<1x1x16xf32> to vector<16xf32>
        %parallel_loop3A_268 = vector.shape_cast %parallel_loop3A_260 : vector<16xf32> to vector<1x1x16xf32>
        tpu.vector_store %arg16[%parallel_loop3A_263, %parallel_loop3A_264, %parallel_loop3A_265], %parallel_loop3A_268 {strides = array<i32>} : memref<4x2x1024xf32, #tpu.memory_space<vmem>>, vector<1x1x16xf32>,
        %parallel_loop3A_269 = arith.constant 1 : i32
        %parallel_loop3A_270 = arith.index_cast %parallel_loop3A_269 : i32 to index
        %parallel_loop3A_271 = arith.index_cast %parallel_loop3A_231 : i32 to index
        %parallel_loop3A_272 = tpu.vector_load %arg12[%parallel_loop3A_270, %parallel_loop3A_271] {strides = array<i32>} : memref<4x1024xf32, #tpu.memory_space<vmem>>, vector<1x16xf32>,
        %parallel_loop3A_273 = vector.shape_cast %parallel_loop3A_272 : vector<1x16xf32> to vector<16xf32>
        %parallel_loop3A_274 = arith.constant 1 : i32
        %parallel_loop3A_275 = arith.constant 0 : i32
        %parallel_loop3A_276 = arith.index_cast %parallel_loop3A_274 : i32 to index
        %parallel_loop3A_277 = arith.index_cast %parallel_loop3A_275 : i32 to index
        %parallel_loop3A_278 = arith.index_cast %parallel_loop3A_231 : i32 to index
        %parallel_loop3A_279 = tpu.vector_load %arg8[%parallel_loop3A_276, %parallel_loop3A_277, %parallel_loop3A_278] {strides = array<i32>} : memref<4x2x1024xf32, #tpu.memory_space<vmem>>, vector<1x1x16xf32>,
        %parallel_loop3A_280 = vector.shape_cast %parallel_loop3A_279 : vector<1x1x16xf32> to vector<16xf32>
        %parallel_loop3A_281 = arith.addf %parallel_loop3A_280, %parallel_loop3A_273 : vector<16xf32>
        %parallel_loop3A_282 = arith.constant 1 : i32
        %parallel_loop3A_283 = arith.constant 0 : i32
        %parallel_loop3A_284 = arith.index_cast %parallel_loop3A_282 : i32 to index
        %parallel_loop3A_285 = arith.index_cast %parallel_loop3A_283 : i32 to index
        %parallel_loop3A_286 = arith.index_cast %parallel_loop3A_231 : i32 to index
        %parallel_loop3A_287 = tpu.vector_load %arg16[%parallel_loop3A_284, %parallel_loop3A_285, %parallel_loop3A_286] {strides = array<i32>} : memref<4x2x1024xf32, #tpu.memory_space<vmem>>, vector<1x1x16xf32>,
        %parallel_loop3A_288 = vector.shape_cast %parallel_loop3A_287 : vector<1x1x16xf32> to vector<16xf32>
        %parallel_loop3A_289 = vector.shape_cast %parallel_loop3A_281 : vector<16xf32> to vector<1x1x16xf32>
        tpu.vector_store %arg16[%parallel_loop3A_284, %parallel_loop3A_285, %parallel_loop3A_286], %parallel_loop3A_289 {strides = array<i32>} : memref<4x2x1024xf32, #tpu.memory_space<vmem>>, vector<1x1x16xf32>,
        %parallel_loop3A_290 = arith.constant 1 : i32
        %parallel_loop3A_291 = arith.constant 1 : i32
        %parallel_loop3A_292 = arith.index_cast %parallel_loop3A_290 : i32 to index
        %parallel_loop3A_293 = arith.index_cast %parallel_loop3A_291 : i32 to index
        %parallel_loop3A_294 = arith.index_cast %parallel_loop3A_231 : i32 to index
        %parallel_loop3A_295 = tpu.vector_load %arg8[%parallel_loop3A_292, %parallel_loop3A_293, %parallel_loop3A_294] {strides = array<i32>} : memref<4x2x1024xf32, #tpu.memory_space<vmem>>, vector<1x1x16xf32>,
        %parallel_loop3A_296 = vector.shape_cast %parallel_loop3A_295 : vector<1x1x16xf32> to vector<16xf32>
        %parallel_loop3A_297 = arith.addf %parallel_loop3A_296, %parallel_loop3A_273 : vector<16xf32>
        %parallel_loop3A_298 = arith.constant 1 : i32
        %parallel_loop3A_299 = arith.constant 1 : i32
        %parallel_loop3A_300 = arith.index_cast %parallel_loop3A_298 : i32 to index
        %parallel_loop3A_301 = arith.index_cast %parallel_loop3A_299 : i32 to index
        %parallel_loop3A_302 = arith.index_cast %parallel_loop3A_231 : i32 to index
        %parallel_loop3A_303 = tpu.vector_load %arg16[%parallel_loop3A_300, %parallel_loop3A_301, %parallel_loop3A_302] {strides = array<i32>} : memref<4x2x1024xf32, #tpu.memory_space<vmem>>, vector<1x1x16xf32>,
        %parallel_loop3A_304 = vector.shape_cast %parallel_loop3A_303 : vector<1x1x16xf32> to vector<16xf32>
        %parallel_loop3A_305 = vector.shape_cast %parallel_loop3A_297 : vector<16xf32> to vector<1x1x16xf32>
        tpu.vector_store %arg16[%parallel_loop3A_300, %parallel_loop3A_301, %parallel_loop3A_302], %parallel_loop3A_305 {strides = array<i32>} : memref<4x2x1024xf32, #tpu.memory_space<vmem>>, vector<1x1x16xf32>,
        %parallel_loop3A_306 = arith.constant 2 : i32
        %parallel_loop3A_307 = arith.index_cast %parallel_loop3A_306 : i32 to index
        %parallel_loop3A_308 = arith.index_cast %parallel_loop3A_231 : i32 to index
        %parallel_loop3A_309 = tpu.vector_load %arg12[%parallel_loop3A_307, %parallel_loop3A_308] {strides = array<i32>} : memref<4x1024xf32, #tpu.memory_space<vmem>>, vector<1x16xf32>,
        %parallel_loop3A_310 = vector.shape_cast %parallel_loop3A_309 : vector<1x16xf32> to vector<16xf32>
        %parallel_loop3A_311 = arith.constant 2 : i32
        %parallel_loop3A_312 = arith.constant 0 : i32
        %parallel_loop3A_313 = arith.index_cast %parallel_loop3A_311 : i32 to index
        %parallel_loop3A_314 = arith.index_cast %parallel_loop3A_312 : i32 to index
        %parallel_loop3A_315 = arith.index_cast %parallel_loop3A_231 : i32 to index
        %parallel_loop3A_316 = tpu.vector_load %arg8[%parallel_loop3A_313, %parallel_loop3A_314, %parallel_loop3A_315] {strides = array<i32>} : memref<4x2x1024xf32, #tpu.memory_space<vmem>>, vector<1x1x16xf32>,
        %parallel_loop3A_317 = vector.shape_cast %parallel_loop3A_316 : vector<1x1x16xf32> to vector<16xf32>
        %parallel_loop3A_318 = arith.addf %parallel_loop3A_317, %parallel_loop3A_310 : vector<16xf32>
        %parallel_loop3A_319 = arith.constant 2 : i32
        %parallel_loop3A_320 = arith.constant 0 : i32
        %parallel_loop3A_321 = arith.index_cast %parallel_loop3A_319 : i32 to index
        %parallel_loop3A_322 = arith.index_cast %parallel_loop3A_320 : i32 to index
        %parallel_loop3A_323 = arith.index_cast %parallel_loop3A_231 : i32 to index
        %parallel_loop3A_324 = tpu.vector_load %arg16[%parallel_loop3A_321, %parallel_loop3A_322, %parallel_loop3A_323] {strides = array<i32>} : memref<4x2x1024xf32, #tpu.memory_space<vmem>>, vector<1x1x16xf32>,
        %parallel_loop3A_325 = vector.shape_cast %parallel_loop3A_324 : vector<1x1x16xf32> to vector<16xf32>
        %parallel_loop3A_326 = vector.shape_cast %parallel_loop3A_318 : vector<16xf32> to vector<1x1x16xf32>
        tpu.vector_store %arg16[%parallel_loop3A_321, %parallel_loop3A_322, %parallel_loop3A_323], %parallel_loop3A_326 {strides = array<i32>} : memref<4x2x1024xf32, #tpu.memory_space<vmem>>, vector<1x1x16xf32>,
        %parallel_loop3A_327 = arith.constant 2 : i32
        %parallel_loop3A_328 = arith.constant 1 : i32
        %parallel_loop3A_329 = arith.index_cast %parallel_loop3A_327 : i32 to index
        %parallel_loop3A_330 = arith.index_cast %parallel_loop3A_328 : i32 to index
        %parallel_loop3A_331 = arith.index_cast %parallel_loop3A_231 : i32 to index
        %parallel_loop3A_332 = tpu.vector_load %arg8[%parallel_loop3A_329, %parallel_loop3A_330, %parallel_loop3A_331] {strides = array<i32>} : memref<4x2x1024xf32, #tpu.memory_space<vmem>>, vector<1x1x16xf32>,
        %parallel_loop3A_333 = vector.shape_cast %parallel_loop3A_332 : vector<1x1x16xf32> to vector<16xf32>
        %parallel_loop3A_334 = arith.addf %parallel_loop3A_333, %parallel_loop3A_310 : vector<16xf32>
        %parallel_loop3A_335 = arith.constant 2 : i32
        %parallel_loop3A_336 = arith.constant 1 : i32
        %parallel_loop3A_337 = arith.index_cast %parallel_loop3A_335 : i32 to index
        %parallel_loop3A_338 = arith.index_cast %parallel_loop3A_336 : i32 to index
        %parallel_loop3A_339 = arith.index_cast %parallel_loop3A_231 : i32 to index
        %parallel_loop3A_340 = tpu.vector_load %arg16[%parallel_loop3A_337, %parallel_loop3A_338, %parallel_loop3A_339] {strides = array<i32>} : memref<4x2x1024xf32, #tpu.memory_space<vmem>>, vector<1x1x16xf32>,
        %parallel_loop3A_341 = vector.shape_cast %parallel_loop3A_340 : vector<1x1x16xf32> to vector<16xf32>
        %parallel_loop3A_342 = vector.shape_cast %parallel_loop3A_334 : vector<16xf32> to vector<1x1x16xf32>
        tpu.vector_store %arg16[%parallel_loop3A_337, %parallel_loop3A_338, %parallel_loop3A_339], %parallel_loop3A_342 {strides = array<i32>} : memref<4x2x1024xf32, #tpu.memory_space<vmem>>, vector<1x1x16xf32>,
        %parallel_loop3A_343 = arith.constant 3 : i32
        %parallel_loop3A_344 = arith.index_cast %parallel_loop3A_343 : i32 to index
        %parallel_loop3A_345 = arith.index_cast %parallel_loop3A_231 : i32 to index
        %parallel_loop3A_346 = tpu.vector_load %arg12[%parallel_loop3A_344, %parallel_loop3A_345] {strides = array<i32>} : memref<4x1024xf32, #tpu.memory_space<vmem>>, vector<1x16xf32>,
        %parallel_loop3A_347 = vector.shape_cast %parallel_loop3A_346 : vector<1x16xf32> to vector<16xf32>
        %parallel_loop3A_348 = arith.constant 3 : i32
        %parallel_loop3A_349 = arith.constant 0 : i32
        %parallel_loop3A_350 = arith.index_cast %parallel_loop3A_348 : i32 to index
        %parallel_loop3A_351 = arith.index_cast %parallel_loop3A_349 : i32 to index
        %parallel_loop3A_352 = arith.index_cast %parallel_loop3A_231 : i32 to index
        %parallel_loop3A_353 = tpu.vector_load %arg8[%parallel_loop3A_350, %parallel_loop3A_351, %parallel_loop3A_352] {strides = array<i32>} : memref<4x2x1024xf32, #tpu.memory_space<vmem>>, vector<1x1x16xf32>,
        %parallel_loop3A_354 = vector.shape_cast %parallel_loop3A_353 : vector<1x1x16xf32> to vector<16xf32>
        %parallel_loop3A_355 = arith.addf %parallel_loop3A_354, %parallel_loop3A_347 : vector<16xf32>
        %parallel_loop3A_356 = arith.constant 3 : i32
        %parallel_loop3A_357 = arith.constant 0 : i32
        %parallel_loop3A_358 = arith.index_cast %parallel_loop3A_356 : i32 to index
        %parallel_loop3A_359 = arith.index_cast %parallel_loop3A_357 : i32 to index
        %parallel_loop3A_360 = arith.index_cast %parallel_loop3A_231 : i32 to index
        %parallel_loop3A_361 = tpu.vector_load %arg16[%parallel_loop3A_358, %parallel_loop3A_359, %parallel_loop3A_360] {strides = array<i32>} : memref<4x2x1024xf32, #tpu.memory_space<vmem>>, vector<1x1x16xf32>,
        %parallel_loop3A_362 = vector.shape_cast %parallel_loop3A_361 : vector<1x1x16xf32> to vector<16xf32>
        %parallel_loop3A_363 = vector.shape_cast %parallel_loop3A_355 : vector<16xf32> to vector<1x1x16xf32>
        tpu.vector_store %arg16[%parallel_loop3A_358, %parallel_loop3A_359, %parallel_loop3A_360], %parallel_loop3A_363 {strides = array<i32>} : memref<4x2x1024xf32, #tpu.memory_space<vmem>>, vector<1x1x16xf32>,
        %parallel_loop3A_364 = arith.constant 3 : i32
        %parallel_loop3A_365 = arith.constant 1 : i32
        %parallel_loop3A_366 = arith.index_cast %parallel_loop3A_364 : i32 to index
        %parallel_loop3A_367 = arith.index_cast %parallel_loop3A_365 : i32 to index
        %parallel_loop3A_368 = arith.index_cast %parallel_loop3A_231 : i32 to index
        %parallel_loop3A_369 = tpu.vector_load %arg8[%parallel_loop3A_366, %parallel_loop3A_367, %parallel_loop3A_368] {strides = array<i32>} : memref<4x2x1024xf32, #tpu.memory_space<vmem>>, vector<1x1x16xf32>,
        %parallel_loop3A_370 = vector.shape_cast %parallel_loop3A_369 : vector<1x1x16xf32> to vector<16xf32>
        %parallel_loop3A_371 = arith.addf %parallel_loop3A_370, %parallel_loop3A_347 : vector<16xf32>
        %parallel_loop3A_372 = arith.constant 3 : i32
        %parallel_loop3A_373 = arith.constant 1 : i32
        %parallel_loop3A_374 = arith.index_cast %parallel_loop3A_372 : i32 to index
        %parallel_loop3A_375 = arith.index_cast %parallel_loop3A_373 : i32 to index
        %parallel_loop3A_376 = arith.index_cast %parallel_loop3A_231 : i32 to index
        %parallel_loop3A_377 = tpu.vector_load %arg16[%parallel_loop3A_374, %parallel_loop3A_375, %parallel_loop3A_376] {strides = array<i32>} : memref<4x2x1024xf32, #tpu.memory_space<vmem>>, vector<1x1x16xf32>,
        %parallel_loop3A_378 = vector.shape_cast %parallel_loop3A_377 : vector<1x1x16xf32> to vector<16xf32>
        %parallel_loop3A_379 = vector.shape_cast %parallel_loop3A_371 : vector<16xf32> to vector<1x1x16xf32>
        tpu.vector_store %arg16[%parallel_loop3A_374, %parallel_loop3A_375, %parallel_loop3A_376], %parallel_loop3A_379 {strides = array<i32>} : memref<4x2x1024xf32, #tpu.memory_space<vmem>>, vector<1x1x16xf32>,
      } {sc.loop_unroll_factor = 8 : i64, sc.parallel_access}
      %mul3A_212 = arith.constant 4 : i32
      %mul3A_213 = arith.muli %add3A_193, %mul3A_212 : i32
      %add3A_214 = arith.addi %mul3A_2, %mul3A_213 : i32
      %dma_start3A_215 = arith.constant 0 : i32
      %dma_start3A_216 = arith.constant 0 : i32
      %dma_start3A_217 = tpu.memref_slice %arg4[%add3A_214, %dma_start3A_215, %dma_start3A_216] : memref<8192x2x1024xf32, #tpu.memory_space<hbm>> -> memref<4x2x1024xf32, #tpu.memory_space<hbm>>
      %dma_start3A_218 = arith.constant 0 : i32
      %dma_start3A_219 = arith.constant 0 : i32
      %dma_start3A_220 = tpu.memref_slice %arg4[%add3A_214, %dma_start3A_218, %dma_start3A_219] : memref<8192x2x1024xf32, #tpu.memory_space<hbm>> -> memref<4x2x1024xf32, #tpu.memory_space<hbm>>
      tpu.enqueue_dma source(%arg16 : memref<4x2x1024xf32, #tpu.memory_space<vmem>>) target(%dma_start3A_220 : memref<4x2x1024xf32, #tpu.memory_space<hbm>>) target_semaphore(%arg24 : memref<!tpu.dma_semaphore, #tpu.memory_space<semaphore_mem>>)
      %add3A_221 = arith.constant 4 : i32
      %add3A_222 = arith.addi %add3A_193, %add3A_221 : i32
      %lt3A_223 = arith.constant 64 : i32
      %lt3A_224 = arith.cmpi slt, %add3A_222, %lt3A_223 : i32
      %convert_element_type3A_225 = arith.extui %lt3A_224 : i1 to i32
      %cond3A_226 = arith.constant 0 : i32
      %cond3A_227 = arith.cmpi ne, %convert_element_type3A_225, %cond3A_226 : i32
      scf.if %cond3A_227 {
        %add3A_229 = arith.constant 4 : i32
        %add3A_230 = arith.addi %add3A_193, %add3A_229 : i32
        %mul3A_231 = arith.constant 4 : i32
        %mul3A_232 = arith.muli %add3A_230, %mul3A_231 : i32
        %add3A_233 = arith.addi %mul3A_2, %mul3A_232 : i32
        %dma_start3A_234 = arith.constant 0 : i32
        %dma_start3A_235 = arith.constant 0 : i32
        %dma_start3A_236 = tpu.memref_slice %arg2[%add3A_233, %dma_start3A_234, %dma_start3A_235] : memref<8192x2x1024xf32, #tpu.memory_space<hbm>> -> memref<4x2x1024xf32, #tpu.memory_space<hbm>>
        %dma_start3A_237 = arith.constant 0 : i32
        %dma_start3A_238 = arith.constant 0 : i32
        %dma_start3A_239 = tpu.memref_slice %arg2[%add3A_233, %dma_start3A_237, %dma_start3A_238] : memref<8192x2x1024xf32, #tpu.memory_space<hbm>> -> memref<4x2x1024xf32, #tpu.memory_space<hbm>>
        tpu.enqueue_dma source(%dma_start3A_239 : memref<4x2x1024xf32, #tpu.memory_space<hbm>>) target(%arg8 : memref<4x2x1024xf32, #tpu.memory_space<vmem>>) target_semaphore(%arg20 : memref<!tpu.dma_semaphore, #tpu.memory_space<semaphore_mem>>)
        %dma_start3A_240 = arith.constant 0 : i32
        %dma_start3A_241 = tpu.memref_slice %arg3[%add3A_233, %dma_start3A_240] : memref<8192x1024xf32, #tpu.memory_space<hbm>> -> memref<4x1024xf32, #tpu.memory_space<hbm>>
        %dma_start3A_242 = arith.constant 0 : i32
        %dma_start3A_243 = tpu.memref_slice %arg3[%add3A_233, %dma_start3A_242] : memref<8192x1024xf32, #tpu.memory_space<hbm>> -> memref<4x1024xf32, #tpu.memory_space<hbm>>
        tpu.enqueue_dma source(%dma_start3A_243 : memref<4x1024xf32, #tpu.memory_space<hbm>>) target(%arg12 : memref<4x1024xf32, #tpu.memory_space<vmem>>) target_semaphore(%arg20 : memref<!tpu.dma_semaphore, #tpu.memory_space<semaphore_mem>>)
      } else {
      }
      %scan3A_228 = arith.constant 0 : i32
      scf.yield %scan3A_228 : i32
    }
    %scan3A_55 = arith.constant 16 : i32
    %dma_wait3A = arith.constant 0 : i32
    %dma_wait3A_56 = arith.constant 0 : i32
    %dma_wait3A_57 = tpu.memref_slice %arg4[%mul3A_2, %dma_wait3A, %dma_wait3A_56] : memref<8192x2x1024xf32, #tpu.memory_space<hbm>> -> memref<4x2x1024xf32, #tpu.memory_space<hbm>>
    %dma_wait3A_58 = arith.constant 0 : i32
    %dma_wait3A_59 = arith.constant 0 : i32
    %dma_wait3A_60 = tpu.memref_slice %arg4[%mul3A_2, %dma_wait3A_58, %dma_wait3A_59] : memref<8192x2x1024xf32, #tpu.memory_space<hbm>> -> memref<4x2x1024xf32, #tpu.memory_space<hbm>>
    tpu.wait_dma2 semaphore(%arg21 : memref<!tpu.dma_semaphore, #tpu.memory_space<semaphore_mem>>) src(%arg13 : memref<4x2x1024xf32, #tpu.memory_space<vmem>>) dst(%dma_wait3A_60 : memref<4x2x1024xf32, #tpu.memory_space<hbm>>)
    %dma_wait3A_61 = arith.constant 0 : i32
    %dma_wait3A_62 = arith.constant 0 : i32
    %dma_wait3A_63 = tpu.memref_slice %arg4[%mul3A_2, %dma_wait3A_61, %dma_wait3A_62] : memref<8192x2x1024xf32, #tpu.memory_space<hbm>> -> memref<4x2x1024xf32, #tpu.memory_space<hbm>>
    %dma_wait3A_64 = arith.constant 0 : i32
    %dma_wait3A_65 = arith.constant 0 : i32
    %dma_wait3A_66 = tpu.memref_slice %arg4[%mul3A_2, %dma_wait3A_64, %dma_wait3A_65] : memref<8192x2x1024xf32, #tpu.memory_space<hbm>> -> memref<4x2x1024xf32, #tpu.memory_space<hbm>>
    tpu.wait_dma2 semaphore(%arg22 : memref<!tpu.dma_semaphore, #tpu.memory_space<semaphore_mem>>) src(%arg14 : memref<4x2x1024xf32, #tpu.memory_space<vmem>>) dst(%dma_wait3A_66 : memref<4x2x1024xf32, #tpu.memory_space<hbm>>)
    %dma_wait3A_67 = arith.constant 0 : i32
    %dma_wait3A_68 = arith.constant 0 : i32
    %dma_wait3A_69 = tpu.memref_slice %arg4[%mul3A_2, %dma_wait3A_67, %dma_wait3A_68] : memref<8192x2x1024xf32, #tpu.memory_space<hbm>> -> memref<4x2x1024xf32, #tpu.memory_space<hbm>>
    %dma_wait3A_70 = arith.constant 0 : i32
    %dma_wait3A_71 = arith.constant 0 : i32
    %dma_wait3A_72 = tpu.memref_slice %arg4[%mul3A_2, %dma_wait3A_70, %dma_wait3A_71] : memref<8192x2x1024xf32, #tpu.memory_space<hbm>> -> memref<4x2x1024xf32, #tpu.memory_space<hbm>>
    tpu.wait_dma2 semaphore(%arg23 : memref<!tpu.dma_semaphore, #tpu.memory_space<semaphore_mem>>) src(%arg15 : memref<4x2x1024xf32, #tpu.memory_space<vmem>>) dst(%dma_wait3A_72 : memref<4x2x1024xf32, #tpu.memory_space<hbm>>)
    %dma_wait3A_73 = arith.constant 0 : i32
    %dma_wait3A_74 = arith.constant 0 : i32
    %dma_wait3A_75 = tpu.memref_slice %arg4[%mul3A_2, %dma_wait3A_73, %dma_wait3A_74] : memref<8192x2x1024xf32, #tpu.memory_space<hbm>> -> memref<4x2x1024xf32, #tpu.memory_space<hbm>>
    %dma_wait3A_76 = arith.constant 0 : i32
    %dma_wait3A_77 = arith.constant 0 : i32
    %dma_wait3A_78 = tpu.memref_slice %arg4[%mul3A_2, %dma_wait3A_76, %dma_wait3A_77] : memref<8192x2x1024xf32, #tpu.memory_space<hbm>> -> memref<4x2x1024xf32, #tpu.memory_space<hbm>>
    tpu.wait_dma2 semaphore(%arg24 : memref<!tpu.dma_semaphore, #tpu.memory_space<semaphore_mem>>) src(%arg16 : memref<4x2x1024xf32, #tpu.memory_space<vmem>>) dst(%dma_wait3A_78 : memref<4x2x1024xf32, #tpu.memory_space<hbm>>)
    return
  }
}

</mosaic_0001>

<sc_bundles>
// kernel: kernel.3.cloned.1.call-start
scs
__scs_entry_jumppad:
0x0: {  	(pc) =	sbr.rel $0x88, $3  }
0x1: {  	(tag) =	ssettag $0x0;
	lr =	simm.s32 $0x1  }
0x2: {  	[smem:$0x3F9F] =	sst lr;
	_ =	strace $0xD0000000  }
0x3: {  	_ = 	snop  }
0x4: {  	_ = 	snop  }
0x5: {  	_ = 	snop  }
0x6: {  	_ = 	snop  }
0x7: {  	_ = 	snop  }
__scs_overlays_trampoline_lowered:
0x8: {  	[smem:$0x3FAE] =	sst s0  }
0x9: {  	[smem:$0x3FAF] =	sst s1  }
0xa: {  	[smem:$0x3FB0] =	sst s2  }
0xb: {  	[smem:$0x3FB1] =	sst s3  }
0xc: {  	[smem:$0x3FB2] =	sst s4  }
0xd: {  	[smem:$0x3FB3] =	sst s5  }
0xe: {  	[smem:$0x3FB4] =	sst s6  }
0xf: {  	[smem:$0x3FB5] =	sst s7  }
0x10: {  	[smem:$0x3FB6] =	sst s8  }
0x11: {  	[smem:$0x3FB7] =	sst s9;
	s0 =	simm.s32 @!p0 $0x0  }
0x12: {  	s1 =	sld [smem:$0x3F9D];
	s0 =	simm.s32 @p0 $0x1  }
0x13: {  	[smem:$0x3FB8] =	sst s0;
	s0 =	simm.s32 @!p1 $0x0  }
0x14: {  	s2 =	sld [smem:$0x3F9C];
	s0 =	simm.s32 @p1 $0x1  }
0x15: {  	[smem:$0x3FB9] =	sst s0;
	s0 =	simm.s32 @!p2 $0x0  }
0x16: {  	s3 =	sld [smem:$0x3FDB];
	s0 =	simm.s32 @p2 $0x1  }
0x17: {  	s4 =	simm.s32 $0x1BF5;
	[smem:$0x3FBB] =	sst s0  }
0x18: {  	s0 =	sld [smem:$0x3F9E];
	_ =	swait.ge [sflag:s4], $0x0  }
0x19: {  	s7 =	sld [smem:$0x3F9F]  }
0x1a: {  	s8 =	sadd.s32 $0xFFFFE003, lr  }
0x1b: {  	s9 =	sadd.s32 $0xFFFFFEF7, lr;
	s5 =	simm.s32 $0xFFFFFFFF;
	p2 =	slt.u32 s8, $0xFFFFF086  }
0x1c: {  	p1 =	slt.u32 s9, $0xF7A;
	s5 =	simm.s32 @!p2 $0x0  }
0x1d: {  	s5 =	simm.s32 @p1 $0x1;
	p0 =	seq.s32 s7, s2  }
0x1e: {  	s7 =	smul.u32 @!p0 $0xF7A, s2;
	p2 =	seq.s32 @!p0 s5, $0x0  }
0x1f: {  	s9 =	smul.u32 $0xF7A, s1;
	s8 =	simm.s32 @!p0 $0x1BF5;
	p2 =	por !p2, p0  }
0x20: {  	[sflag:s8] =	ssyncset.s32 @!p0 $0xFFFFF086;
	s6 =	sadd.s32 @!p0 s3, s7;
	s7 =	simm.s32 @!p0 $0x108  }
0x21: {  	s3 =	sadd.s32 s3, s9;
	s6 =	sadd.s32 @!p0 $0x88, s6;
	s7 =	simm.s32 @p2 $0x1082  }
0x22: {  	[simem:s7], [sflag:s8] =	dma.local @!p0 [hbm:s6], $0xF7A  }
0x23: {  	s9 =	sor.u32 $0xD0000000, s2;
	s6 =	simm.s32 $0x108;
	_ =	swait.ge @!p0 [sflag:s8], $0x0  }
0x24: {  	s3 =	sadd.s32 $0x88, s3;
	s6 =	simm.s32 @!p1 $0x1082;
	[sflag:s4] =	ssyncset.s32 $0xFFFFF086  }
0x25: {  	[simem:s6], [sflag:s4] =	dma.local [hbm:s3], $0xF7A  }
0x26: {  	[smem:$0x3F9F] =	sst s1;
	(tag) =	ssettag s2;
	_ =	strace s9  }
0x27: {  	s1 =	sld [smem:$0x3FAF]  }
0x28: {  	s2 =	sld [smem:$0x3FB0]  }
0x29: {  	s4 =	sld [smem:$0x3FB2]  }
0x2a: {  	p0 =	seq.s32 s5, $0x0;
	s5 =	sld [smem:$0x3FB3]  }
0x2b: {  	s6 =	sld [smem:$0x3FB4]  }
0x2c: {  	s7 =	sld [smem:$0x3FB5]  }
0x2d: {  	s3 =	simm.s32 $0x108;
	s8 =	sld [smem:$0x3FB6]  }
0x2e: {  	s3 =	simm.s32 @!p0 $0x1082;
	s9 =	sld [smem:$0x3FB7]  }
0x2f: {  	lr =	sadd.s32 s0, s3;
	s0 =	sld [smem:$0x3FAE]  }
0x30: {  	s3 =	sld [smem:$0x3FB1]  }
0x31: {  	[smem:$0x3FBA] =	sst s10  }
0x32: {  	s10 =	sld [smem:$0x3FB8];
	_ =	sdelay $0x3  }
0x33: {  	p0 =	seq.s32 s10, $0x1;
	s10 =	sld [smem:$0x3FBA];
	_ =	sdelay $0x3  }
0x34: {  	[smem:$0x3FBA] =	sst s10  }
0x35: {  	s10 =	sld [smem:$0x3FB9];
	_ =	sdelay $0x3  }
0x36: {  	p1 =	seq.s32 s10, $0x1;
	s10 =	sld [smem:$0x3FBA];
	_ =	sdelay $0x3  }
0x37: {  	[smem:$0x3FBA] =	sst s10  }
0x38: {  	s10 =	sld [smem:$0x3FBB]  }
0x39: {  	_ = 	snop;
	(pc) =	sbr.ind lr, $3  }
0x3a: {  	_ = 	snop  }
0x3b: {  	_ = 	snop  }
0x3c: {  	p2 =	seq.s32 s10, $0x1;
	s10 =	sld [smem:$0x3FBA]  }
0x3d: {  	_ =	shalt  }
0x3e: {  	_ =	shalt  }
0x3f: {  	_ =	shalt  }
0x40: {  	_ =	shalt  }
0x41: {  	_ =	shalt  }
0x42: {  	_ =	shalt  }
0x43: {  	_ =	shalt  }
0x44: {  	_ =	shalt  }
0x45: {  	_ =	shalt  }
0x46: {  	_ =	shalt  }
0x47: {  	_ =	shalt  }
0x48: {  	_ =	shalt  }
0x49: {  	_ =	shalt  }
0x4a: {  	_ =	shalt  }
0x4b: {  	_ =	shalt  }
0x4c: {  	_ =	shalt  }
0x4d: {  	_ =	shalt  }
0x4e: {  	_ =	shalt  }
0x4f: {  	_ =	shalt  }
0x50: {  	_ =	shalt  }
0x51: {  	_ =	shalt  }
0x52: {  	_ =	shalt  }
0x53: {  	_ =	shalt  }
0x54: {  	_ =	shalt  }
0x55: {  	_ =	shalt  }
0x56: {  	_ =	shalt  }
0x57: {  	_ =	shalt  }
0x58: {  	_ =	shalt  }
0x59: {  	_ =	shalt  }
0x5a: {  	_ =	shalt  }
0x5b: {  	_ =	shalt  }
0x5c: {  	_ =	shalt  }
0x5d: {  	_ =	shalt  }
0x5e: {  	_ =	shalt  }
0x5f: {  	_ =	shalt  }
0x60: {  	_ =	shalt  }
0x61: {  	_ =	shalt  }
0x62: {  	_ =	shalt  }
0x63: {  	_ =	shalt  }
0x64: {  	_ =	shalt  }
0x65: {  	_ =	shalt  }
0x66: {  	_ =	shalt  }
0x67: {  	_ =	shalt  }
0x68: {  	_ =	shalt  }
0x69: {  	_ =	shalt  }
0x6a: {  	_ =	shalt  }
0x6b: {  	_ =	shalt  }
0x6c: {  	_ =	shalt  }
0x6d: {  	_ =	shalt  }
0x6e: {  	_ =	shalt  }
0x6f: {  	_ =	shalt  }
0x70: {  	_ =	shalt  }
0x71: {  	_ =	shalt  }
0x72: {  	_ =	shalt  }
0x73: {  	_ =	shalt  }
0x74: {  	_ =	shalt  }
0x75: {  	_ =	shalt  }
0x76: {  	_ =	shalt  }
0x77: {  	_ =	shalt  }
0x78: {  	_ =	shalt  }
0x79: {  	_ =	shalt  }
0x7a: {  	_ =	shalt  }
0x7b: {  	_ =	shalt  }
0x7c: {  	_ =	shalt  }
0x7d: {  	_ =	shalt  }
0x7e: {  	_ =	shalt  }
0x7f: {  	_ =	shalt  }
0x80: {  	_ =	shalt  }
0x81: {  	_ =	shalt  }
0x82: {  	_ =	shalt  }
0x83: {  	_ =	shalt  }
0x84: {  	_ =	shalt  }
0x85: {  	_ =	shalt  }
0x86: {  	_ =	shalt  }
0x87: {  	_ =	shalt  }
.Lfunc_end0:
.L_simem_size_0:
called_computation_lowered:
.L_overlay_start_0:
0x88: {  	s2 =	sld [smem:$0x3FD9]  }
0x89: {  	s3 =	sld [smem:$0x3FFE];
	_ =	sdelay $0x1  }
0x8a: {  	s1 =	srdreg.scid  }
0x8b: {  	s0 =	sand.u32 $0x1, s1  }
0x8c: {  	s18 =	sshll.u32 s0, $0xA;
	s2 =	sadd.s32 s3, s2  }
0x8d: {  	s2 =	sadd.s32 s2, s18  }
0x8e: {  	[smem:$0x3FC6] =	sst s2  }
0x8f: {  	_ = 	snop  }
0x90: {  	s2 =	sld [smem:$0x3FC9]  }
0x91: {  	s19 =	sld [smem:$0x3FC8]  }
0x92: {  	s4 =	sld [smem:$0x3FD0];
	(tm) =	ssettm $0x1  }
0x93: {  	s5 =	sld [smem:$0x3FFB];
	_ =	sdelay $0x3  }
0x94: {  	_ =	strace s5  }
0x95: {  	s5 =	sld [smem:$0x3FFC];
	_ =	sdelay $0x3  }
0x96: {  	_ =	strace s5  }
0x97: {  	s5 =	sld [smem:$0x3FFD];
	_ =	sdelay $0x3  }
0x98: {  	_ =	strace s5  }
0x99: {  	_ =	strace $0x8FFFFFFF  }
0x9a: {  	s20 =	sld [smem:$0x3FDB];
	_ =	sdelay $0x1  }
0x9b: {  	s6 =	simm.s32 $_scs_section_size  }
0x9c: {  	s7 =	simm.s32 $_size__tile_overlayer_lowered;
	s8 =	simm.s32 $_tile_overlayer_lowered  }
0x9d: {  	s23 =	simm.s32 $0x1BFF;
	s22 =	sshll.u32 s8, $0x1;
	s5 =	sadd.s32 s6, s20  }
0x9e: {  	s9 =	simm.s32 $0x0;
	s21 =	sshll.u32 s7, $0x1;
	s7 =	sadd.s32 s22, s5  }
0x9f: {  	[timem:s9], [sflag:s23] =	dma.local [hbm:s7], s21  }
0xa0: {  	_ =	swait.ge [sflag:s23], s21  }
0xa1: {  	s6 =	ssub.s32 $0x0, s21;
	[sflag:s23] =	ssyncset.done $0x0  }
0xa2: {  	[sflag:s23] =	ssyncadd.s32 s6;
	_ =	sdelay $0x1  }
0xa3: {  	s24 =	simm.s32 $0x1B8B  }
0xa4: {  	_ =	swait.ge [sflag:s24], $0x1  }
0xa5: {  	[sflag:s24] =	ssyncset.done $0x0  }
0xa6: {  	s25 =	simm.s32 $0x1B8E;
	[sflag:s24] =	ssyncadd.s32 $0xFFFFFFFF  }
0xa7: {  	s26 =	simm.s32 $execute0_lowered;
	[smem:$0x3FD2] =	sst s25  }
0xa8: {  	s6 =	sshll.u32 s26, $0x1;
	_ =	strace $0x80000046;
	[dreg:$0x1] =	wrdreg $0xFFFFFFFF  }
0xa9: {  	s28 =	simm.s32 $_size_execute0_lowered;
	s5 =	sadd.s32 s5, s6;
	[dreg:$0x0] =	wrdreg $0x0  }
0xaa: {  	s6 =	sshll.u32 s28, $0x1;
	[dreg:$0x2] =	wrdreg s5  }
0xab: {  	[dreg:$0x3] =	wrdreg s6  }
0xac: {  	[dreg:$0x4] =	wrdreg $0xC0  }
0xad: {  	_ =	task [dreg:s9], $0x5FFFF  }
0xae: {  	[dreg:$0x1] =	wrdreg $0xFFFFFFFF  }
0xaf: {  	[dreg:$0x0] =	wrdreg $0x60  }
0xb0: {  	[dreg:$0x2] =	wrdreg s2  }
0xb1: {  	[dreg:$0x3] =	wrdreg s19  }
0xb2: {  	[dreg:$0x4] =	wrdreg s4  }
0xb3: {  	[dreg:$0x5] =	wrdreg $0x9  }
0xb4: {  	_ =	task.clear_ibuf [dreg:s9], $0x6FFFF;
	_ =	strace $0x90000046  }
0xb5: {  	s29 =	simm.s32 $0x9;
	_ =	strace $0x80000048  }
0xb6: {  	_ =	swait.ge [sflag:s29], $0x1  }
0xb7: {  	[sflag:s29] =	ssyncadd.s32 $0xFFFFFFFF  }
0xb8: {  	_ =	strace $0x90000048  }
0xb9: {  	_ =	sfence  }
0xba: {  	s30 =	sld [smem:$0x0];
	_ =	sdelay $0x2  }
0xbb: {  	s31 =	sshll.u32 s1, $0xD;
	s1 =	sshrl.u32 s1, $0x2  }
0xbc: {  	s3 =	sand.u32 $0x4000, s31;
	s1 =	sadd.s32 s1, s30  }
0xbd: {  	s0 =	sor.u32 s3, s0;
	s1 =	sshll.u32 s1, $0x11  }
0xbe: {  	s0 =	sor.u32 s1, s0  }
0xbf: {  	s0 =	sadd.s32 $0x8F2B, s0  }
0xc0: {  	[sflag:s0] =	ssyncadd.remote.s32 $0x1  }
0xc1: {  	_ =	sfence.sel $0xFFFF  }
0xc2: {  	[dreg:$0x0] =	wrdreg $0xFFFFFFFF;
	(pc) =	sbr.abs _section_cstart, $3  }
0xc3: {  	[dreg:$0x1] =	wrdreg $0xFFFFFFFF  }
0xc4: {  	_ =	task.clear_ibuf [dreg:s9], $0x2FFFF;
	_ =	strace $0x9FFFFFFF  }
0xc5: {  	(tm) =	ssettm $0x7FFFFFFF  }
tec
execute0_lowered:
.L_overlay_start_1:
0x0: {  	(tag) =	ssettag $0x1  }
0x1: {  	s1 =	rddreg [dreg:$0x0]  }
0x2: {  	s2 =	rddreg [dreg:$0x1]  }
0x3: {  	s4 =	rddreg [dreg:$0x2];
	s0 =	srdreg.scid;
	s5 =	simm.s32 $0x0  }
0x4: {  	s3 =	stileid.u32;
	s28 =	simm.s32 $0xE000;
	s29 =	simm.s32 $0x3  }
0x5: {  	s30 =	simm.s32 $0x10000;
	s10 =	simm.s32 $0x12000;
	s12 =	simm.s32 $0x0  }
0x6: {  	s0 =	sand.u32 $0x1, s0;
	[smem:$0x7FF] =	sst s5;
	s3 =	sshll.u32 s3, $0x9  }
0x7: {  	s11 =	sadd.s32 $0x40, s2;
	s19 =	sadd.s32 $0x800, s4;
	s6 =	sshll.u32 s0, $0x8  }
0x8: {  	_ =	strace $0x80000047;
	s0 =	ssub.s32 $0x2, s0;
	s6 =	sor.u32 s6, s3  }
0x9: {  	s20 =	sshrl.u32 s0, $0x1;
	s7 =	sshll.u32 s6, $0x8;
	s8 =	sshll.u32 s6, $0x7  }
0xa: {  	s0 =	ssub.s32 s0, s20;
	s22 =	sor.u32 $0x8, s6;
	s24 =	sor.u32 $0xC, s6  }
0xb: {  	s17 =	sor.u32 $0x10, s6;
	s18 =	sor.u32 $0x14, s6;
	s20 =	sor.u32 $0x18, s6  }
0xc: {  	s21 =	sadd.s32 s1, s7;
	s9 =	sadd.s32 s2, s8;
	s8 =	sadd.s32 s8, s11  }
0xd: {  	s23 =	sshll.u32 s22, $0x8;
	s25 =	sshll.u32 s24, $0x7;
	[dreg:$0x5] =	wrdreg s9  }
0xe: {  	s26 =	sshll.u32 s24, $0x8;
	s0 =	smax.u32 s0, $0x1;
	[dreg:$0x4] =	wrdreg s21  }
0xf: {  	s24 =	simm.s32 $0x400;
	s3 =	sadd.s32 $0x400, s21;
	[dreg:$0x7] =	wrdreg s8  }
0x10: {  	s8 =	sadd.s32 s1, s23;
	s21 =	sor.u32 $0x1C, s6;
	[dreg:$0xc] =	wrdreg s0  }
.Ltmp0:
0x11: {  	[dreg:$0x6] =	wrdreg s3;
	s3 =	sshll.u32 s22, $0x7;
	(pc) =	sbr.rel .LBB2_1-.Ltmp0, $4  }
0x12: {  	[dreg:$0x8] =	wrdreg s8;
	s8 =	sand.u32 $0xF8400, s25;
	s3 =	sadd.s32 s2, s3  }
0x13: {  	s23 =	simm.s32 $0x200;
	s31 =	sadd.s32 s8, s11;
	[dreg:$0x9] =	wrdreg s3  }
0x14: {  	s9 =	simm.s32 $0x4;
	s3 =	sadd.s32 s1, s26;
	[dreg:$0xb] =	wrdreg s31  }
0x15: {  	s26 =	simm.s32 $0x2;
	[dreg:$0xa] =	wrdreg s3;
	s3 =	simm.s32 $0x1  }
.LBB2_12:
0x16: {  	s0 =	simm.s32 $0x5  }
0x17: {  	_ =	swait.ge [sflag:s0], $0x2000  }
0x18: {  	[sflag:s0] =	ssyncset.done $0x0  }
0x19: {  	s22 =	simm.s32 $0x6;
	[sflag:s0] =	ssyncadd.s32 $0xFFFFE000  }
0x1a: {  	_ =	swait.ge [sflag:s22], $0x2000  }
0x1b: {  	[sflag:s22] =	ssyncset.done $0x0  }
0x1c: {  	s25 =	simm.s32 $0x7;
	[sflag:s22] =	ssyncadd.s32 $0xFFFFE000  }
0x1d: {  	_ =	swait.ge [sflag:s25], $0x2000  }
0x1e: {  	[sflag:s25] =	ssyncset.done $0x0  }
0x1f: {  	s8 =	simm.s32 $0x8;
	[sflag:s25] =	ssyncadd.s32 $0xFFFFE000  }
0x20: {  	_ =	swait.ge [sflag:s8], $0x2000  }
0x21: {  	s12 =	rddreg [dreg:$0xd]  }
0x22: {  	s31 =	rddreg [dreg:$0xc];
	s12 =	sadd.s32 $0x1, s12  }
0x23: {  	p0 =	sne.s32 s12, s31  }
.Ltmp1:
0x24: {  	_ = 	snop;
	(pc) =	sbr.rel @!p0 .LBB2_13-.Ltmp1, $3  }
0x25: {  	_ =	sdelay $0x1  }
0x26: {  	[sflag:s8] =	ssyncset.done $0x0  }
0x27: {  	[sflag:s8] =	ssyncadd.s32 $0xFFFFE000  }
.LBB2_1:
0x28: {  	[dreg:$0xd] =	wrdreg s12  }
0x29: {  	s0 =	rddreg [dreg:$0x4]  }
0x2a: {  	[tilespmem:s5], [sflag:$0x1] =	stream.linear.gather [hbm4b:s0+s5], $0x2000, $0x38;
	[tilespmem:$0x14000] =	vst v63  }
0x2b: {  	s15 =	rddreg [dreg:$0x5];
	s8 =	simm.s32 $0x8000  }
0x2c: {  	[tilespmem:s8], [sflag:$0x1] =	stream.strided.gather [hbm4b:s15+s23], $0x1000, s24, s23, $0x38;
	[tilespmem:$0x14000] =	vst v63  }
0x2d: {  	s16 =	rddreg [dreg:$0x6];
	s22 =	simm.s32 $0x2000  }
0x2e: {  	[tilespmem:s22], [sflag:$0x2] =	stream.linear.gather [hbm4b:s16+s5], $0x2000, $0x38;
	[tilespmem:$0x14000] =	vst v63  }
0x2f: {  	s25 =	rddreg [dreg:$0x7];
	s31 =	simm.s32 $0x9000  }
0x30: {  	[tilespmem:s31], [sflag:$0x2] =	stream.strided.gather [hbm4b:s25+s23], $0x1000, s24, s23, $0x38;
	[tilespmem:$0x14000] =	vst v63  }
0x31: {  	s12 =	rddreg [dreg:$0x8];
	s13 =	simm.s32 $0x4000  }
0x32: {  	[tilespmem:s13], [sflag:$0x3] =	stream.linear.gather [hbm4b:s12+s5], $0x2000, $0x38;
	[tilespmem:$0x14000] =	vst v63  }
0x33: {  	s14 =	rddreg [dreg:$0x9];
	s15 =	simm.s32 $0xA000  }
0x34: {  	[tilespmem:s15], [sflag:$0x3] =	stream.strided.gather [hbm4b:s14+s23], $0x1000, s24, s23, $0x38;
	[tilespmem:$0x14000] =	vst v63  }
0x35: {  	s16 =	rddreg [dreg:$0xa];
	s22 =	simm.s32 $0x6000  }
0x36: {  	[tilespmem:s22], [sflag:$0x4] =	stream.linear.gather [hbm4b:s16+s5], $0x2000, $0x38;
	[tilespmem:$0x14000] =	vst v63  }
0x37: {  	s25 =	rddreg [dreg:$0xb];
	s31 =	simm.s32 $0xB000;
	s22 =	simm.s32 $0x0  }
0x38: {  	[tilespmem:s31], [sflag:$0x4] =	stream.strided.gather [hbm4b:s25+s23], $0x1000, s24, s23, $0x38;
	[tilespmem:$0x14000] =	vst v63  }
.LBB2_2:
0x39: {  	_ =	swait.ge [sflag:s3], $0x2000  }
0x3a: {  	[sflag:s3] =	ssyncset.done $0x0  }
0x3b: {  	[sflag:s3] =	ssyncadd.s32 $0xFFFFE000  }
0x3c: {  	_ =	swait.ge [sflag:s3], $0x1000  }
0x3d: {  	p0 =	seq.s32 s22, $0x0;
	[sflag:s3] =	ssyncset.done $0x0  }
0x3e: {  	s0 =	simm.s32 @!p0 $0x5;
	[sflag:s3] =	ssyncadd.s32 $0xFFFFF000  }
0x3f: {  	_ =	swait.ge @!p0 [sflag:s0], $0x2000  }
0x40: {  	[sflag:s0] =	ssyncset.done @!p0 $0x0  }
0x41: {  	s31 =	simm.s32 $0x8100;
	[sflag:s0] =	ssyncadd.s32 @!p0 $0xFFFFE000  }
0x42: {  	s13 =	simm.s32 $0x1000;
	v0 =	vld [tilespmem:s31+$0xFFFFFF70]  }
0x43: {  	v1 =	vld [tilespmem:s13+$0xFFFFF070]  }
0x44: {  	v2 =	vld [tilespmem:s13+$0xFFFFF000]  }
0x45: {  	v3 =	vld [tilespmem:s31+$0xFFFFFF10]  }
0x46: {  	v4 =	vld [tilespmem:s13+$0xFFFFF010]  }
0x47: {  	v5 =	vld [tilespmem:s31+$0xFFFFFF20]  }
0x48: {  	v6 =	vld [tilespmem:s13+$0xFFFFF020];
	v1 =	vadd.f32 v1, v0  }
0x49: {  	s12 =	simm.s32 $0xD000;
	v7 =	vld [tilespmem:s31+$0xFFFFFF30]  }
0x4a: {  	v8 =	vld [tilespmem:s13+$0xFFFFF030];
	[tilespmem:s12+$0xFFFFF070] =	vst v1  }
0x4b: {  	v1 =	vld [tilespmem:s13+$0xFFFFF0F0]  }
0x4c: {  	v9 =	vld [tilespmem:s31+$0xFFFFFF40]  }
0x4d: {  	v10 =	vld [tilespmem:s13+$0xFFFFF040]  }
0x4e: {  	v11 =	vld [tilespmem:s31+$0xFFFFFF50]  }
0x4f: {  	v12 =	vld [tilespmem:s13+$0xFFFFF050]  }
0x50: {  	v13 =	vld [tilespmem:s31+$0xFFFFFF60];
	v0 =	vadd.f32 v1, v0  }
0x51: {  	v14 =	vld [tilespmem:s31+$0xFFFFFF00]  }
0x52: {  	v4 =	vadd.f32 v4, v3;
	v1 =	vld [tilespmem:s13+$0xFFFFF060];
	[tilespmem:s12+$0xFFFFF0F0] =	vst v0  }
0x53: {  	v0 =	vadd.f32 v6, v5;
	v6 =	vld [tilespmem:s31+$0xFFFFFFF0]  }
0x54: {  	[tilespmem:s12+$0xFFFFF010] =	vst v4;
	v4 =	vadd.f32 v8, v7;
	v8 =	vld [tilespmem:s13+$0xFFFFF870]  }
0x55: {  	[tilespmem:s12+$0xFFFFF020] =	vst v0;
	v0 =	vadd.f32 v10, v9;
	v10 =	vld [tilespmem:s13+$0xFFFFF090]  }
0x56: {  	[tilespmem:s12+$0xFFFFF030] =	vst v4;
	v4 =	vadd.f32 v12, v11;
	v12 =	vld [tilespmem:s13+$0xFFFFF0A0]  }
0x57: {  	[tilespmem:s12+$0xFFFFF040] =	vst v0;
	v0 =	vadd.f32 v2, v14;
	v2 =	vld [tilespmem:s13+$0xFFFFF0B0]  }
0x58: {  	[tilespmem:s12+$0xFFFFF050] =	vst v4;
	v1 =	vadd.f32 v1, v13;
	v4 =	vld [tilespmem:s13+$0xFFFFF0C0]  }
0x59: {  	[tilespmem:s12+$0xFFFFF000] =	vst v0;
	v0 =	vld [tilespmem:s13+$0xFFFFF0D0];
	v8 =	vadd.f32 v8, v6  }
0x5a: {  	[tilespmem:s12+$0xFFFFF060] =	vst v1;
	v1 =	vld [tilespmem:s13+$0xFFFFF080];
	v3 =	vadd.f32 v10, v3  }
0x5b: {  	v10 =	vld [tilespmem:s13+$0xFFFFF0E0];
	[tilespmem:s12+$0xFFFFF870] =	vst v8  }
0x5c: {  	v5 =	vadd.f32 v12, v5;
	[tilespmem:s12+$0xFFFFF090] =	vst v3;
	v3 =	vld [tilespmem:s13+$0xFFFFF8F0]  }
0x5d: {  	v8 =	vld [tilespmem:s31+$0xFFFFFF90]  }
0x5e: {  	v2 =	vadd.f32 v2, v7;
	[tilespmem:s12+$0xFFFFF0A0] =	vst v5;
	v5 =	vld [tilespmem:s13+$0xFFFFF810]  }
0x5f: {  	v7 =	vld [tilespmem:s31+$0xFFFFFFA0];
	v1 =	vadd.f32 v1, v14  }
0x60: {  	[tilespmem:s12+$0xFFFFF0B0] =	vst v2;
	v2 =	vld [tilespmem:s13+$0xFFFFF820]  }
0x61: {  	[tilespmem:s12+$0xFFFFF080] =	vst v1;
	v1 =	vld [tilespmem:s31+$0xFFFFFFB0];
	v3 =	vadd.f32 v3, v6  }
0x62: {  	v6 =	vld [tilespmem:s31+$0xFFFFFF80]  }
0x63: {  	v0 =	vadd.f32 v0, v11;
	v12 =	vld [tilespmem:s13+$0xFFFFF800];
	[tilespmem:s12+$0xFFFFF8F0] =	vst v3  }
0x64: {  	v3 =	vadd.f32 v4, v9;
	v4 =	vld [tilespmem:s31+$0x70]  }
0x65: {  	[tilespmem:s12+$0xFFFFF0D0] =	vst v0;
	v0 =	vadd.f32 v10, v13;
	v9 =	vld [tilespmem:s13+$0x70]  }
0x66: {  	v13 =	vld [tilespmem:s31+$0xFFFFFFD0]  }
0x67: {  	[tilespmem:s12+$0xFFFFF0E0] =	vst v0;
	v0 =	vld [tilespmem:s13+$0xFFFFF850]  }
0x68: {  	[tilespmem:s12+$0xFFFFF0C0] =	vst v3;
	v3 =	vld [tilespmem:s13+$0xFFFFF830]  }
0x69: {  	v11 =	vld [tilespmem:s31+$0xFFFFFFC0];
	v12 =	vadd.f32 v12, v6  }
0x6a: {  	v10 =	vld [tilespmem:s13+$0xFFFFF840];
	v9 =	vadd.f32 v9, v4  }
0x6b: {  	v5 =	vadd.f32 v5, v8;
	v14 =	vld [tilespmem:s31+$0xFFFFFFE0];
	[tilespmem:s12+$0xFFFFF800] =	vst v12  }
0x6c: {  	[tilespmem:s12+$0x70] =	vst v9;
	v9 =	vld [tilespmem:s13+$0xFFFFF860]  }
0x6d: {  	v2 =	vadd.f32 v2, v7;
	[tilespmem:s12+$0xFFFFF810] =	vst v5;
	v5 =	vld [tilespmem:s13+$0xFFFFF880]  }
0x6e: {  	v3 =	vadd.f32 v3, v1;
	v12 =	vld [tilespmem:s13+$0xF0]  }
0x6f: {  	[tilespmem:s12+$0xFFFFF820] =	vst v2;
	v2 =	vadd.f32 v10, v11;
	v10 =	vld [tilespmem:s13+$0xFFFFF890]  }
0x70: {  	v0 =	vadd.f32 v0, v13;
	[tilespmem:s12+$0xFFFFF830] =	vst v3;
	v3 =	vld [tilespmem:s13+$0xFFFFF8A0]  }
0x71: {  	[tilespmem:s12+$0xFFFFF840] =	vst v2;
	v2 =	vld [tilespmem:s13+$0xFFFFF8B0];
	v9 =	vadd.f32 v9, v14  }
0x72: {  	[tilespmem:s12+$0xFFFFF850] =	vst v0;
	v0 =	vld [tilespmem:s13+$0xFFFFF8C0];
	v5 =	vadd.f32 v5, v6  }
0x73: {  	v4 =	vadd.f32 v12, v4;
	v12 =	vld [tilespmem:s13+$0xFFFFF8D0];
	[tilespmem:s12+$0xFFFFF860] =	vst v9  }
0x74: {  	[tilespmem:s12+$0xFFFFF880] =	vst v5;
	v6 =	vld [tilespmem:s13+$0xFFFFF8E0]  }
0x75: {  	v3 =	vadd.f32 v3, v7;
	[tilespmem:s12+$0xF0] =	vst v4;
	v4 =	vadd.f32 v10, v8;
	v8 =	vld [tilespmem:s31+$0x0]  }
0x76: {  	v9 =	vld [tilespmem:s31+$0xF0]  }
0x77: {  	v1 =	vadd.f32 v2, v1;
	[tilespmem:s12+$0xFFFFF8A0] =	vst v3;
	v5 =	vld [tilespmem:s13+$0x870]  }
0x78: {  	v3 =	vld [tilespmem:s31+$0x20]  }
0x79: {  	[tilespmem:s12+$0xFFFFF8B0] =	vst v1;
	v1 =	vld [tilespmem:s13+$0x20]  }
0x7a: {  	v0 =	vadd.f32 v0, v11;
	[tilespmem:s12+$0xFFFFF890] =	vst v4;
	v4 =	vld [tilespmem:s13+$0x0]  }
0x7b: {  	v10 =	vld [tilespmem:s31+$0x30]  }
0x7c: {  	[tilespmem:s12+$0xFFFFF8C0] =	vst v0;
	v0 =	vld [tilespmem:s13+$0x30]  }
0x7d: {  	v7 =	vld [tilespmem:s31+$0x10]  }
0x7e: {  	v2 =	vld [tilespmem:s13+$0x10];
	v11 =	vadd.f32 v12, v13  }
0x7f: {  	v12 =	vld [tilespmem:s31+$0x40]  }
0x80: {  	v6 =	vadd.f32 v6, v14;
	[tilespmem:s12+$0xFFFFF8D0] =	vst v11;
	v11 =	vld [tilespmem:s13+$0x40]  }
0x81: {  	v13 =	vld [tilespmem:s31+$0x50];
	v1 =	vadd.f32 v1, v3  }
0x82: {  	[tilespmem:s12+$0xFFFFF8E0] =	vst v6;
	v4 =	vadd.f32 v4, v8;
	v6 =	vld [tilespmem:s13+$0x50]  }
0x83: {  	v0 =	vadd.f32 v0, v10;
	v14 =	vld [tilespmem:s31+$0x60];
	[tilespmem:s12+$0x20] =	vst v1  }
0x84: {  	v5 =	vadd.f32 v5, v9;
	[tilespmem:s12+$0x0] =	vst v4;
	v4 =	vld [tilespmem:s13+$0x60]  }
0x85: {  	[tilespmem:s12+$0x30] =	vst v0;
	v0 =	vld [tilespmem:s13+$0xA0]  }
0x86: {  	v2 =	vadd.f32 v2, v7;
	[tilespmem:s12+$0x870] =	vst v5;
	v5 =	vld [tilespmem:s13+$0x80]  }
0x87: {  	v1 =	vadd.f32 v11, v12  }
0x88: {  	v15 =	vld [tilespmem:s13+$0x8F0];
	[tilespmem:s12+$0x10] =	vst v2;
	v6 =	vadd.f32 v6, v13  }
0x89: {  	v2 =	vld [tilespmem:s13+$0x90];
	[tilespmem:s12+$0x40] =	vst v1;
	v1 =	vadd.f32 v4, v14  }
0x8a: {  	v11 =	vld [tilespmem:s13+$0xB0];
	[tilespmem:s12+$0x50] =	vst v6;
	v0 =	vadd.f32 v0, v3  }
0x8b: {  	v4 =	vld [tilespmem:s13+$0xC0];
	v5 =	vadd.f32 v5, v8;
	[tilespmem:s12+$0x60] =	vst v1  }
0x8c: {  	v6 =	vld [tilespmem:s13+$0xD0];
	[tilespmem:s12+$0xA0] =	vst v0  }
0x8d: {  	[tilespmem:s12+$0x80] =	vst v5;
	v5 =	vld [tilespmem:s13+$0xE0]  }
0x8e: {  	v1 =	vadd.f32 v2, v7;
	v2 =	vld [tilespmem:s31+$0xA0]  }
0x8f: {  	v3 =	vadd.f32 v11, v10;
	v8 =	vld [tilespmem:s13+$0x820]  }
0x90: {  	v16 =	vld [tilespmem:s31+$0x80]  }
0x91: {  	[tilespmem:s12+$0xB0] =	vst v3;
	v7 =	vld [tilespmem:s13+$0x800]  }
0x92: {  	v3 =	vld [tilespmem:s31+$0xB0]  }
0x93: {  	[tilespmem:s12+$0x90] =	vst v1;
	v10 =	vld [tilespmem:s13+$0x830];
	v4 =	vadd.f32 v4, v12  }
0x94: {  	v1 =	vld [tilespmem:s31+$0x90]  }
0x95: {  	v0 =	vld [tilespmem:s13+$0x810];
	v6 =	vadd.f32 v6, v13;
	[tilespmem:s12+$0xC0] =	vst v4  }
0x96: {  	v4 =	vld [tilespmem:s31+$0xC0]  }
0x97: {  	[tilespmem:s12+$0xD0] =	vst v6;
	v6 =	vadd.f32 v5, v14;
	v11 =	vld [tilespmem:s13+$0x840]  }
0x98: {  	v5 =	vld [tilespmem:s31+$0xD0]  }
0x99: {  	v7 =	vadd.f32 v7, v16;
	v12 =	vld [tilespmem:s13+$0x850];
	[tilespmem:s12+$0xE0] =	vst v6  }
0x9a: {  	v6 =	vadd.f32 v0, v1;
	v0 =	vld [tilespmem:s31+$0xE0]  }
0x9b: {  	[tilespmem:s12+$0x800] =	vst v7;
	v7 =	vadd.f32 v8, v2;
	v13 =	vld [tilespmem:s13+$0x860]  }
0x9c: {  	[tilespmem:s12+$0x810] =	vst v6;
	v6 =	vadd.f32 v10, v3;
	v14 =	vld [tilespmem:s13+$0x880]  }
0x9d: {  	[tilespmem:s12+$0x820] =	vst v7;
	v7 =	vadd.f32 v11, v4;
	v10 =	vld [tilespmem:s13+$0x890]  }
0x9e: {  	[tilespmem:s12+$0x830] =	vst v6;
	v6 =	vld [tilespmem:s13+$0x8A0];
	v11 =	vadd.f32 v12, v5  }
0x9f: {  	v9 =	vadd.f32 v15, v9;
	[tilespmem:s12+$0x840] =	vst v7;
	v8 =	vld [tilespmem:s13+$0x8B0]  }
0xa0: {  	s8 =	sshll.u32 s22, $0x4;
	s15 =	simm.s32 $0x0;
	v7 =	vld [tilespmem:s13+$0x8C0];
	[tilespmem:s12+$0x850] =	vst v11;
	v12 =	vadd.f32 v13, v0  }
0xa1: {  	s16 =	simm.s32 $0x1000;
	s14 =	simm.s32 $0xD000;
	s0 =	simm.s32 $0x8300;
	[tilespmem:s12+$0x8F0] =	vst v9;
	v11 =	vadd.f32 v14, v16;
	v9 =	vld [tilespmem:s13+$0x8D0]  }
.LBB2_3:
0xa2: {  	v13 =	vld [tilespmem:s0+$0xFFFFFF70];
	v1 =	vadd.f32 v10, v1;
	[tilespmem:s12+$0x860] =	vst v12;
	s13 =	sadd.s32 $0x100, s13  }
0xa3: {  	v10 =	vld [tilespmem:s13+$0xFFFFF070];
	[tilespmem:s12+$0x880] =	vst v11;
	v2 =	vadd.f32 v6, v2  }
0xa4: {  	v6 =	vld [tilespmem:s13+$0xFFFFF000];
	[tilespmem:s12+$0x890] =	vst v1;
	v1 =	vadd.f32 v8, v3  }
0xa5: {  	v3 =	vld [tilespmem:s0+$0xFFFFFF10];
	[tilespmem:s12+$0x8A0] =	vst v2;
	v2 =	vadd.f32 v7, v4  }
0xa6: {  	s15 =	sadd.s32 $0x8, s15;
	v4 =	vld [tilespmem:s13+$0xFFFFF010];
	[tilespmem:s12+$0x8B0] =	vst v1;
	v1 =	vadd.f32 v9, v5  }
0xa7: {  	p1 =	slt.u32 s15, $0x38;
	v5 =	vld [tilespmem:s0+$0xFFFFFF20];
	[tilespmem:s12+$0x8C0] =	vst v2  }
0xa8: {  	v2 =	vld [tilespmem:s13+$0xFFFFF020];
	v7 =	vadd.f32 v10, v13;
	[tilespmem:s12+$0x8D0] =	vst v1  }
0xa9: {  	s12 =	sadd.s32 $0x100, s12;
	v1 =	vld [tilespmem:s0+$0xFFFFFF30]  }
0xaa: {  	v8 =	vld [tilespmem:s13+$0xFFFFF030];
	[tilespmem:s12+$0xFFFFF070] =	vst v7  }
0xab: {  	v4 =	vadd.f32 v4, v3;
	v7 =	vld [tilespmem:s13+$0xFFFFF0F0]  }
0xac: {  	v9 =	vld [tilespmem:s0+$0xFFFFFF40]  }
0xad: {  	[tilespmem:s12+$0xFFFFF010] =	vst v4;
	v2 =	vadd.f32 v2, v5;
	v4 =	vld [tilespmem:s13+$0xFFFFF040]  }
0xae: {  	v10 =	vld [tilespmem:s0+$0xFFFFFF50]  }
0xaf: {  	[tilespmem:s12+$0xFFFFF020] =	vst v2;
	v2 =	vadd.f32 v8, v1;
	v8 =	vld [tilespmem:s13+$0xFFFFF050]  }
0xb0: {  	v11 =	vld [tilespmem:s0+$0xFFFFFF60];
	v7 =	vadd.f32 v7, v13  }
0xb1: {  	[tilespmem:s12+$0xFFFFF030] =	vst v2;
	v2 =	vld [tilespmem:s13+$0xFFFFF060]  }
0xb2: {  	v12 =	vld [tilespmem:s0+$0xFFFFFF00];
	v4 =	vadd.f32 v4, v9;
	[tilespmem:s12+$0xFFFFF0F0] =	vst v7  }
0xb3: {  	v7 =	vld [tilespmem:s0+$0xFFFFFFF0]  }
0xb4: {  	[tilespmem:s12+$0xFFFFF040] =	vst v4;
	v4 =	vadd.f32 v8, v10;
	v8 =	vld [tilespmem:s13+$0xFFFFF870]  }
0xb5: {  	v13 =	vld [tilespmem:s13+$0xFFFFF090]  }
0xb6: {  	v14 =	vld [tilespmem:s13+$0xFFFFF0A0];
	[tilespmem:s12+$0xFFFFF050] =	vst v4;
	v2 =	vadd.f32 v2, v11  }
0xb7: {  	v4 =	vadd.f32 v6, v12;
	v6 =	vld [tilespmem:s13+$0xFFFFF0B0]  }
0xb8: {  	v15 =	vld [tilespmem:s13+$0xFFFFF0C0];
	[tilespmem:s12+$0xFFFFF060] =	vst v2  }
0xb9: {  	[tilespmem:s12+$0xFFFFF000] =	vst v4;
	v2 =	vld [tilespmem:s13+$0xFFFFF0D0];
	v4 =	vadd.f32 v8, v7  }
0xba: {  	v8 =	vld [tilespmem:s13+$0xFFFFF080];
	v3 =	vadd.f32 v13, v3  }
0xbb: {  	v5 =	vadd.f32 v14, v5;
	v13 =	vld [tilespmem:s13+$0xFFFFF0E0];
	[tilespmem:s12+$0xFFFFF870] =	vst v4  }
0xbc: {  	[tilespmem:s12+$0xFFFFF090] =	vst v3;
	v1 =	vadd.f32 v6, v1;
	v3 =	vld [tilespmem:s13+$0xFFFFF8F0]  }
0xbd: {  	v4 =	vld [tilespmem:s0+$0xFFFFFF90];
	[tilespmem:s12+$0xFFFFF0A0] =	vst v5;
	v5 =	vadd.f32 v15, v9  }
0xbe: {  	v6 =	vld [tilespmem:s13+$0xFFFFF810];
	[tilespmem:s12+$0xFFFFF0B0] =	vst v1;
	v1 =	vadd.f32 v2, v10  }
0xbf: {  	v2 =	vadd.f32 v8, v12;
	v8 =	vld [tilespmem:s0+$0xFFFFFFA0];
	[tilespmem:s12+$0xFFFFF0C0] =	vst v5  }
0xc0: {  	v5 =	vld [tilespmem:s13+$0xFFFFF820];
	[tilespmem:s12+$0xFFFFF0D0] =	vst v1;
	v1 =	vadd.f32 v13, v11  }
0xc1: {  	[tilespmem:s12+$0xFFFFF080] =	vst v2;
	v2 =	vld [tilespmem:s0+$0xFFFFFFB0];
	v3 =	vadd.f32 v3, v7  }
0xc2: {  	v7 =	vld [tilespmem:s0+$0xFFFFFF80];
	[tilespmem:s12+$0xFFFFF0E0] =	vst v1  }
0xc3: {  	v1 =	vld [tilespmem:s13+$0xFFFFF800];
	v6 =	vadd.f32 v6, v4;
	[tilespmem:s12+$0xFFFFF8F0] =	vst v3  }
0xc4: {  	v3 =	vld [tilespmem:s0+$0x70]  }
0xc5: {  	[tilespmem:s12+$0xFFFFF810] =	vst v6;
	v5 =	vadd.f32 v5, v8;
	v6 =	vld [tilespmem:s13+$0x70]  }
0xc6: {  	v9 =	vld [tilespmem:s13+$0xFFFFF830]  }
0xc7: {  	[tilespmem:s12+$0xFFFFF820] =	vst v5;
	v5 =	vld [tilespmem:s0+$0xFFFFFFC0]  }
0xc8: {  	v1 =	vadd.f32 v1, v7;
	v10 =	vld [tilespmem:s13+$0xFFFFF840]  }
0xc9: {  	v11 =	vld [tilespmem:s0+$0xFFFFFFD0]  }
0xca: {  	[tilespmem:s12+$0xFFFFF800] =	vst v1;
	v1 =	vld [tilespmem:s13+$0xFFFFF850];
	v6 =	vadd.f32 v6, v3  }
0xcb: {  	v9 =	vadd.f32 v9, v2;
	v12 =	vld [tilespmem:s0+$0xFFFFFFE0]  }
0xcc: {  	v13 =	vld [tilespmem:s13+$0xFFFFF860];
	[tilespmem:s12+$0x70] =	vst v6  }
0xcd: {  	[tilespmem:s12+$0xFFFFF830] =	vst v9;
	v6 =	vadd.f32 v10, v5;
	v9 =	vld [tilespmem:s13+$0xF0]  }
0xce: {  	v10 =	vld [tilespmem:s13+$0xFFFFF880]  }
0xcf: {  	v14 =	vld [tilespmem:s13+$0xFFFFF890];
	[tilespmem:s12+$0xFFFFF840] =	vst v6;
	v1 =	vadd.f32 v1, v11  }
0xd0: {  	v6 =	vld [tilespmem:s13+$0xFFFFF8A0]  }
0xd1: {  	v15 =	vld [tilespmem:s13+$0xFFFFF8B0];
	[tilespmem:s12+$0xFFFFF850] =	vst v1;
	v1 =	vadd.f32 v13, v12  }
0xd2: {  	v13 =	vld [tilespmem:s13+$0xFFFFF8C0];
	v3 =	vadd.f32 v9, v3  }
0xd3: {  	v7 =	vadd.f32 v10, v7;
	v9 =	vld [tilespmem:s13+$0xFFFFF8D0];
	[tilespmem:s12+$0xFFFFF860] =	vst v1  }
0xd4: {  	v1 =	vadd.f32 v14, v4;
	v4 =	vld [tilespmem:s13+$0xFFFFF8E0];
	[tilespmem:s12+$0xF0] =	vst v3  }
0xd5: {  	[tilespmem:s12+$0xFFFFF880] =	vst v7;
	v3 =	vadd.f32 v6, v8;
	v6 =	vld [tilespmem:s0+$0xF0]  }
0xd6: {  	[tilespmem:s12+$0xFFFFF890] =	vst v1;
	v1 =	vadd.f32 v15, v2;
	v2 =	vld [tilespmem:s13+$0x870]  }
0xd7: {  	v7 =	vld [tilespmem:s0+$0x0];
	[tilespmem:s12+$0xFFFFF8A0] =	vst v3;
	v3 =	vadd.f32 v13, v5  }
0xd8: {  	v5 =	vld [tilespmem:s13+$0x0];
	[tilespmem:s12+$0xFFFFF8B0] =	vst v1;
	v1 =	vadd.f32 v9, v11  }
0xd9: {  	v8 =	vld [tilespmem:s0+$0x10];
	[tilespmem:s12+$0xFFFFF8C0] =	vst v3;
	v3 =	vadd.f32 v4, v12  }
0xda: {  	v4 =	vld [tilespmem:s13+$0x10];
	[tilespmem:s12+$0xFFFFF8D0] =	vst v1  }
0xdb: {  	v1 =	vld [tilespmem:s0+$0x20];
	[tilespmem:s12+$0xFFFFF8E0] =	vst v3;
	v2 =	vadd.f32 v2, v6  }
0xdc: {  	v3 =	vld [tilespmem:s13+$0x20]  }
0xdd: {  	v5 =	vadd.f32 v5, v7;
	v9 =	vld [tilespmem:s0+$0x30];
	[tilespmem:s12+$0x870] =	vst v2  }
0xde: {  	v2 =	vld [tilespmem:s13+$0x8F0]  }
0xdf: {  	[tilespmem:s12+$0x0] =	vst v5;
	v4 =	vadd.f32 v4, v8;
	v5 =	vld [tilespmem:s13+$0x30]  }
0xe0: {  	v10 =	vld [tilespmem:s0+$0x40]  }
0xe1: {  	[tilespmem:s12+$0x10] =	vst v4;
	v3 =	vadd.f32 v3, v1;
	v4 =	vld [tilespmem:s13+$0x40]  }
0xe2: {  	v11 =	vld [tilespmem:s0+$0x50]  }
0xe3: {  	[tilespmem:s12+$0x20] =	vst v3;
	v3 =	vld [tilespmem:s13+$0x50];
	v2 =	vadd.f32 v2, v6  }
0xe4: {  	v5 =	vadd.f32 v5, v9;
	v6 =	vld [tilespmem:s0+$0x60]  }
0xe5: {  	v12 =	vld [tilespmem:s13+$0x60];
	[tilespmem:s12+$0x8F0] =	vst v2  }
0xe6: {  	v2 =	vld [tilespmem:s13+$0x80];
	[tilespmem:s12+$0x30] =	vst v5;
	v4 =	vadd.f32 v4, v10  }
0xe7: {  	v5 =	vld [tilespmem:s13+$0x90]  }
0xe8: {  	v13 =	vld [tilespmem:s13+$0xA0];
	[tilespmem:s12+$0x40] =	vst v4;
	v3 =	vadd.f32 v3, v11  }
0xe9: {  	v4 =	vld [tilespmem:s13+$0xB0]  }
0xea: {  	v14 =	vld [tilespmem:s13+$0xC0];
	[tilespmem:s12+$0x50] =	vst v3;
	v3 =	vadd.f32 v12, v6  }
0xeb: {  	v2 =	vadd.f32 v2, v7;
	v7 =	vld [tilespmem:s13+$0xD0]  }
0xec: {  	v5 =	vadd.f32 v5, v8;
	[tilespmem:s12+$0x60] =	vst v3;
	v3 =	vld [tilespmem:s16+$0x8E0];
	s16 =	smov.u32 s13  }
0xed: {  	[tilespmem:s12+$0x80] =	vst v2;
	v1 =	vadd.f32 v13, v1;
	v8 =	vld [tilespmem:s13+$0xE0]  }
0xee: {  	v13 =	vld [tilespmem:s0+$0x80];
	[tilespmem:s12+$0x90] =	vst v5;
	v2 =	vadd.f32 v4, v9  }
0xef: {  	v4 =	vld [tilespmem:s13+$0x800];
	[tilespmem:s12+$0xA0] =	vst v1;
	v5 =	vadd.f32 v14, v10  }
0xf0: {  	v1 =	vld [tilespmem:s0+$0x90];
	[tilespmem:s12+$0xB0] =	vst v2;
	v7 =	vadd.f32 v7, v11  }
0xf1: {  	v9 =	vld [tilespmem:s13+$0x810];
	[tilespmem:s12+$0xC0] =	vst v5;
	v0 =	vadd.f32 v3, v0  }
0xf2: {  	v2 =	vld [tilespmem:s0+$0xA0];
	[tilespmem:s12+$0xD0] =	vst v7;
	v5 =	vadd.f32 v8, v6  }
0xf3: {  	v6 =	vld [tilespmem:s13+$0x820];
	[tilespmem:s14+$0x8E0] =	vst v0;
	s14 =	smov.u32 s12  }
0xf4: {  	v0 =	vadd.f32 v4, v13;
	v3 =	vld [tilespmem:s0+$0xB0];
	[tilespmem:s12+$0xE0] =	vst v5  }
0xf5: {  	v7 =	vld [tilespmem:s13+$0x830]  }
0xf6: {  	[tilespmem:s12+$0x800] =	vst v0;
	v0 =	vadd.f32 v9, v1;
	v4 =	vld [tilespmem:s0+$0xC0]  }
0xf7: {  	v8 =	vld [tilespmem:s13+$0x840]  }
0xf8: {  	[tilespmem:s12+$0x810] =	vst v0;
	v0 =	vadd.f32 v6, v2;
	v5 =	vld [tilespmem:s0+$0xD0]  }
0xf9: {  	v9 =	vld [tilespmem:s13+$0x850]  }
0xfa: {  	[tilespmem:s12+$0x820] =	vst v0;
	v6 =	vadd.f32 v7, v3;
	v0 =	vld [tilespmem:s0+$0xE0]  }
0xfb: {  	v11 =	vld [tilespmem:s13+$0x860]  }
0xfc: {  	v14 =	vld [tilespmem:s13+$0x880];
	[tilespmem:s12+$0x830] =	vst v6;
	v7 =	vadd.f32 v8, v4  }
.Ltmp2:
0xfd: {  	v10 =	vld [tilespmem:s13+$0x890];
	(pc) =	sbr.rel @p1 .LBB2_3-.Ltmp2, $4  }
0xfe: {  	v6 =	vld [tilespmem:s13+$0x8A0];
	[tilespmem:s12+$0x840] =	vst v7;
	v9 =	vadd.f32 v9, v5  }
0xff: {  	v8 =	vld [tilespmem:s13+$0x8B0]  }
0x100: {  	v7 =	vld [tilespmem:s13+$0x8C0];
	[tilespmem:s12+$0x850] =	vst v9;
	v12 =	vadd.f32 v11, v0  }
0x101: {  	s0 =	sadd.s32 $0x200, s0;
	v11 =	vadd.f32 v14, v13;
	v9 =	vld [tilespmem:s13+$0x8D0]  }
0x102: {  	[tilespmem:s12+$0x860] =	vst v12  }
0x103: {  	v1 =	vadd.f32 v10, v1;
	v10 =	vld [tilespmem:s16+$0x8E0]  }
0x104: {  	[tilespmem:s12+$0x880] =	vst v11;
	v2 =	vadd.f32 v6, v2  }
0x105: {  	[tilespmem:s12+$0x890] =	vst v1;
	v1 =	vadd.f32 v8, v3  }
0x106: {  	[tilespmem:s12+$0x8A0] =	vst v2;
	v2 =	vadd.f32 v7, v4  }
0x107: {  	[tilespmem:s12+$0x8B0] =	vst v1;
	v1 =	vadd.f32 v9, v5  }
0x108: {  	s0 =	sshll.u32 s22, $0xC;
	[tilespmem:s12+$0x8C0] =	vst v2;
	v0 =	vadd.f32 v10, v0  }
0x109: {  	[tilespmem:s12+$0x8D0] =	vst v1;
	s12 =	sadd.s32 s7, s0  }
0x10a: {  	s13 =	simm.s32 $0xC000;
	p1 =	seq.s32 s22, $0xF;
	s0 =	sadd.s32 s4, s12;
	[tilespmem:s14+$0x8E0] =	vst v0  }
0x10b: {  	[hbm4b:s0+s5] =	stream.linear.scatter [tilespmem:s13], [sflag:$0x5], $0x2000, $0x38;
	[tilespmem:$0x14000] =	vst v63  }
0x10c: {  	s0 =	sadd.s32 @!p1 s8, s17  }
0x10d: {  	s15 =	simm.s32 @!p1 $0x8000;
	s13 =	sshll.u32 @!p1 s0, $0x8  }
0x10e: {  	s14 =	simm.s32 @!p1 $0x0;
	s0 =	sshll.u32 @!p1 s0, $0x7;
	s13 =	sadd.s32 @!p1 s1, s13  }
0x10f: {  	[tilespmem:s14], [sflag:$0x1] =	stream.linear.gather @!p1 [hbm4b:s13+s14], $0x2000, $0x38;
	[tilespmem:$0x14000] =	vst v63  }
0x110: {  	s0 =	sadd.s32 @!p1 s2, s0;
	s13 =	simm.s32 @!p1 $0x200;
	s14 =	simm.s32 @!p1 $0x400  }
0x111: {  	[tilespmem:s15], [sflag:$0x1] =	stream.strided.gather @!p1 [hbm4b:s0+s13], $0x1000, s14, s13, $0x38;
	[tilespmem:$0x14000] =	vst v63  }
0x112: {  	_ =	swait.ge [sflag:s26], $0x2000  }
0x113: {  	[sflag:s26] =	ssyncset.done $0x0  }
0x114: {  	[sflag:s26] =	ssyncadd.s32 $0xFFFFE000  }
0x115: {  	_ =	swait.ge [sflag:s26], $0x1000  }
0x116: {  	[sflag:s26] =	ssyncset.done $0x0  }
0x117: {  	s0 =	simm.s32 @!p0 $0x6;
	[sflag:s26] =	ssyncadd.s32 $0xFFFFF000  }
0x118: {  	_ =	swait.ge @!p0 [sflag:s0], $0x2000  }
0x119: {  	[sflag:s0] =	ssyncset.done @!p0 $0x0  }
0x11a: {  	s25 =	simm.s32 $0x9100;
	[sflag:s0] =	ssyncadd.s32 @!p0 $0xFFFFE000  }
0x11b: {  	s14 =	simm.s32 $0x3000;
	v0 =	vld [tilespmem:s25+$0xFFFFFF70]  }
0x11c: {  	v1 =	vld [tilespmem:s14+$0xFFFFF070]  }
0x11d: {  	v2 =	vld [tilespmem:s14+$0xFFFFF000]  }
0x11e: {  	v3 =	vld [tilespmem:s25+$0xFFFFFF10]  }
0x11f: {  	v4 =	vld [tilespmem:s14+$0xFFFFF010]  }
0x120: {  	v5 =	vld [tilespmem:s25+$0xFFFFFF20]  }
0x121: {  	v6 =	vld [tilespmem:s14+$0xFFFFF020];
	v1 =	vadd.f32 v1, v0  }
0x122: {  	s13 =	simm.s32 $0xF000;
	v7 =	vld [tilespmem:s25+$0xFFFFFF30]  }
0x123: {  	v8 =	vld [tilespmem:s14+$0xFFFFF030];
	[tilespmem:s13+$0xFFFFF070] =	vst v1  }
0x124: {  	v1 =	vld [tilespmem:s14+$0xFFFFF0F0]  }
0x125: {  	v9 =	vld [tilespmem:s25+$0xFFFFFF40]  }
0x126: {  	v10 =	vld [tilespmem:s14+$0xFFFFF040]  }
0x127: {  	v11 =	vld [tilespmem:s25+$0xFFFFFF50]  }
0x128: {  	v12 =	vld [tilespmem:s14+$0xFFFFF050]  }
0x129: {  	v13 =	vld [tilespmem:s25+$0xFFFFFF60];
	v0 =	vadd.f32 v1, v0  }
0x12a: {  	v14 =	vld [tilespmem:s25+$0xFFFFFF00]  }
0x12b: {  	v4 =	vadd.f32 v4, v3;
	v1 =	vld [tilespmem:s14+$0xFFFFF060];
	[tilespmem:s13+$0xFFFFF0F0] =	vst v0  }
0x12c: {  	v0 =	vadd.f32 v6, v5;
	v6 =	vld [tilespmem:s25+$0xFFFFFFF0]  }
0x12d: {  	[tilespmem:s13+$0xFFFFF010] =	vst v4;
	v4 =	vadd.f32 v8, v7;
	v8 =	vld [tilespmem:s14+$0xFFFFF870]  }
0x12e: {  	[tilespmem:s13+$0xFFFFF020] =	vst v0;
	v0 =	vadd.f32 v10, v9;
	v10 =	vld [tilespmem:s14+$0xFFFFF090]  }
0x12f: {  	[tilespmem:s13+$0xFFFFF030] =	vst v4;
	v4 =	vadd.f32 v12, v11;
	v12 =	vld [tilespmem:s14+$0xFFFFF0A0]  }
0x130: {  	[tilespmem:s13+$0xFFFFF040] =	vst v0;
	v0 =	vadd.f32 v2, v14;
	v2 =	vld [tilespmem:s14+$0xFFFFF0B0]  }
0x131: {  	[tilespmem:s13+$0xFFFFF050] =	vst v4;
	v1 =	vadd.f32 v1, v13;
	v4 =	vld [tilespmem:s14+$0xFFFFF0C0]  }
0x132: {  	[tilespmem:s13+$0xFFFFF000] =	vst v0;
	v0 =	vld [tilespmem:s14+$0xFFFFF0D0];
	v8 =	vadd.f32 v8, v6  }
0x133: {  	[tilespmem:s13+$0xFFFFF060] =	vst v1;
	v1 =	vld [tilespmem:s14+$0xFFFFF080];
	v3 =	vadd.f32 v10, v3  }
0x134: {  	v10 =	vld [tilespmem:s14+$0xFFFFF0E0];
	[tilespmem:s13+$0xFFFFF870] =	vst v8  }
0x135: {  	v5 =	vadd.f32 v12, v5;
	[tilespmem:s13+$0xFFFFF090] =	vst v3;
	v3 =	vld [tilespmem:s14+$0xFFFFF8F0]  }
0x136: {  	v8 =	vld [tilespmem:s25+$0xFFFFFF90]  }
0x137: {  	v2 =	vadd.f32 v2, v7;
	[tilespmem:s13+$0xFFFFF0A0] =	vst v5;
	v5 =	vld [tilespmem:s14+$0xFFFFF810]  }
0x138: {  	v7 =	vld [tilespmem:s25+$0xFFFFFFA0];
	v1 =	vadd.f32 v1, v14  }
0x139: {  	[tilespmem:s13+$0xFFFFF0B0] =	vst v2;
	v2 =	vld [tilespmem:s14+$0xFFFFF820]  }
0x13a: {  	[tilespmem:s13+$0xFFFFF080] =	vst v1;
	v1 =	vld [tilespmem:s25+$0xFFFFFFB0];
	v3 =	vadd.f32 v3, v6  }
0x13b: {  	v6 =	vld [tilespmem:s25+$0xFFFFFF80]  }
0x13c: {  	v0 =	vadd.f32 v0, v11;
	v12 =	vld [tilespmem:s14+$0xFFFFF800];
	[tilespmem:s13+$0xFFFFF8F0] =	vst v3  }
0x13d: {  	v3 =	vadd.f32 v4, v9;
	v4 =	vld [tilespmem:s25+$0x70]  }
0x13e: {  	[tilespmem:s13+$0xFFFFF0D0] =	vst v0;
	v0 =	vadd.f32 v10, v13;
	v9 =	vld [tilespmem:s14+$0x70]  }
0x13f: {  	v13 =	vld [tilespmem:s25+$0xFFFFFFD0]  }
0x140: {  	[tilespmem:s13+$0xFFFFF0E0] =	vst v0;
	v0 =	vld [tilespmem:s14+$0xFFFFF850]  }
0x141: {  	[tilespmem:s13+$0xFFFFF0C0] =	vst v3;
	v3 =	vld [tilespmem:s14+$0xFFFFF830]  }
0x142: {  	v11 =	vld [tilespmem:s25+$0xFFFFFFC0];
	v12 =	vadd.f32 v12, v6  }
0x143: {  	v10 =	vld [tilespmem:s14+$0xFFFFF840];
	v9 =	vadd.f32 v9, v4  }
0x144: {  	v5 =	vadd.f32 v5, v8;
	v14 =	vld [tilespmem:s25+$0xFFFFFFE0];
	[tilespmem:s13+$0xFFFFF800] =	vst v12  }
0x145: {  	[tilespmem:s13+$0x70] =	vst v9;
	v9 =	vld [tilespmem:s14+$0xFFFFF860]  }
0x146: {  	v2 =	vadd.f32 v2, v7;
	[tilespmem:s13+$0xFFFFF810] =	vst v5;
	v5 =	vld [tilespmem:s14+$0xFFFFF880]  }
0x147: {  	v3 =	vadd.f32 v3, v1;
	v12 =	vld [tilespmem:s14+$0xF0]  }
0x148: {  	[tilespmem:s13+$0xFFFFF820] =	vst v2;
	v2 =	vadd.f32 v10, v11;
	v10 =	vld [tilespmem:s14+$0xFFFFF890]  }
0x149: {  	v0 =	vadd.f32 v0, v13;
	[tilespmem:s13+$0xFFFFF830] =	vst v3;
	v3 =	vld [tilespmem:s14+$0xFFFFF8A0]  }
0x14a: {  	[tilespmem:s13+$0xFFFFF840] =	vst v2;
	v2 =	vld [tilespmem:s14+$0xFFFFF8B0];
	v9 =	vadd.f32 v9, v14  }
0x14b: {  	[tilespmem:s13+$0xFFFFF850] =	vst v0;
	v0 =	vld [tilespmem:s14+$0xFFFFF8C0];
	v5 =	vadd.f32 v5, v6  }
0x14c: {  	v4 =	vadd.f32 v12, v4;
	v12 =	vld [tilespmem:s14+$0xFFFFF8D0];
	[tilespmem:s13+$0xFFFFF860] =	vst v9  }
0x14d: {  	[tilespmem:s13+$0xFFFFF880] =	vst v5;
	v6 =	vld [tilespmem:s14+$0xFFFFF8E0]  }
0x14e: {  	v3 =	vadd.f32 v3, v7;
	[tilespmem:s13+$0xF0] =	vst v4;
	v4 =	vadd.f32 v10, v8;
	v8 =	vld [tilespmem:s25+$0x0]  }
0x14f: {  	v9 =	vld [tilespmem:s25+$0xF0]  }
0x150: {  	v1 =	vadd.f32 v2, v1;
	[tilespmem:s13+$0xFFFFF8A0] =	vst v3;
	v5 =	vld [tilespmem:s14+$0x870]  }
0x151: {  	v3 =	vld [tilespmem:s25+$0x20]  }
0x152: {  	[tilespmem:s13+$0xFFFFF8B0] =	vst v1;
	v1 =	vld [tilespmem:s14+$0x20]  }
0x153: {  	v0 =	vadd.f32 v0, v11;
	[tilespmem:s13+$0xFFFFF890] =	vst v4;
	v4 =	vld [tilespmem:s14+$0x0]  }
0x154: {  	v10 =	vld [tilespmem:s25+$0x30]  }
0x155: {  	[tilespmem:s13+$0xFFFFF8C0] =	vst v0;
	v0 =	vld [tilespmem:s14+$0x30]  }
0x156: {  	v7 =	vld [tilespmem:s25+$0x10]  }
0x157: {  	v2 =	vld [tilespmem:s14+$0x10];
	v11 =	vadd.f32 v12, v13  }
0x158: {  	v12 =	vld [tilespmem:s25+$0x40]  }
0x159: {  	v6 =	vadd.f32 v6, v14;
	[tilespmem:s13+$0xFFFFF8D0] =	vst v11;
	v11 =	vld [tilespmem:s14+$0x40]  }
0x15a: {  	v13 =	vld [tilespmem:s25+$0x50];
	v1 =	vadd.f32 v1, v3  }
0x15b: {  	[tilespmem:s13+$0xFFFFF8E0] =	vst v6;
	v4 =	vadd.f32 v4, v8;
	v6 =	vld [tilespmem:s14+$0x50]  }
0x15c: {  	v0 =	vadd.f32 v0, v10;
	v14 =	vld [tilespmem:s25+$0x60];
	[tilespmem:s13+$0x20] =	vst v1  }
0x15d: {  	v5 =	vadd.f32 v5, v9;
	[tilespmem:s13+$0x0] =	vst v4;
	v4 =	vld [tilespmem:s14+$0x60]  }
0x15e: {  	[tilespmem:s13+$0x30] =	vst v0;
	v0 =	vld [tilespmem:s14+$0xA0]  }
0x15f: {  	v2 =	vadd.f32 v2, v7;
	[tilespmem:s13+$0x870] =	vst v5;
	v5 =	vld [tilespmem:s14+$0x80]  }
0x160: {  	v1 =	vadd.f32 v11, v12  }
0x161: {  	v15 =	vld [tilespmem:s14+$0x8F0];
	[tilespmem:s13+$0x10] =	vst v2;
	v6 =	vadd.f32 v6, v13  }
0x162: {  	v2 =	vld [tilespmem:s14+$0x90];
	[tilespmem:s13+$0x40] =	vst v1;
	v1 =	vadd.f32 v4, v14  }
0x163: {  	v11 =	vld [tilespmem:s14+$0xB0];
	[tilespmem:s13+$0x50] =	vst v6;
	v0 =	vadd.f32 v0, v3  }
0x164: {  	v4 =	vld [tilespmem:s14+$0xC0];
	v5 =	vadd.f32 v5, v8;
	[tilespmem:s13+$0x60] =	vst v1  }
0x165: {  	v6 =	vld [tilespmem:s14+$0xD0];
	[tilespmem:s13+$0xA0] =	vst v0  }
0x166: {  	[tilespmem:s13+$0x80] =	vst v5;
	v5 =	vld [tilespmem:s14+$0xE0]  }
0x167: {  	v1 =	vadd.f32 v2, v7;
	v2 =	vld [tilespmem:s25+$0xA0]  }
0x168: {  	v3 =	vadd.f32 v11, v10;
	v8 =	vld [tilespmem:s14+$0x820]  }
0x169: {  	v16 =	vld [tilespmem:s25+$0x80]  }
0x16a: {  	[tilespmem:s13+$0xB0] =	vst v3;
	v7 =	vld [tilespmem:s14+$0x800]  }
0x16b: {  	v3 =	vld [tilespmem:s25+$0xB0]  }
0x16c: {  	[tilespmem:s13+$0x90] =	vst v1;
	v10 =	vld [tilespmem:s14+$0x830];
	v4 =	vadd.f32 v4, v12  }
0x16d: {  	v1 =	vld [tilespmem:s25+$0x90]  }
0x16e: {  	v0 =	vld [tilespmem:s14+$0x810];
	v6 =	vadd.f32 v6, v13;
	[tilespmem:s13+$0xC0] =	vst v4  }
0x16f: {  	v4 =	vld [tilespmem:s25+$0xC0]  }
0x170: {  	[tilespmem:s13+$0xD0] =	vst v6;
	v6 =	vadd.f32 v5, v14;
	v11 =	vld [tilespmem:s14+$0x840]  }
0x171: {  	v5 =	vld [tilespmem:s25+$0xD0]  }
0x172: {  	v7 =	vadd.f32 v7, v16;
	v12 =	vld [tilespmem:s14+$0x850];
	[tilespmem:s13+$0xE0] =	vst v6  }
0x173: {  	v6 =	vadd.f32 v0, v1;
	v0 =	vld [tilespmem:s25+$0xE0]  }
0x174: {  	[tilespmem:s13+$0x800] =	vst v7;
	v7 =	vadd.f32 v8, v2;
	v13 =	vld [tilespmem:s14+$0x860]  }
0x175: {  	[tilespmem:s13+$0x810] =	vst v6;
	v6 =	vadd.f32 v10, v3;
	v14 =	vld [tilespmem:s14+$0x880]  }
0x176: {  	[tilespmem:s13+$0x820] =	vst v7;
	v7 =	vadd.f32 v11, v4;
	v10 =	vld [tilespmem:s14+$0x890]  }
0x177: {  	[tilespmem:s13+$0x830] =	vst v6;
	v6 =	vld [tilespmem:s14+$0x8A0];
	v11 =	vadd.f32 v12, v5  }
0x178: {  	v9 =	vadd.f32 v15, v9;
	[tilespmem:s13+$0x840] =	vst v7;
	v8 =	vld [tilespmem:s14+$0x8B0]  }
0x179: {  	s31 =	simm.s32 $0x3000;
	v7 =	vld [tilespmem:s14+$0x8C0];
	[tilespmem:s13+$0x850] =	vst v11;
	v12 =	vadd.f32 v13, v0  }
0x17a: {  	s16 =	simm.s32 $0x0;
	s15 =	simm.s32 $0xF000;
	s0 =	simm.s32 $0x9300;
	[tilespmem:s13+$0x8F0] =	vst v9;
	v11 =	vadd.f32 v14, v16;
	v9 =	vld [tilespmem:s14+$0x8D0]  }
.LBB2_5:
0x17b: {  	v13 =	vld [tilespmem:s0+$0xFFFFFF70];
	v1 =	vadd.f32 v10, v1;
	[tilespmem:s13+$0x860] =	vst v12;
	s14 =	sadd.s32 $0x100, s14  }
0x17c: {  	v10 =	vld [tilespmem:s14+$0xFFFFF070];
	[tilespmem:s13+$0x880] =	vst v11;
	v2 =	vadd.f32 v6, v2  }
0x17d: {  	v6 =	vld [tilespmem:s14+$0xFFFFF000];
	[tilespmem:s13+$0x890] =	vst v1;
	v1 =	vadd.f32 v8, v3  }
0x17e: {  	v3 =	vld [tilespmem:s0+$0xFFFFFF10];
	[tilespmem:s13+$0x8A0] =	vst v2;
	v2 =	vadd.f32 v7, v4  }
0x17f: {  	s16 =	sadd.s32 $0x8, s16;
	v4 =	vld [tilespmem:s14+$0xFFFFF010];
	[tilespmem:s13+$0x8B0] =	vst v1;
	v1 =	vadd.f32 v9, v5  }
0x180: {  	p2 =	slt.u32 s16, $0x38;
	v5 =	vld [tilespmem:s0+$0xFFFFFF20];
	[tilespmem:s13+$0x8C0] =	vst v2  }
0x181: {  	v2 =	vld [tilespmem:s14+$0xFFFFF020];
	v7 =	vadd.f32 v10, v13;
	[tilespmem:s13+$0x8D0] =	vst v1  }
0x182: {  	s13 =	sadd.s32 $0x100, s13;
	v1 =	vld [tilespmem:s0+$0xFFFFFF30]  }
0x183: {  	v8 =	vld [tilespmem:s14+$0xFFFFF030];
	[tilespmem:s13+$0xFFFFF070] =	vst v7  }
0x184: {  	v4 =	vadd.f32 v4, v3;
	v7 =	vld [tilespmem:s14+$0xFFFFF0F0]  }
0x185: {  	v9 =	vld [tilespmem:s0+$0xFFFFFF40]  }
0x186: {  	[tilespmem:s13+$0xFFFFF010] =	vst v4;
	v2 =	vadd.f32 v2, v5;
	v4 =	vld [tilespmem:s14+$0xFFFFF040]  }
0x187: {  	v10 =	vld [tilespmem:s0+$0xFFFFFF50]  }
0x188: {  	[tilespmem:s13+$0xFFFFF020] =	vst v2;
	v2 =	vadd.f32 v8, v1;
	v8 =	vld [tilespmem:s14+$0xFFFFF050]  }
0x189: {  	v11 =	vld [tilespmem:s0+$0xFFFFFF60];
	v7 =	vadd.f32 v7, v13  }
0x18a: {  	[tilespmem:s13+$0xFFFFF030] =	vst v2;
	v2 =	vld [tilespmem:s14+$0xFFFFF060]  }
0x18b: {  	v12 =	vld [tilespmem:s0+$0xFFFFFF00];
	v4 =	vadd.f32 v4, v9;
	[tilespmem:s13+$0xFFFFF0F0] =	vst v7  }
0x18c: {  	v7 =	vld [tilespmem:s0+$0xFFFFFFF0]  }
0x18d: {  	[tilespmem:s13+$0xFFFFF040] =	vst v4;
	v4 =	vadd.f32 v8, v10;
	v8 =	vld [tilespmem:s14+$0xFFFFF870]  }
0x18e: {  	v13 =	vld [tilespmem:s14+$0xFFFFF090]  }
0x18f: {  	v14 =	vld [tilespmem:s14+$0xFFFFF0A0];
	[tilespmem:s13+$0xFFFFF050] =	vst v4;
	v2 =	vadd.f32 v2, v11  }
0x190: {  	v4 =	vadd.f32 v6, v12;
	v6 =	vld [tilespmem:s14+$0xFFFFF0B0]  }
0x191: {  	v15 =	vld [tilespmem:s14+$0xFFFFF0C0];
	[tilespmem:s13+$0xFFFFF060] =	vst v2  }
0x192: {  	[tilespmem:s13+$0xFFFFF000] =	vst v4;
	v2 =	vld [tilespmem:s14+$0xFFFFF0D0];
	v4 =	vadd.f32 v8, v7  }
0x193: {  	v8 =	vld [tilespmem:s14+$0xFFFFF080];
	v3 =	vadd.f32 v13, v3  }
0x194: {  	v5 =	vadd.f32 v14, v5;
	v13 =	vld [tilespmem:s14+$0xFFFFF0E0];
	[tilespmem:s13+$0xFFFFF870] =	vst v4  }
0x195: {  	[tilespmem:s13+$0xFFFFF090] =	vst v3;
	v1 =	vadd.f32 v6, v1;
	v3 =	vld [tilespmem:s14+$0xFFFFF8F0]  }
0x196: {  	v4 =	vld [tilespmem:s0+$0xFFFFFF90];
	[tilespmem:s13+$0xFFFFF0A0] =	vst v5;
	v5 =	vadd.f32 v15, v9  }
0x197: {  	v6 =	vld [tilespmem:s14+$0xFFFFF810];
	[tilespmem:s13+$0xFFFFF0B0] =	vst v1;
	v1 =	vadd.f32 v2, v10  }
0x198: {  	v2 =	vadd.f32 v8, v12;
	v8 =	vld [tilespmem:s0+$0xFFFFFFA0];
	[tilespmem:s13+$0xFFFFF0C0] =	vst v5  }
0x199: {  	v5 =	vld [tilespmem:s14+$0xFFFFF820];
	[tilespmem:s13+$0xFFFFF0D0] =	vst v1;
	v1 =	vadd.f32 v13, v11  }
0x19a: {  	[tilespmem:s13+$0xFFFFF080] =	vst v2;
	v2 =	vld [tilespmem:s0+$0xFFFFFFB0];
	v3 =	vadd.f32 v3, v7  }
0x19b: {  	v7 =	vld [tilespmem:s0+$0xFFFFFF80];
	[tilespmem:s13+$0xFFFFF0E0] =	vst v1  }
0x19c: {  	v1 =	vld [tilespmem:s14+$0xFFFFF800];
	v6 =	vadd.f32 v6, v4;
	[tilespmem:s13+$0xFFFFF8F0] =	vst v3  }
0x19d: {  	v3 =	vld [tilespmem:s0+$0x70]  }
0x19e: {  	[tilespmem:s13+$0xFFFFF810] =	vst v6;
	v5 =	vadd.f32 v5, v8;
	v6 =	vld [tilespmem:s14+$0x70]  }
0x19f: {  	v9 =	vld [tilespmem:s14+$0xFFFFF830]  }
0x1a0: {  	[tilespmem:s13+$0xFFFFF820] =	vst v5;
	v5 =	vld [tilespmem:s0+$0xFFFFFFC0]  }
0x1a1: {  	v1 =	vadd.f32 v1, v7;
	v10 =	vld [tilespmem:s14+$0xFFFFF840]  }
0x1a2: {  	v11 =	vld [tilespmem:s0+$0xFFFFFFD0]  }
0x1a3: {  	[tilespmem:s13+$0xFFFFF800] =	vst v1;
	v1 =	vld [tilespmem:s14+$0xFFFFF850];
	v6 =	vadd.f32 v6, v3  }
0x1a4: {  	v9 =	vadd.f32 v9, v2;
	v12 =	vld [tilespmem:s0+$0xFFFFFFE0]  }
0x1a5: {  	v13 =	vld [tilespmem:s14+$0xFFFFF860];
	[tilespmem:s13+$0x70] =	vst v6  }
0x1a6: {  	[tilespmem:s13+$0xFFFFF830] =	vst v9;
	v6 =	vadd.f32 v10, v5;
	v9 =	vld [tilespmem:s14+$0xF0]  }
0x1a7: {  	v10 =	vld [tilespmem:s14+$0xFFFFF880]  }
0x1a8: {  	v14 =	vld [tilespmem:s14+$0xFFFFF890];
	[tilespmem:s13+$0xFFFFF840] =	vst v6;
	v1 =	vadd.f32 v1, v11  }
0x1a9: {  	v6 =	vld [tilespmem:s14+$0xFFFFF8A0]  }
0x1aa: {  	v15 =	vld [tilespmem:s14+$0xFFFFF8B0];
	[tilespmem:s13+$0xFFFFF850] =	vst v1;
	v1 =	vadd.f32 v13, v12  }
0x1ab: {  	v13 =	vld [tilespmem:s14+$0xFFFFF8C0];
	v3 =	vadd.f32 v9, v3  }
0x1ac: {  	v7 =	vadd.f32 v10, v7;
	v9 =	vld [tilespmem:s14+$0xFFFFF8D0];
	[tilespmem:s13+$0xFFFFF860] =	vst v1  }
0x1ad: {  	v1 =	vadd.f32 v14, v4;
	v4 =	vld [tilespmem:s14+$0xFFFFF8E0];
	[tilespmem:s13+$0xF0] =	vst v3  }
0x1ae: {  	[tilespmem:s13+$0xFFFFF880] =	vst v7;
	v3 =	vadd.f32 v6, v8;
	v6 =	vld [tilespmem:s0+$0xF0]  }
0x1af: {  	[tilespmem:s13+$0xFFFFF890] =	vst v1;
	v1 =	vadd.f32 v15, v2;
	v2 =	vld [tilespmem:s14+$0x870]  }
0x1b0: {  	v7 =	vld [tilespmem:s0+$0x0];
	[tilespmem:s13+$0xFFFFF8A0] =	vst v3;
	v3 =	vadd.f32 v13, v5  }
0x1b1: {  	v5 =	vld [tilespmem:s14+$0x0];
	[tilespmem:s13+$0xFFFFF8B0] =	vst v1;
	v1 =	vadd.f32 v9, v11  }
0x1b2: {  	v8 =	vld [tilespmem:s0+$0x10];
	[tilespmem:s13+$0xFFFFF8C0] =	vst v3;
	v3 =	vadd.f32 v4, v12  }
0x1b3: {  	v4 =	vld [tilespmem:s14+$0x10];
	[tilespmem:s13+$0xFFFFF8D0] =	vst v1  }
0x1b4: {  	v1 =	vld [tilespmem:s0+$0x20];
	[tilespmem:s13+$0xFFFFF8E0] =	vst v3;
	v2 =	vadd.f32 v2, v6  }
0x1b5: {  	v3 =	vld [tilespmem:s14+$0x20]  }
0x1b6: {  	v5 =	vadd.f32 v5, v7;
	v9 =	vld [tilespmem:s0+$0x30];
	[tilespmem:s13+$0x870] =	vst v2  }
0x1b7: {  	v2 =	vld [tilespmem:s14+$0x8F0]  }
0x1b8: {  	[tilespmem:s13+$0x0] =	vst v5;
	v4 =	vadd.f32 v4, v8;
	v5 =	vld [tilespmem:s14+$0x30]  }
0x1b9: {  	v10 =	vld [tilespmem:s0+$0x40]  }
0x1ba: {  	[tilespmem:s13+$0x10] =	vst v4;
	v3 =	vadd.f32 v3, v1;
	v4 =	vld [tilespmem:s14+$0x40]  }
0x1bb: {  	v11 =	vld [tilespmem:s0+$0x50]  }
0x1bc: {  	[tilespmem:s13+$0x20] =	vst v3;
	v3 =	vld [tilespmem:s14+$0x50];
	v2 =	vadd.f32 v2, v6  }
0x1bd: {  	v5 =	vadd.f32 v5, v9;
	v6 =	vld [tilespmem:s0+$0x60]  }
0x1be: {  	v12 =	vld [tilespmem:s14+$0x60];
	[tilespmem:s13+$0x8F0] =	vst v2  }
0x1bf: {  	v2 =	vld [tilespmem:s14+$0x80];
	[tilespmem:s13+$0x30] =	vst v5;
	v4 =	vadd.f32 v4, v10  }
0x1c0: {  	v5 =	vld [tilespmem:s14+$0x90]  }
0x1c1: {  	v13 =	vld [tilespmem:s14+$0xA0];
	[tilespmem:s13+$0x40] =	vst v4;
	v3 =	vadd.f32 v3, v11  }
0x1c2: {  	v4 =	vld [tilespmem:s14+$0xB0]  }
0x1c3: {  	v14 =	vld [tilespmem:s14+$0xC0];
	[tilespmem:s13+$0x50] =	vst v3;
	v3 =	vadd.f32 v12, v6  }
0x1c4: {  	v2 =	vadd.f32 v2, v7;
	v7 =	vld [tilespmem:s14+$0xD0]  }
0x1c5: {  	v5 =	vadd.f32 v5, v8;
	[tilespmem:s13+$0x60] =	vst v3;
	v3 =	vld [tilespmem:s31+$0x8E0];
	s31 =	smov.u32 s14  }
0x1c6: {  	[tilespmem:s13+$0x80] =	vst v2;
	v1 =	vadd.f32 v13, v1;
	v8 =	vld [tilespmem:s14+$0xE0]  }
0x1c7: {  	v13 =	vld [tilespmem:s0+$0x80];
	[tilespmem:s13+$0x90] =	vst v5;
	v2 =	vadd.f32 v4, v9  }
0x1c8: {  	v4 =	vld [tilespmem:s14+$0x800];
	[tilespmem:s13+$0xA0] =	vst v1;
	v5 =	vadd.f32 v14, v10  }
0x1c9: {  	v1 =	vld [tilespmem:s0+$0x90];
	[tilespmem:s13+$0xB0] =	vst v2;
	v7 =	vadd.f32 v7, v11  }
0x1ca: {  	v9 =	vld [tilespmem:s14+$0x810];
	[tilespmem:s13+$0xC0] =	vst v5;
	v0 =	vadd.f32 v3, v0  }
0x1cb: {  	v2 =	vld [tilespmem:s0+$0xA0];
	[tilespmem:s13+$0xD0] =	vst v7;
	v5 =	vadd.f32 v8, v6  }
0x1cc: {  	v6 =	vld [tilespmem:s14+$0x820];
	[tilespmem:s15+$0x8E0] =	vst v0;
	s15 =	smov.u32 s13  }
0x1cd: {  	v0 =	vadd.f32 v4, v13;
	v3 =	vld [tilespmem:s0+$0xB0];
	[tilespmem:s13+$0xE0] =	vst v5  }
0x1ce: {  	v7 =	vld [tilespmem:s14+$0x830]  }
0x1cf: {  	[tilespmem:s13+$0x800] =	vst v0;
	v0 =	vadd.f32 v9, v1;
	v4 =	vld [tilespmem:s0+$0xC0]  }
0x1d0: {  	v8 =	vld [tilespmem:s14+$0x840]  }
0x1d1: {  	[tilespmem:s13+$0x810] =	vst v0;
	v0 =	vadd.f32 v6, v2;
	v5 =	vld [tilespmem:s0+$0xD0]  }
0x1d2: {  	v9 =	vld [tilespmem:s14+$0x850]  }
0x1d3: {  	[tilespmem:s13+$0x820] =	vst v0;
	v6 =	vadd.f32 v7, v3;
	v0 =	vld [tilespmem:s0+$0xE0]  }
0x1d4: {  	v11 =	vld [tilespmem:s14+$0x860]  }
0x1d5: {  	v14 =	vld [tilespmem:s14+$0x880];
	[tilespmem:s13+$0x830] =	vst v6;
	v7 =	vadd.f32 v8, v4  }
.Ltmp3:
0x1d6: {  	v10 =	vld [tilespmem:s14+$0x890];
	(pc) =	sbr.rel @p2 .LBB2_5-.Ltmp3, $4  }
0x1d7: {  	v6 =	vld [tilespmem:s14+$0x8A0];
	[tilespmem:s13+$0x840] =	vst v7;
	v9 =	vadd.f32 v9, v5  }
0x1d8: {  	v8 =	vld [tilespmem:s14+$0x8B0]  }
0x1d9: {  	v7 =	vld [tilespmem:s14+$0x8C0];
	[tilespmem:s13+$0x850] =	vst v9;
	v12 =	vadd.f32 v11, v0  }
0x1da: {  	s0 =	sadd.s32 $0x200, s0;
	v11 =	vadd.f32 v14, v13;
	v9 =	vld [tilespmem:s14+$0x8D0]  }
0x1db: {  	[tilespmem:s13+$0x860] =	vst v12  }
0x1dc: {  	v1 =	vadd.f32 v10, v1;
	v10 =	vld [tilespmem:s31+$0x8E0]  }
0x1dd: {  	[tilespmem:s13+$0x880] =	vst v11;
	v2 =	vadd.f32 v6, v2  }
0x1de: {  	[tilespmem:s13+$0x890] =	vst v1;
	v1 =	vadd.f32 v8, v3  }
0x1df: {  	[tilespmem:s13+$0x8A0] =	vst v2;
	v2 =	vadd.f32 v7, v4  }
0x1e0: {  	s0 =	sadd.s32 s8, s6;
	[tilespmem:s13+$0x8B0] =	vst v1;
	v1 =	vadd.f32 v9, v5  }
0x1e1: {  	s0 =	sshll.u32 s0, $0x8;
	[tilespmem:s13+$0x8C0] =	vst v2;
	v0 =	vadd.f32 v10, v0  }
0x1e2: {  	[tilespmem:s13+$0x8D0] =	vst v1;
	s13 =	sadd.s32 s4, s0  }
0x1e3: {  	s0 =	sadd.s32 $0x400, s13;
	[tilespmem:s15+$0x8E0] =	vst v0  }
0x1e4: {  	[hbm4b:s0+s5] =	stream.linear.scatter [tilespmem:s28], [sflag:$0x6], $0x2000, $0x38;
	[tilespmem:$0x14000] =	vst v63  }
0x1e5: {  	s0 =	sadd.s32 @!p1 s8, s18  }
0x1e6: {  	s16 =	simm.s32 @!p1 $0x2000;
	s14 =	sshll.u32 @!p1 s0, $0x8;
	s0 =	sshll.u32 @!p1 s0, $0x7  }
0x1e7: {  	s15 =	simm.s32 @!p1 $0x0;
	s14 =	sadd.s32 @!p1 s1, s14;
	s0 =	sand.u32 @!p1 $0x1FF800, s0  }
0x1e8: {  	[tilespmem:s16], [sflag:$0x2] =	stream.linear.gather @!p1 [hbm4b:s14+s15], $0x2000, $0x38;
	[tilespmem:$0x14000] =	vst v63  }
0x1e9: {  	s0 =	sadd.s32 @!p1 s0, s11  }
0x1ea: {  	s14 =	simm.s32 @!p1 $0x200;
	s15 =	simm.s32 @!p1 $0x400;
	s16 =	simm.s32 @!p1 $0x9000  }
0x1eb: {  	[tilespmem:s16], [sflag:$0x2] =	stream.strided.gather @!p1 [hbm4b:s0+s14], $0x1000, s15, s14, $0x38;
	[tilespmem:$0x14000] =	vst v63  }
0x1ec: {  	_ =	swait.ge [sflag:s29], $0x2000  }
0x1ed: {  	[sflag:s29] =	ssyncset.done $0x0  }
0x1ee: {  	[sflag:s29] =	ssyncadd.s32 $0xFFFFE000  }
0x1ef: {  	_ =	swait.ge [sflag:s29], $0x1000  }
0x1f0: {  	[sflag:s29] =	ssyncset.done $0x0  }
0x1f1: {  	s0 =	simm.s32 @!p0 $0x7;
	[sflag:s29] =	ssyncadd.s32 $0xFFFFF000  }
0x1f2: {  	_ =	swait.ge @!p0 [sflag:s0], $0x2000  }
0x1f3: {  	[sflag:s0] =	ssyncset.done @!p0 $0x0  }
0x1f4: {  	s25 =	simm.s32 $0xA100;
	[sflag:s0] =	ssyncadd.s32 @!p0 $0xFFFFE000  }
0x1f5: {  	s15 =	simm.s32 $0x5000;
	v0 =	vld [tilespmem:s25+$0xFFFFFF70]  }
0x1f6: {  	v1 =	vld [tilespmem:s15+$0xFFFFF070]  }
0x1f7: {  	v2 =	vld [tilespmem:s15+$0xFFFFF000]  }
0x1f8: {  	v3 =	vld [tilespmem:s25+$0xFFFFFF10]  }
0x1f9: {  	v4 =	vld [tilespmem:s15+$0xFFFFF010]  }
0x1fa: {  	v5 =	vld [tilespmem:s25+$0xFFFFFF20]  }
0x1fb: {  	v6 =	vld [tilespmem:s15+$0xFFFFF020];
	v1 =	vadd.f32 v1, v0  }
0x1fc: {  	s14 =	simm.s32 $0x11000;
	v7 =	vld [tilespmem:s25+$0xFFFFFF30]  }
0x1fd: {  	v8 =	vld [tilespmem:s15+$0xFFFFF030];
	[tilespmem:s14+$0xFFFFF070] =	vst v1  }
0x1fe: {  	v1 =	vld [tilespmem:s15+$0xFFFFF0F0]  }
0x1ff: {  	v9 =	vld [tilespmem:s25+$0xFFFFFF40]  }
0x200: {  	v10 =	vld [tilespmem:s15+$0xFFFFF040]  }
0x201: {  	v11 =	vld [tilespmem:s25+$0xFFFFFF50]  }
0x202: {  	v12 =	vld [tilespmem:s15+$0xFFFFF050]  }
0x203: {  	v13 =	vld [tilespmem:s25+$0xFFFFFF60];
	v0 =	vadd.f32 v1, v0  }
0x204: {  	v14 =	vld [tilespmem:s25+$0xFFFFFF00]  }
0x205: {  	v4 =	vadd.f32 v4, v3;
	v1 =	vld [tilespmem:s15+$0xFFFFF060];
	[tilespmem:s14+$0xFFFFF0F0] =	vst v0  }
0x206: {  	v0 =	vadd.f32 v6, v5;
	v6 =	vld [tilespmem:s25+$0xFFFFFFF0]  }
0x207: {  	[tilespmem:s14+$0xFFFFF010] =	vst v4;
	v4 =	vadd.f32 v8, v7;
	v8 =	vld [tilespmem:s15+$0xFFFFF870]  }
0x208: {  	[tilespmem:s14+$0xFFFFF020] =	vst v0;
	v0 =	vadd.f32 v10, v9;
	v10 =	vld [tilespmem:s15+$0xFFFFF090]  }
0x209: {  	[tilespmem:s14+$0xFFFFF030] =	vst v4;
	v4 =	vadd.f32 v12, v11;
	v12 =	vld [tilespmem:s15+$0xFFFFF0A0]  }
0x20a: {  	[tilespmem:s14+$0xFFFFF040] =	vst v0;
	v0 =	vadd.f32 v2, v14;
	v2 =	vld [tilespmem:s15+$0xFFFFF0B0]  }
0x20b: {  	[tilespmem:s14+$0xFFFFF050] =	vst v4;
	v1 =	vadd.f32 v1, v13;
	v4 =	vld [tilespmem:s15+$0xFFFFF0C0]  }
0x20c: {  	[tilespmem:s14+$0xFFFFF000] =	vst v0;
	v0 =	vld [tilespmem:s15+$0xFFFFF0D0];
	v8 =	vadd.f32 v8, v6  }
0x20d: {  	[tilespmem:s14+$0xFFFFF060] =	vst v1;
	v1 =	vld [tilespmem:s15+$0xFFFFF080];
	v3 =	vadd.f32 v10, v3  }
0x20e: {  	v10 =	vld [tilespmem:s15+$0xFFFFF0E0];
	[tilespmem:s14+$0xFFFFF870] =	vst v8  }
0x20f: {  	v5 =	vadd.f32 v12, v5;
	[tilespmem:s14+$0xFFFFF090] =	vst v3;
	v3 =	vld [tilespmem:s15+$0xFFFFF8F0]  }
0x210: {  	v8 =	vld [tilespmem:s25+$0xFFFFFF90]  }
0x211: {  	v2 =	vadd.f32 v2, v7;
	[tilespmem:s14+$0xFFFFF0A0] =	vst v5;
	v5 =	vld [tilespmem:s15+$0xFFFFF810]  }
0x212: {  	v7 =	vld [tilespmem:s25+$0xFFFFFFA0];
	v1 =	vadd.f32 v1, v14  }
0x213: {  	[tilespmem:s14+$0xFFFFF0B0] =	vst v2;
	v2 =	vld [tilespmem:s15+$0xFFFFF820]  }
0x214: {  	[tilespmem:s14+$0xFFFFF080] =	vst v1;
	v1 =	vld [tilespmem:s25+$0xFFFFFFB0];
	v3 =	vadd.f32 v3, v6  }
0x215: {  	v6 =	vld [tilespmem:s25+$0xFFFFFF80]  }
0x216: {  	v0 =	vadd.f32 v0, v11;
	v12 =	vld [tilespmem:s15+$0xFFFFF800];
	[tilespmem:s14+$0xFFFFF8F0] =	vst v3  }
0x217: {  	v3 =	vadd.f32 v4, v9;
	v4 =	vld [tilespmem:s25+$0x70]  }
0x218: {  	[tilespmem:s14+$0xFFFFF0D0] =	vst v0;
	v0 =	vadd.f32 v10, v13;
	v9 =	vld [tilespmem:s15+$0x70]  }
0x219: {  	v13 =	vld [tilespmem:s25+$0xFFFFFFD0]  }
0x21a: {  	[tilespmem:s14+$0xFFFFF0E0] =	vst v0;
	v0 =	vld [tilespmem:s15+$0xFFFFF850]  }
0x21b: {  	[tilespmem:s14+$0xFFFFF0C0] =	vst v3;
	v3 =	vld [tilespmem:s15+$0xFFFFF830]  }
0x21c: {  	v11 =	vld [tilespmem:s25+$0xFFFFFFC0];
	v12 =	vadd.f32 v12, v6  }
0x21d: {  	v10 =	vld [tilespmem:s15+$0xFFFFF840];
	v9 =	vadd.f32 v9, v4  }
0x21e: {  	v5 =	vadd.f32 v5, v8;
	v14 =	vld [tilespmem:s25+$0xFFFFFFE0];
	[tilespmem:s14+$0xFFFFF800] =	vst v12  }
0x21f: {  	[tilespmem:s14+$0x70] =	vst v9;
	v9 =	vld [tilespmem:s15+$0xFFFFF860]  }
0x220: {  	v2 =	vadd.f32 v2, v7;
	[tilespmem:s14+$0xFFFFF810] =	vst v5;
	v5 =	vld [tilespmem:s15+$0xFFFFF880]  }
0x221: {  	v3 =	vadd.f32 v3, v1;
	v12 =	vld [tilespmem:s15+$0xF0]  }
0x222: {  	[tilespmem:s14+$0xFFFFF820] =	vst v2;
	v2 =	vadd.f32 v10, v11;
	v10 =	vld [tilespmem:s15+$0xFFFFF890]  }
0x223: {  	v0 =	vadd.f32 v0, v13;
	[tilespmem:s14+$0xFFFFF830] =	vst v3;
	v3 =	vld [tilespmem:s15+$0xFFFFF8A0]  }
0x224: {  	[tilespmem:s14+$0xFFFFF840] =	vst v2;
	v2 =	vld [tilespmem:s15+$0xFFFFF8B0];
	v9 =	vadd.f32 v9, v14  }
0x225: {  	[tilespmem:s14+$0xFFFFF850] =	vst v0;
	v0 =	vld [tilespmem:s15+$0xFFFFF8C0];
	v5 =	vadd.f32 v5, v6  }
0x226: {  	v4 =	vadd.f32 v12, v4;
	v12 =	vld [tilespmem:s15+$0xFFFFF8D0];
	[tilespmem:s14+$0xFFFFF860] =	vst v9  }
0x227: {  	[tilespmem:s14+$0xFFFFF880] =	vst v5;
	v6 =	vld [tilespmem:s15+$0xFFFFF8E0]  }
0x228: {  	v3 =	vadd.f32 v3, v7;
	[tilespmem:s14+$0xF0] =	vst v4;
	v4 =	vadd.f32 v10, v8;
	v8 =	vld [tilespmem:s25+$0x0]  }
0x229: {  	v9 =	vld [tilespmem:s25+$0xF0]  }
0x22a: {  	v1 =	vadd.f32 v2, v1;
	[tilespmem:s14+$0xFFFFF8A0] =	vst v3;
	v5 =	vld [tilespmem:s15+$0x870]  }
0x22b: {  	v3 =	vld [tilespmem:s25+$0x20]  }
0x22c: {  	[tilespmem:s14+$0xFFFFF8B0] =	vst v1;
	v1 =	vld [tilespmem:s15+$0x20]  }
0x22d: {  	v0 =	vadd.f32 v0, v11;
	[tilespmem:s14+$0xFFFFF890] =	vst v4;
	v4 =	vld [tilespmem:s15+$0x0]  }
0x22e: {  	v10 =	vld [tilespmem:s25+$0x30]  }
0x22f: {  	[tilespmem:s14+$0xFFFFF8C0] =	vst v0;
	v0 =	vld [tilespmem:s15+$0x30]  }
0x230: {  	v7 =	vld [tilespmem:s25+$0x10]  }
0x231: {  	v2 =	vld [tilespmem:s15+$0x10];
	v11 =	vadd.f32 v12, v13  }
0x232: {  	v12 =	vld [tilespmem:s25+$0x40]  }
0x233: {  	v6 =	vadd.f32 v6, v14;
	[tilespmem:s14+$0xFFFFF8D0] =	vst v11;
	v11 =	vld [tilespmem:s15+$0x40]  }
0x234: {  	v13 =	vld [tilespmem:s25+$0x50];
	v1 =	vadd.f32 v1, v3  }
0x235: {  	[tilespmem:s14+$0xFFFFF8E0] =	vst v6;
	v4 =	vadd.f32 v4, v8;
	v6 =	vld [tilespmem:s15+$0x50]  }
0x236: {  	v0 =	vadd.f32 v0, v10;
	v14 =	vld [tilespmem:s25+$0x60];
	[tilespmem:s14+$0x20] =	vst v1  }
0x237: {  	v5 =	vadd.f32 v5, v9;
	[tilespmem:s14+$0x0] =	vst v4;
	v4 =	vld [tilespmem:s15+$0x60]  }
0x238: {  	[tilespmem:s14+$0x30] =	vst v0;
	v0 =	vld [tilespmem:s15+$0xA0]  }
0x239: {  	v2 =	vadd.f32 v2, v7;
	[tilespmem:s14+$0x870] =	vst v5;
	v5 =	vld [tilespmem:s15+$0x80]  }
0x23a: {  	v1 =	vadd.f32 v11, v12  }
0x23b: {  	v15 =	vld [tilespmem:s15+$0x8F0];
	[tilespmem:s14+$0x10] =	vst v2;
	v6 =	vadd.f32 v6, v13  }
0x23c: {  	v2 =	vld [tilespmem:s15+$0x90];
	[tilespmem:s14+$0x40] =	vst v1;
	v1 =	vadd.f32 v4, v14  }
0x23d: {  	v11 =	vld [tilespmem:s15+$0xB0];
	[tilespmem:s14+$0x50] =	vst v6;
	v0 =	vadd.f32 v0, v3  }
0x23e: {  	v4 =	vld [tilespmem:s15+$0xC0];
	v5 =	vadd.f32 v5, v8;
	[tilespmem:s14+$0x60] =	vst v1  }
0x23f: {  	v6 =	vld [tilespmem:s15+$0xD0];
	[tilespmem:s14+$0xA0] =	vst v0  }
0x240: {  	[tilespmem:s14+$0x80] =	vst v5;
	v5 =	vld [tilespmem:s15+$0xE0]  }
0x241: {  	v1 =	vadd.f32 v2, v7;
	v2 =	vld [tilespmem:s25+$0xA0]  }
0x242: {  	v3 =	vadd.f32 v11, v10;
	v8 =	vld [tilespmem:s15+$0x820]  }
0x243: {  	v16 =	vld [tilespmem:s25+$0x80]  }
0x244: {  	[tilespmem:s14+$0xB0] =	vst v3;
	v7 =	vld [tilespmem:s15+$0x800]  }
0x245: {  	v3 =	vld [tilespmem:s25+$0xB0]  }
0x246: {  	[tilespmem:s14+$0x90] =	vst v1;
	v10 =	vld [tilespmem:s15+$0x830];
	v4 =	vadd.f32 v4, v12  }
0x247: {  	v1 =	vld [tilespmem:s25+$0x90]  }
0x248: {  	v0 =	vld [tilespmem:s15+$0x810];
	v6 =	vadd.f32 v6, v13;
	[tilespmem:s14+$0xC0] =	vst v4  }
0x249: {  	v4 =	vld [tilespmem:s25+$0xC0]  }
0x24a: {  	[tilespmem:s14+$0xD0] =	vst v6;
	v6 =	vadd.f32 v5, v14;
	v11 =	vld [tilespmem:s15+$0x840]  }
0x24b: {  	v5 =	vld [tilespmem:s25+$0xD0]  }
0x24c: {  	v7 =	vadd.f32 v7, v16;
	v12 =	vld [tilespmem:s15+$0x850];
	[tilespmem:s14+$0xE0] =	vst v6  }
0x24d: {  	v6 =	vadd.f32 v0, v1;
	v0 =	vld [tilespmem:s25+$0xE0]  }
0x24e: {  	[tilespmem:s14+$0x800] =	vst v7;
	v7 =	vadd.f32 v8, v2;
	v13 =	vld [tilespmem:s15+$0x860]  }
0x24f: {  	[tilespmem:s14+$0x810] =	vst v6;
	v6 =	vadd.f32 v10, v3;
	v14 =	vld [tilespmem:s15+$0x880]  }
0x250: {  	[tilespmem:s14+$0x820] =	vst v7;
	v7 =	vadd.f32 v11, v4;
	v10 =	vld [tilespmem:s15+$0x890]  }
0x251: {  	[tilespmem:s14+$0x830] =	vst v6;
	v6 =	vld [tilespmem:s15+$0x8A0];
	v11 =	vadd.f32 v12, v5  }
0x252: {  	v9 =	vadd.f32 v15, v9;
	[tilespmem:s14+$0x840] =	vst v7;
	v8 =	vld [tilespmem:s15+$0x8B0]  }
0x253: {  	s31 =	simm.s32 $0x0;
	v7 =	vld [tilespmem:s15+$0x8C0];
	[tilespmem:s14+$0x850] =	vst v11;
	v12 =	vadd.f32 v13, v0  }
0x254: {  	s16 =	simm.s32 $0x11000;
	s0 =	simm.s32 $0x5000;
	[tilespmem:s14+$0x8F0] =	vst v9;
	s25 =	simm.s32 $0xA300;
	v11 =	vadd.f32 v14, v16;
	v9 =	vld [tilespmem:s15+$0x8D0]  }
.LBB2_7:
0x255: {  	v13 =	vld [tilespmem:s25+$0xFFFFFF70];
	v1 =	vadd.f32 v10, v1;
	[tilespmem:s14+$0x860] =	vst v12;
	s15 =	sadd.s32 $0x100, s15  }
0x256: {  	v10 =	vld [tilespmem:s15+$0xFFFFF070];
	[tilespmem:s14+$0x880] =	vst v11;
	v2 =	vadd.f32 v6, v2  }
0x257: {  	v6 =	vld [tilespmem:s15+$0xFFFFF000];
	[tilespmem:s14+$0x890] =	vst v1;
	v1 =	vadd.f32 v8, v3  }
0x258: {  	v3 =	vld [tilespmem:s25+$0xFFFFFF10];
	[tilespmem:s14+$0x8A0] =	vst v2;
	v2 =	vadd.f32 v7, v4  }
0x259: {  	s31 =	sadd.s32 $0x8, s31;
	v4 =	vld [tilespmem:s15+$0xFFFFF010];
	[tilespmem:s14+$0x8B0] =	vst v1;
	v1 =	vadd.f32 v9, v5  }
0x25a: {  	p2 =	slt.u32 s31, $0x38;
	v5 =	vld [tilespmem:s25+$0xFFFFFF20];
	[tilespmem:s14+$0x8C0] =	vst v2  }
0x25b: {  	v2 =	vld [tilespmem:s15+$0xFFFFF020];
	v7 =	vadd.f32 v10, v13;
	[tilespmem:s14+$0x8D0] =	vst v1  }
0x25c: {  	s14 =	sadd.s32 $0x100, s14;
	v1 =	vld [tilespmem:s25+$0xFFFFFF30]  }
0x25d: {  	v8 =	vld [tilespmem:s15+$0xFFFFF030];
	[tilespmem:s14+$0xFFFFF070] =	vst v7  }
0x25e: {  	v4 =	vadd.f32 v4, v3;
	v7 =	vld [tilespmem:s15+$0xFFFFF0F0]  }
0x25f: {  	v9 =	vld [tilespmem:s25+$0xFFFFFF40]  }
0x260: {  	[tilespmem:s14+$0xFFFFF010] =	vst v4;
	v2 =	vadd.f32 v2, v5;
	v4 =	vld [tilespmem:s15+$0xFFFFF040]  }
0x261: {  	v10 =	vld [tilespmem:s25+$0xFFFFFF50]  }
0x262: {  	[tilespmem:s14+$0xFFFFF020] =	vst v2;
	v2 =	vadd.f32 v8, v1;
	v8 =	vld [tilespmem:s15+$0xFFFFF050]  }
0x263: {  	v11 =	vld [tilespmem:s25+$0xFFFFFF60];
	v7 =	vadd.f32 v7, v13  }
0x264: {  	[tilespmem:s14+$0xFFFFF030] =	vst v2;
	v2 =	vld [tilespmem:s15+$0xFFFFF060]  }
0x265: {  	v12 =	vld [tilespmem:s25+$0xFFFFFF00];
	v4 =	vadd.f32 v4, v9;
	[tilespmem:s14+$0xFFFFF0F0] =	vst v7  }
0x266: {  	v7 =	vld [tilespmem:s25+$0xFFFFFFF0]  }
0x267: {  	[tilespmem:s14+$0xFFFFF040] =	vst v4;
	v4 =	vadd.f32 v8, v10;
	v8 =	vld [tilespmem:s15+$0xFFFFF870]  }
0x268: {  	v13 =	vld [tilespmem:s15+$0xFFFFF090]  }
0x269: {  	v14 =	vld [tilespmem:s15+$0xFFFFF0A0];
	[tilespmem:s14+$0xFFFFF050] =	vst v4;
	v2 =	vadd.f32 v2, v11  }
0x26a: {  	v4 =	vadd.f32 v6, v12;
	v6 =	vld [tilespmem:s15+$0xFFFFF0B0]  }
0x26b: {  	v15 =	vld [tilespmem:s15+$0xFFFFF0C0];
	[tilespmem:s14+$0xFFFFF060] =	vst v2  }
0x26c: {  	[tilespmem:s14+$0xFFFFF000] =	vst v4;
	v2 =	vld [tilespmem:s15+$0xFFFFF0D0];
	v4 =	vadd.f32 v8, v7  }
0x26d: {  	v8 =	vld [tilespmem:s15+$0xFFFFF080];
	v3 =	vadd.f32 v13, v3  }
0x26e: {  	v5 =	vadd.f32 v14, v5;
	v13 =	vld [tilespmem:s15+$0xFFFFF0E0];
	[tilespmem:s14+$0xFFFFF870] =	vst v4  }
0x26f: {  	[tilespmem:s14+$0xFFFFF090] =	vst v3;
	v1 =	vadd.f32 v6, v1;
	v3 =	vld [tilespmem:s15+$0xFFFFF8F0]  }
0x270: {  	v4 =	vld [tilespmem:s25+$0xFFFFFF90];
	[tilespmem:s14+$0xFFFFF0A0] =	vst v5;
	v5 =	vadd.f32 v15, v9  }
0x271: {  	v6 =	vld [tilespmem:s15+$0xFFFFF810];
	[tilespmem:s14+$0xFFFFF0B0] =	vst v1;
	v1 =	vadd.f32 v2, v10  }
0x272: {  	v2 =	vadd.f32 v8, v12;
	v8 =	vld [tilespmem:s25+$0xFFFFFFA0];
	[tilespmem:s14+$0xFFFFF0C0] =	vst v5  }
0x273: {  	v5 =	vld [tilespmem:s15+$0xFFFFF820];
	[tilespmem:s14+$0xFFFFF0D0] =	vst v1;
	v1 =	vadd.f32 v13, v11  }
0x274: {  	[tilespmem:s14+$0xFFFFF080] =	vst v2;
	v2 =	vld [tilespmem:s25+$0xFFFFFFB0];
	v3 =	vadd.f32 v3, v7  }
0x275: {  	v7 =	vld [tilespmem:s25+$0xFFFFFF80];
	[tilespmem:s14+$0xFFFFF0E0] =	vst v1  }
0x276: {  	v1 =	vld [tilespmem:s15+$0xFFFFF800];
	v6 =	vadd.f32 v6, v4;
	[tilespmem:s14+$0xFFFFF8F0] =	vst v3  }
0x277: {  	v3 =	vld [tilespmem:s25+$0x70]  }
0x278: {  	[tilespmem:s14+$0xFFFFF810] =	vst v6;
	v5 =	vadd.f32 v5, v8;
	v6 =	vld [tilespmem:s15+$0x70]  }
0x279: {  	v9 =	vld [tilespmem:s15+$0xFFFFF830]  }
0x27a: {  	[tilespmem:s14+$0xFFFFF820] =	vst v5;
	v5 =	vld [tilespmem:s25+$0xFFFFFFC0]  }
0x27b: {  	v1 =	vadd.f32 v1, v7;
	v10 =	vld [tilespmem:s15+$0xFFFFF840]  }
0x27c: {  	v11 =	vld [tilespmem:s25+$0xFFFFFFD0]  }
0x27d: {  	[tilespmem:s14+$0xFFFFF800] =	vst v1;
	v1 =	vld [tilespmem:s15+$0xFFFFF850];
	v6 =	vadd.f32 v6, v3  }
0x27e: {  	v9 =	vadd.f32 v9, v2;
	v12 =	vld [tilespmem:s25+$0xFFFFFFE0]  }
0x27f: {  	v13 =	vld [tilespmem:s15+$0xFFFFF860];
	[tilespmem:s14+$0x70] =	vst v6  }
0x280: {  	[tilespmem:s14+$0xFFFFF830] =	vst v9;
	v6 =	vadd.f32 v10, v5;
	v9 =	vld [tilespmem:s15+$0xF0]  }
0x281: {  	v10 =	vld [tilespmem:s15+$0xFFFFF880]  }
0x282: {  	v14 =	vld [tilespmem:s15+$0xFFFFF890];
	[tilespmem:s14+$0xFFFFF840] =	vst v6;
	v1 =	vadd.f32 v1, v11  }
0x283: {  	v6 =	vld [tilespmem:s15+$0xFFFFF8A0]  }
0x284: {  	v15 =	vld [tilespmem:s15+$0xFFFFF8B0];
	[tilespmem:s14+$0xFFFFF850] =	vst v1;
	v1 =	vadd.f32 v13, v12  }
0x285: {  	v13 =	vld [tilespmem:s15+$0xFFFFF8C0];
	v3 =	vadd.f32 v9, v3  }
0x286: {  	v7 =	vadd.f32 v10, v7;
	v9 =	vld [tilespmem:s15+$0xFFFFF8D0];
	[tilespmem:s14+$0xFFFFF860] =	vst v1  }
0x287: {  	v1 =	vadd.f32 v14, v4;
	v4 =	vld [tilespmem:s15+$0xFFFFF8E0];
	[tilespmem:s14+$0xF0] =	vst v3  }
0x288: {  	[tilespmem:s14+$0xFFFFF880] =	vst v7;
	v3 =	vadd.f32 v6, v8;
	v6 =	vld [tilespmem:s25+$0xF0]  }
0x289: {  	[tilespmem:s14+$0xFFFFF890] =	vst v1;
	v1 =	vadd.f32 v15, v2;
	v2 =	vld [tilespmem:s15+$0x870]  }
0x28a: {  	v7 =	vld [tilespmem:s25+$0x0];
	[tilespmem:s14+$0xFFFFF8A0] =	vst v3;
	v3 =	vadd.f32 v13, v5  }
0x28b: {  	v5 =	vld [tilespmem:s15+$0x0];
	[tilespmem:s14+$0xFFFFF8B0] =	vst v1;
	v1 =	vadd.f32 v9, v11  }
0x28c: {  	v8 =	vld [tilespmem:s25+$0x10];
	[tilespmem:s14+$0xFFFFF8C0] =	vst v3;
	v3 =	vadd.f32 v4, v12  }
0x28d: {  	v4 =	vld [tilespmem:s15+$0x10];
	[tilespmem:s14+$0xFFFFF8D0] =	vst v1  }
0x28e: {  	v1 =	vld [tilespmem:s25+$0x20];
	[tilespmem:s14+$0xFFFFF8E0] =	vst v3;
	v2 =	vadd.f32 v2, v6  }
0x28f: {  	v3 =	vld [tilespmem:s15+$0x20]  }
0x290: {  	v5 =	vadd.f32 v5, v7;
	v9 =	vld [tilespmem:s25+$0x30];
	[tilespmem:s14+$0x870] =	vst v2  }
0x291: {  	v2 =	vld [tilespmem:s15+$0x8F0]  }
0x292: {  	[tilespmem:s14+$0x0] =	vst v5;
	v4 =	vadd.f32 v4, v8;
	v5 =	vld [tilespmem:s15+$0x30]  }
0x293: {  	v10 =	vld [tilespmem:s25+$0x40]  }
0x294: {  	[tilespmem:s14+$0x10] =	vst v4;
	v3 =	vadd.f32 v3, v1;
	v4 =	vld [tilespmem:s15+$0x40]  }
0x295: {  	v11 =	vld [tilespmem:s25+$0x50]  }
0x296: {  	[tilespmem:s14+$0x20] =	vst v3;
	v3 =	vld [tilespmem:s15+$0x50];
	v2 =	vadd.f32 v2, v6  }
0x297: {  	v5 =	vadd.f32 v5, v9;
	v6 =	vld [tilespmem:s25+$0x60]  }
0x298: {  	v12 =	vld [tilespmem:s15+$0x60];
	[tilespmem:s14+$0x8F0] =	vst v2  }
0x299: {  	v2 =	vld [tilespmem:s15+$0x80];
	[tilespmem:s14+$0x30] =	vst v5;
	v4 =	vadd.f32 v4, v10  }
0x29a: {  	v5 =	vld [tilespmem:s15+$0x90]  }
0x29b: {  	v13 =	vld [tilespmem:s15+$0xA0];
	[tilespmem:s14+$0x40] =	vst v4;
	v3 =	vadd.f32 v3, v11  }
0x29c: {  	v4 =	vld [tilespmem:s15+$0xB0]  }
0x29d: {  	v14 =	vld [tilespmem:s15+$0xC0];
	[tilespmem:s14+$0x50] =	vst v3;
	v3 =	vadd.f32 v12, v6  }
0x29e: {  	v2 =	vadd.f32 v2, v7;
	v7 =	vld [tilespmem:s15+$0xD0]  }
0x29f: {  	v5 =	vadd.f32 v5, v8;
	[tilespmem:s14+$0x60] =	vst v3;
	v3 =	vld [tilespmem:s0+$0x8E0];
	s0 =	smov.u32 s15  }
0x2a0: {  	[tilespmem:s14+$0x80] =	vst v2;
	v1 =	vadd.f32 v13, v1;
	v8 =	vld [tilespmem:s15+$0xE0]  }
0x2a1: {  	v13 =	vld [tilespmem:s25+$0x80];
	[tilespmem:s14+$0x90] =	vst v5;
	v2 =	vadd.f32 v4, v9  }
0x2a2: {  	v4 =	vld [tilespmem:s15+$0x800];
	[tilespmem:s14+$0xA0] =	vst v1;
	v5 =	vadd.f32 v14, v10  }
0x2a3: {  	v1 =	vld [tilespmem:s25+$0x90];
	[tilespmem:s14+$0xB0] =	vst v2;
	v7 =	vadd.f32 v7, v11  }
0x2a4: {  	v9 =	vld [tilespmem:s15+$0x810];
	[tilespmem:s14+$0xC0] =	vst v5;
	v0 =	vadd.f32 v3, v0  }
0x2a5: {  	v2 =	vld [tilespmem:s25+$0xA0];
	[tilespmem:s14+$0xD0] =	vst v7;
	v5 =	vadd.f32 v8, v6  }
0x2a6: {  	v6 =	vld [tilespmem:s15+$0x820];
	[tilespmem:s16+$0x8E0] =	vst v0;
	s16 =	smov.u32 s14  }
0x2a7: {  	v0 =	vadd.f32 v4, v13;
	v3 =	vld [tilespmem:s25+$0xB0];
	[tilespmem:s14+$0xE0] =	vst v5  }
0x2a8: {  	v7 =	vld [tilespmem:s15+$0x830]  }
0x2a9: {  	[tilespmem:s14+$0x800] =	vst v0;
	v0 =	vadd.f32 v9, v1;
	v4 =	vld [tilespmem:s25+$0xC0]  }
0x2aa: {  	v8 =	vld [tilespmem:s15+$0x840]  }
0x2ab: {  	[tilespmem:s14+$0x810] =	vst v0;
	v0 =	vadd.f32 v6, v2;
	v5 =	vld [tilespmem:s25+$0xD0]  }
0x2ac: {  	v9 =	vld [tilespmem:s15+$0x850]  }
0x2ad: {  	[tilespmem:s14+$0x820] =	vst v0;
	v6 =	vadd.f32 v7, v3;
	v0 =	vld [tilespmem:s25+$0xE0]  }
0x2ae: {  	v11 =	vld [tilespmem:s15+$0x860]  }
0x2af: {  	v14 =	vld [tilespmem:s15+$0x880];
	[tilespmem:s14+$0x830] =	vst v6;
	v7 =	vadd.f32 v8, v4  }
.Ltmp4:
0x2b0: {  	v10 =	vld [tilespmem:s15+$0x890];
	(pc) =	sbr.rel @p2 .LBB2_7-.Ltmp4, $4  }
0x2b1: {  	v6 =	vld [tilespmem:s15+$0x8A0];
	[tilespmem:s14+$0x840] =	vst v7;
	v9 =	vadd.f32 v9, v5  }
0x2b2: {  	v8 =	vld [tilespmem:s15+$0x8B0]  }
0x2b3: {  	v7 =	vld [tilespmem:s15+$0x8C0];
	[tilespmem:s14+$0x850] =	vst v9;
	v12 =	vadd.f32 v11, v0  }
0x2b4: {  	s25 =	sadd.s32 $0x200, s25;
	v11 =	vadd.f32 v14, v13;
	v9 =	vld [tilespmem:s15+$0x8D0]  }
0x2b5: {  	[tilespmem:s14+$0x860] =	vst v12  }
0x2b6: {  	v1 =	vadd.f32 v10, v1;
	v10 =	vld [tilespmem:s0+$0x8E0]  }
0x2b7: {  	[tilespmem:s14+$0x880] =	vst v11;
	v2 =	vadd.f32 v6, v2  }
0x2b8: {  	[tilespmem:s14+$0x890] =	vst v1;
	v1 =	vadd.f32 v8, v3  }
0x2b9: {  	[tilespmem:s14+$0x8A0] =	vst v2;
	v2 =	vadd.f32 v7, v4  }
0x2ba: {  	[tilespmem:s14+$0x8B0] =	vst v1;
	v1 =	vadd.f32 v9, v5  }
0x2bb: {  	[tilespmem:s14+$0x8C0] =	vst v2;
	v0 =	vadd.f32 v10, v0  }
0x2bc: {  	s25 =	sadd.s32 s12, s19;
	s0 =	sadd.s32 @!p1 s8, s20;
	[tilespmem:s14+$0x8D0] =	vst v1  }
0x2bd: {  	s15 =	simm.s32 @!p1 $0x4000;
	s12 =	sshll.u32 @!p1 s0, $0x8;
	s0 =	sshll.u32 @!p1 s0, $0x7;
	[tilespmem:s16+$0x8E0] =	vst v0  }
0x2be: {  	[hbm4b:s25+s5] =	stream.linear.scatter [tilespmem:s30], [sflag:$0x7], $0x2000, $0x38;
	[tilespmem:$0x14000] =	vst v63  }
0x2bf: {  	s12 =	sadd.s32 @!p1 s1, s12;
	s0 =	sadd.s32 @!p1 s2, s0;
	s14 =	simm.s32 @!p1 $0x0  }
0x2c0: {  	[tilespmem:s15], [sflag:$0x3] =	stream.linear.gather @!p1 [hbm4b:s12+s14], $0x2000, $0x38;
	[tilespmem:$0x14000] =	vst v63  }
0x2c1: {  	s12 =	simm.s32 @!p1 $0x200;
	s14 =	simm.s32 @!p1 $0x400;
	s15 =	simm.s32 @!p1 $0xA000  }
0x2c2: {  	[tilespmem:s15], [sflag:$0x3] =	stream.strided.gather @!p1 [hbm4b:s0+s12], $0x1000, s14, s12, $0x38;
	[tilespmem:$0x14000] =	vst v63  }
0x2c3: {  	_ =	swait.ge [sflag:s9], $0x2000  }
0x2c4: {  	[sflag:s9] =	ssyncset.done $0x0  }
0x2c5: {  	[sflag:s9] =	ssyncadd.s32 $0xFFFFE000  }
0x2c6: {  	_ =	swait.ge [sflag:s9], $0x1000  }
0x2c7: {  	[sflag:s9] =	ssyncset.done $0x0  }
0x2c8: {  	s0 =	simm.s32 @!p0 $0x8;
	[sflag:s9] =	ssyncadd.s32 $0xFFFFF000  }
0x2c9: {  	_ =	swait.ge @!p0 [sflag:s0], $0x2000  }
0x2ca: {  	[sflag:s0] =	ssyncset.done @!p0 $0x0  }
0x2cb: {  	s31 =	simm.s32 $0xB100;
	[sflag:s0] =	ssyncadd.s32 @!p0 $0xFFFFE000  }
0x2cc: {  	s14 =	simm.s32 $0x7000;
	v0 =	vld [tilespmem:s31+$0xFFFFFF70]  }
0x2cd: {  	v1 =	vld [tilespmem:s14+$0xFFFFF070]  }
0x2ce: {  	v2 =	vld [tilespmem:s14+$0xFFFFF000]  }
0x2cf: {  	v3 =	vld [tilespmem:s31+$0xFFFFFF10]  }
0x2d0: {  	v4 =	vld [tilespmem:s14+$0xFFFFF010]  }
0x2d1: {  	v5 =	vld [tilespmem:s31+$0xFFFFFF20]  }
0x2d2: {  	v6 =	vld [tilespmem:s14+$0xFFFFF020];
	v1 =	vadd.f32 v1, v0  }
0x2d3: {  	s12 =	simm.s32 $0x13000;
	v7 =	vld [tilespmem:s31+$0xFFFFFF30]  }
0x2d4: {  	v8 =	vld [tilespmem:s14+$0xFFFFF030];
	[tilespmem:s12+$0xFFFFF070] =	vst v1  }
0x2d5: {  	v1 =	vld [tilespmem:s14+$0xFFFFF0F0]  }
0x2d6: {  	v9 =	vld [tilespmem:s31+$0xFFFFFF40]  }
0x2d7: {  	v10 =	vld [tilespmem:s14+$0xFFFFF040]  }
0x2d8: {  	v11 =	vld [tilespmem:s31+$0xFFFFFF50]  }
0x2d9: {  	v12 =	vld [tilespmem:s14+$0xFFFFF050]  }
0x2da: {  	v13 =	vld [tilespmem:s31+$0xFFFFFF60];
	v0 =	vadd.f32 v1, v0  }
0x2db: {  	v14 =	vld [tilespmem:s31+$0xFFFFFF00]  }
0x2dc: {  	v4 =	vadd.f32 v4, v3;
	v1 =	vld [tilespmem:s14+$0xFFFFF060];
	[tilespmem:s12+$0xFFFFF0F0] =	vst v0  }
0x2dd: {  	v0 =	vadd.f32 v6, v5;
	v6 =	vld [tilespmem:s31+$0xFFFFFFF0]  }
0x2de: {  	[tilespmem:s12+$0xFFFFF010] =	vst v4;
	v4 =	vadd.f32 v8, v7;
	v8 =	vld [tilespmem:s14+$0xFFFFF870]  }
0x2df: {  	[tilespmem:s12+$0xFFFFF020] =	vst v0;
	v0 =	vadd.f32 v10, v9;
	v10 =	vld [tilespmem:s14+$0xFFFFF090]  }
0x2e0: {  	[tilespmem:s12+$0xFFFFF030] =	vst v4;
	v4 =	vadd.f32 v12, v11;
	v12 =	vld [tilespmem:s14+$0xFFFFF0A0]  }
0x2e1: {  	[tilespmem:s12+$0xFFFFF040] =	vst v0;
	v0 =	vadd.f32 v2, v14;
	v2 =	vld [tilespmem:s14+$0xFFFFF0B0]  }
0x2e2: {  	[tilespmem:s12+$0xFFFFF050] =	vst v4;
	v1 =	vadd.f32 v1, v13;
	v4 =	vld [tilespmem:s14+$0xFFFFF0C0]  }
0x2e3: {  	[tilespmem:s12+$0xFFFFF000] =	vst v0;
	v0 =	vld [tilespmem:s14+$0xFFFFF0D0];
	v8 =	vadd.f32 v8, v6  }
0x2e4: {  	[tilespmem:s12+$0xFFFFF060] =	vst v1;
	v1 =	vld [tilespmem:s14+$0xFFFFF080];
	v3 =	vadd.f32 v10, v3  }
0x2e5: {  	v10 =	vld [tilespmem:s14+$0xFFFFF0E0];
	[tilespmem:s12+$0xFFFFF870] =	vst v8  }
0x2e6: {  	v5 =	vadd.f32 v12, v5;
	[tilespmem:s12+$0xFFFFF090] =	vst v3;
	v3 =	vld [tilespmem:s14+$0xFFFFF8F0]  }
0x2e7: {  	v8 =	vld [tilespmem:s31+$0xFFFFFF90]  }
0x2e8: {  	v2 =	vadd.f32 v2, v7;
	[tilespmem:s12+$0xFFFFF0A0] =	vst v5;
	v5 =	vld [tilespmem:s14+$0xFFFFF810]  }
0x2e9: {  	v7 =	vld [tilespmem:s31+$0xFFFFFFA0];
	v1 =	vadd.f32 v1, v14  }
0x2ea: {  	[tilespmem:s12+$0xFFFFF0B0] =	vst v2;
	v2 =	vld [tilespmem:s14+$0xFFFFF820]  }
0x2eb: {  	[tilespmem:s12+$0xFFFFF080] =	vst v1;
	v1 =	vld [tilespmem:s31+$0xFFFFFFB0];
	v3 =	vadd.f32 v3, v6  }
0x2ec: {  	v6 =	vld [tilespmem:s31+$0xFFFFFF80]  }
0x2ed: {  	v0 =	vadd.f32 v0, v11;
	v12 =	vld [tilespmem:s14+$0xFFFFF800];
	[tilespmem:s12+$0xFFFFF8F0] =	vst v3  }
0x2ee: {  	v3 =	vadd.f32 v4, v9;
	v4 =	vld [tilespmem:s31+$0x70]  }
0x2ef: {  	[tilespmem:s12+$0xFFFFF0D0] =	vst v0;
	v0 =	vadd.f32 v10, v13;
	v9 =	vld [tilespmem:s14+$0x70]  }
0x2f0: {  	v13 =	vld [tilespmem:s31+$0xFFFFFFD0]  }
0x2f1: {  	[tilespmem:s12+$0xFFFFF0E0] =	vst v0;
	v0 =	vld [tilespmem:s14+$0xFFFFF850]  }
0x2f2: {  	[tilespmem:s12+$0xFFFFF0C0] =	vst v3;
	v3 =	vld [tilespmem:s14+$0xFFFFF830]  }
0x2f3: {  	v11 =	vld [tilespmem:s31+$0xFFFFFFC0];
	v12 =	vadd.f32 v12, v6  }
0x2f4: {  	v10 =	vld [tilespmem:s14+$0xFFFFF840];
	v9 =	vadd.f32 v9, v4  }
0x2f5: {  	v5 =	vadd.f32 v5, v8;
	v14 =	vld [tilespmem:s31+$0xFFFFFFE0];
	[tilespmem:s12+$0xFFFFF800] =	vst v12  }
0x2f6: {  	[tilespmem:s12+$0x70] =	vst v9;
	v9 =	vld [tilespmem:s14+$0xFFFFF860]  }
0x2f7: {  	v2 =	vadd.f32 v2, v7;
	[tilespmem:s12+$0xFFFFF810] =	vst v5;
	v5 =	vld [tilespmem:s14+$0xFFFFF880]  }
0x2f8: {  	v3 =	vadd.f32 v3, v1;
	v12 =	vld [tilespmem:s14+$0xF0]  }
0x2f9: {  	[tilespmem:s12+$0xFFFFF820] =	vst v2;
	v2 =	vadd.f32 v10, v11;
	v10 =	vld [tilespmem:s14+$0xFFFFF890]  }
0x2fa: {  	v0 =	vadd.f32 v0, v13;
	[tilespmem:s12+$0xFFFFF830] =	vst v3;
	v3 =	vld [tilespmem:s14+$0xFFFFF8A0]  }
0x2fb: {  	[tilespmem:s12+$0xFFFFF840] =	vst v2;
	v2 =	vld [tilespmem:s14+$0xFFFFF8B0];
	v9 =	vadd.f32 v9, v14  }
0x2fc: {  	[tilespmem:s12+$0xFFFFF850] =	vst v0;
	v0 =	vld [tilespmem:s14+$0xFFFFF8C0];
	v5 =	vadd.f32 v5, v6  }
0x2fd: {  	v4 =	vadd.f32 v12, v4;
	v12 =	vld [tilespmem:s14+$0xFFFFF8D0];
	[tilespmem:s12+$0xFFFFF860] =	vst v9  }
0x2fe: {  	[tilespmem:s12+$0xFFFFF880] =	vst v5;
	v6 =	vld [tilespmem:s14+$0xFFFFF8E0]  }
0x2ff: {  	v3 =	vadd.f32 v3, v7;
	[tilespmem:s12+$0xF0] =	vst v4;
	v4 =	vadd.f32 v10, v8;
	v8 =	vld [tilespmem:s31+$0x0]  }
0x300: {  	v9 =	vld [tilespmem:s31+$0xF0]  }
0x301: {  	v1 =	vadd.f32 v2, v1;
	[tilespmem:s12+$0xFFFFF8A0] =	vst v3;
	v5 =	vld [tilespmem:s14+$0x870]  }
0x302: {  	v3 =	vld [tilespmem:s31+$0x20]  }
0x303: {  	[tilespmem:s12+$0xFFFFF8B0] =	vst v1;
	v1 =	vld [tilespmem:s14+$0x20]  }
0x304: {  	v0 =	vadd.f32 v0, v11;
	[tilespmem:s12+$0xFFFFF890] =	vst v4;
	v4 =	vld [tilespmem:s14+$0x0]  }
0x305: {  	v10 =	vld [tilespmem:s31+$0x30]  }
0x306: {  	[tilespmem:s12+$0xFFFFF8C0] =	vst v0;
	v0 =	vld [tilespmem:s14+$0x30]  }
0x307: {  	v7 =	vld [tilespmem:s31+$0x10]  }
0x308: {  	v2 =	vld [tilespmem:s14+$0x10];
	v11 =	vadd.f32 v12, v13  }
0x309: {  	v12 =	vld [tilespmem:s31+$0x40]  }
0x30a: {  	v6 =	vadd.f32 v6, v14;
	[tilespmem:s12+$0xFFFFF8D0] =	vst v11;
	v11 =	vld [tilespmem:s14+$0x40]  }
0x30b: {  	v13 =	vld [tilespmem:s31+$0x50];
	v1 =	vadd.f32 v1, v3  }
0x30c: {  	[tilespmem:s12+$0xFFFFF8E0] =	vst v6;
	v4 =	vadd.f32 v4, v8;
	v6 =	vld [tilespmem:s14+$0x50]  }
0x30d: {  	v0 =	vadd.f32 v0, v10;
	v14 =	vld [tilespmem:s31+$0x60];
	[tilespmem:s12+$0x20] =	vst v1  }
0x30e: {  	v5 =	vadd.f32 v5, v9;
	[tilespmem:s12+$0x0] =	vst v4;
	v4 =	vld [tilespmem:s14+$0x60]  }
0x30f: {  	[tilespmem:s12+$0x30] =	vst v0;
	v0 =	vld [tilespmem:s14+$0xA0]  }
0x310: {  	v2 =	vadd.f32 v2, v7;
	[tilespmem:s12+$0x870] =	vst v5;
	v5 =	vld [tilespmem:s14+$0x80]  }
0x311: {  	v1 =	vadd.f32 v11, v12  }
0x312: {  	v15 =	vld [tilespmem:s14+$0x8F0];
	[tilespmem:s12+$0x10] =	vst v2;
	v6 =	vadd.f32 v6, v13  }
0x313: {  	v2 =	vld [tilespmem:s14+$0x90];
	[tilespmem:s12+$0x40] =	vst v1;
	v1 =	vadd.f32 v4, v14  }
0x314: {  	v11 =	vld [tilespmem:s14+$0xB0];
	[tilespmem:s12+$0x50] =	vst v6;
	v0 =	vadd.f32 v0, v3  }
0x315: {  	v4 =	vld [tilespmem:s14+$0xC0];
	v5 =	vadd.f32 v5, v8;
	[tilespmem:s12+$0x60] =	vst v1  }
0x316: {  	v6 =	vld [tilespmem:s14+$0xD0];
	[tilespmem:s12+$0xA0] =	vst v0  }
0x317: {  	[tilespmem:s12+$0x80] =	vst v5;
	v5 =	vld [tilespmem:s14+$0xE0]  }
0x318: {  	v1 =	vadd.f32 v2, v7;
	v2 =	vld [tilespmem:s31+$0xA0]  }
0x319: {  	v3 =	vadd.f32 v11, v10;
	v8 =	vld [tilespmem:s14+$0x820]  }
0x31a: {  	v16 =	vld [tilespmem:s31+$0x80]  }
0x31b: {  	[tilespmem:s12+$0xB0] =	vst v3;
	v7 =	vld [tilespmem:s14+$0x800]  }
0x31c: {  	v3 =	vld [tilespmem:s31+$0xB0]  }
0x31d: {  	[tilespmem:s12+$0x90] =	vst v1;
	v10 =	vld [tilespmem:s14+$0x830];
	v4 =	vadd.f32 v4, v12  }
0x31e: {  	v1 =	vld [tilespmem:s31+$0x90]  }
0x31f: {  	v0 =	vld [tilespmem:s14+$0x810];
	v6 =	vadd.f32 v6, v13;
	[tilespmem:s12+$0xC0] =	vst v4  }
0x320: {  	v4 =	vld [tilespmem:s31+$0xC0]  }
0x321: {  	[tilespmem:s12+$0xD0] =	vst v6;
	v6 =	vadd.f32 v5, v14;
	v11 =	vld [tilespmem:s14+$0x840]  }
0x322: {  	v5 =	vld [tilespmem:s31+$0xD0]  }
0x323: {  	v7 =	vadd.f32 v7, v16;
	v12 =	vld [tilespmem:s14+$0x850];
	[tilespmem:s12+$0xE0] =	vst v6  }
0x324: {  	v6 =	vadd.f32 v0, v1;
	v0 =	vld [tilespmem:s31+$0xE0]  }
0x325: {  	[tilespmem:s12+$0x800] =	vst v7;
	v7 =	vadd.f32 v8, v2;
	v13 =	vld [tilespmem:s14+$0x860]  }
0x326: {  	[tilespmem:s12+$0x810] =	vst v6;
	v6 =	vadd.f32 v10, v3;
	v14 =	vld [tilespmem:s14+$0x880]  }
0x327: {  	[tilespmem:s12+$0x820] =	vst v7;
	v7 =	vadd.f32 v11, v4;
	v10 =	vld [tilespmem:s14+$0x890]  }
0x328: {  	[tilespmem:s12+$0x830] =	vst v6;
	v6 =	vld [tilespmem:s14+$0x8A0];
	v11 =	vadd.f32 v12, v5  }
0x329: {  	v9 =	vadd.f32 v15, v9;
	[tilespmem:s12+$0x840] =	vst v7;
	v8 =	vld [tilespmem:s14+$0x8B0]  }
0x32a: {  	s16 =	simm.s32 $0x0;
	v7 =	vld [tilespmem:s14+$0x8C0];
	[tilespmem:s12+$0x850] =	vst v11;
	v12 =	vadd.f32 v13, v0  }
0x32b: {  	s25 =	simm.s32 $0xB300;
	s15 =	simm.s32 $0x13000;
	s0 =	simm.s32 $0x7000;
	[tilespmem:s12+$0x8F0] =	vst v9;
	v11 =	vadd.f32 v14, v16;
	v9 =	vld [tilespmem:s14+$0x8D0]  }
.LBB2_9:
0x32c: {  	v13 =	vld [tilespmem:s25+$0xFFFFFF70];
	v1 =	vadd.f32 v10, v1;
	[tilespmem:s12+$0x860] =	vst v12;
	s14 =	sadd.s32 $0x100, s14  }
0x32d: {  	v10 =	vld [tilespmem:s14+$0xFFFFF070];
	[tilespmem:s12+$0x880] =	vst v11;
	v2 =	vadd.f32 v6, v2  }
0x32e: {  	v6 =	vld [tilespmem:s14+$0xFFFFF000];
	[tilespmem:s12+$0x890] =	vst v1;
	v1 =	vadd.f32 v8, v3  }
0x32f: {  	v3 =	vld [tilespmem:s25+$0xFFFFFF10];
	[tilespmem:s12+$0x8A0] =	vst v2;
	v2 =	vadd.f32 v7, v4  }
0x330: {  	s16 =	sadd.s32 $0x8, s16;
	v4 =	vld [tilespmem:s14+$0xFFFFF010];
	[tilespmem:s12+$0x8B0] =	vst v1;
	v1 =	vadd.f32 v9, v5  }
0x331: {  	p0 =	slt.u32 s16, $0x38;
	v5 =	vld [tilespmem:s25+$0xFFFFFF20];
	[tilespmem:s12+$0x8C0] =	vst v2  }
0x332: {  	v2 =	vld [tilespmem:s14+$0xFFFFF020];
	v7 =	vadd.f32 v10, v13;
	[tilespmem:s12+$0x8D0] =	vst v1  }
0x333: {  	s12 =	sadd.s32 $0x100, s12;
	v1 =	vld [tilespmem:s25+$0xFFFFFF30]  }
0x334: {  	v8 =	vld [tilespmem:s14+$0xFFFFF030];
	[tilespmem:s12+$0xFFFFF070] =	vst v7  }
0x335: {  	v4 =	vadd.f32 v4, v3;
	v7 =	vld [tilespmem:s14+$0xFFFFF0F0]  }
0x336: {  	v9 =	vld [tilespmem:s25+$0xFFFFFF40]  }
0x337: {  	[tilespmem:s12+$0xFFFFF010] =	vst v4;
	v2 =	vadd.f32 v2, v5;
	v4 =	vld [tilespmem:s14+$0xFFFFF040]  }
0x338: {  	v10 =	vld [tilespmem:s25+$0xFFFFFF50]  }
0x339: {  	[tilespmem:s12+$0xFFFFF020] =	vst v2;
	v2 =	vadd.f32 v8, v1;
	v8 =	vld [tilespmem:s14+$0xFFFFF050]  }
0x33a: {  	v11 =	vld [tilespmem:s25+$0xFFFFFF60];
	v7 =	vadd.f32 v7, v13  }
0x33b: {  	[tilespmem:s12+$0xFFFFF030] =	vst v2;
	v2 =	vld [tilespmem:s14+$0xFFFFF060]  }
0x33c: {  	v12 =	vld [tilespmem:s25+$0xFFFFFF00];
	v4 =	vadd.f32 v4, v9;
	[tilespmem:s12+$0xFFFFF0F0] =	vst v7  }
0x33d: {  	v7 =	vld [tilespmem:s25+$0xFFFFFFF0]  }
0x33e: {  	[tilespmem:s12+$0xFFFFF040] =	vst v4;
	v4 =	vadd.f32 v8, v10;
	v8 =	vld [tilespmem:s14+$0xFFFFF870]  }
0x33f: {  	v13 =	vld [tilespmem:s14+$0xFFFFF090]  }
0x340: {  	v14 =	vld [tilespmem:s14+$0xFFFFF0A0];
	[tilespmem:s12+$0xFFFFF050] =	vst v4;
	v2 =	vadd.f32 v2, v11  }
0x341: {  	v4 =	vadd.f32 v6, v12;
	v6 =	vld [tilespmem:s14+$0xFFFFF0B0]  }
0x342: {  	v15 =	vld [tilespmem:s14+$0xFFFFF0C0];
	[tilespmem:s12+$0xFFFFF060] =	vst v2  }
0x343: {  	[tilespmem:s12+$0xFFFFF000] =	vst v4;
	v2 =	vld [tilespmem:s14+$0xFFFFF0D0];
	v4 =	vadd.f32 v8, v7  }
0x344: {  	v8 =	vld [tilespmem:s14+$0xFFFFF080];
	v3 =	vadd.f32 v13, v3  }
0x345: {  	v5 =	vadd.f32 v14, v5;
	v13 =	vld [tilespmem:s14+$0xFFFFF0E0];
	[tilespmem:s12+$0xFFFFF870] =	vst v4  }
0x346: {  	[tilespmem:s12+$0xFFFFF090] =	vst v3;
	v1 =	vadd.f32 v6, v1;
	v3 =	vld [tilespmem:s14+$0xFFFFF8F0]  }
0x347: {  	v4 =	vld [tilespmem:s25+$0xFFFFFF90];
	[tilespmem:s12+$0xFFFFF0A0] =	vst v5;
	v5 =	vadd.f32 v15, v9  }
0x348: {  	v6 =	vld [tilespmem:s14+$0xFFFFF810];
	[tilespmem:s12+$0xFFFFF0B0] =	vst v1;
	v1 =	vadd.f32 v2, v10  }
0x349: {  	v2 =	vadd.f32 v8, v12;
	v8 =	vld [tilespmem:s25+$0xFFFFFFA0];
	[tilespmem:s12+$0xFFFFF0C0] =	vst v5  }
0x34a: {  	v5 =	vld [tilespmem:s14+$0xFFFFF820];
	[tilespmem:s12+$0xFFFFF0D0] =	vst v1;
	v1 =	vadd.f32 v13, v11  }
0x34b: {  	[tilespmem:s12+$0xFFFFF080] =	vst v2;
	v2 =	vld [tilespmem:s25+$0xFFFFFFB0];
	v3 =	vadd.f32 v3, v7  }
0x34c: {  	v7 =	vld [tilespmem:s25+$0xFFFFFF80];
	[tilespmem:s12+$0xFFFFF0E0] =	vst v1  }
0x34d: {  	v1 =	vld [tilespmem:s14+$0xFFFFF800];
	v6 =	vadd.f32 v6, v4;
	[tilespmem:s12+$0xFFFFF8F0] =	vst v3  }
0x34e: {  	v3 =	vld [tilespmem:s25+$0x70]  }
0x34f: {  	[tilespmem:s12+$0xFFFFF810] =	vst v6;
	v5 =	vadd.f32 v5, v8;
	v6 =	vld [tilespmem:s14+$0x70]  }
0x350: {  	v9 =	vld [tilespmem:s14+$0xFFFFF830]  }
0x351: {  	[tilespmem:s12+$0xFFFFF820] =	vst v5;
	v5 =	vld [tilespmem:s25+$0xFFFFFFC0]  }
0x352: {  	v1 =	vadd.f32 v1, v7;
	v10 =	vld [tilespmem:s14+$0xFFFFF840]  }
0x353: {  	v11 =	vld [tilespmem:s25+$0xFFFFFFD0]  }
0x354: {  	[tilespmem:s12+$0xFFFFF800] =	vst v1;
	v1 =	vld [tilespmem:s14+$0xFFFFF850];
	v6 =	vadd.f32 v6, v3  }
0x355: {  	v9 =	vadd.f32 v9, v2;
	v12 =	vld [tilespmem:s25+$0xFFFFFFE0]  }
0x356: {  	v13 =	vld [tilespmem:s14+$0xFFFFF860];
	[tilespmem:s12+$0x70] =	vst v6  }
0x357: {  	[tilespmem:s12+$0xFFFFF830] =	vst v9;
	v6 =	vadd.f32 v10, v5;
	v9 =	vld [tilespmem:s14+$0xF0]  }
0x358: {  	v10 =	vld [tilespmem:s14+$0xFFFFF880]  }
0x359: {  	v14 =	vld [tilespmem:s14+$0xFFFFF890];
	[tilespmem:s12+$0xFFFFF840] =	vst v6;
	v1 =	vadd.f32 v1, v11  }
0x35a: {  	v6 =	vld [tilespmem:s14+$0xFFFFF8A0]  }
0x35b: {  	v15 =	vld [tilespmem:s14+$0xFFFFF8B0];
	[tilespmem:s12+$0xFFFFF850] =	vst v1;
	v1 =	vadd.f32 v13, v12  }
0x35c: {  	v13 =	vld [tilespmem:s14+$0xFFFFF8C0];
	v3 =	vadd.f32 v9, v3  }
0x35d: {  	v7 =	vadd.f32 v10, v7;
	v9 =	vld [tilespmem:s14+$0xFFFFF8D0];
	[tilespmem:s12+$0xFFFFF860] =	vst v1  }
0x35e: {  	v1 =	vadd.f32 v14, v4;
	v4 =	vld [tilespmem:s14+$0xFFFFF8E0];
	[tilespmem:s12+$0xF0] =	vst v3  }
0x35f: {  	[tilespmem:s12+$0xFFFFF880] =	vst v7;
	v3 =	vadd.f32 v6, v8;
	v6 =	vld [tilespmem:s25+$0xF0]  }
0x360: {  	[tilespmem:s12+$0xFFFFF890] =	vst v1;
	v1 =	vadd.f32 v15, v2;
	v2 =	vld [tilespmem:s14+$0x870]  }
0x361: {  	v7 =	vld [tilespmem:s25+$0x0];
	[tilespmem:s12+$0xFFFFF8A0] =	vst v3;
	v3 =	vadd.f32 v13, v5  }
0x362: {  	v5 =	vld [tilespmem:s14+$0x0];
	[tilespmem:s12+$0xFFFFF8B0] =	vst v1;
	v1 =	vadd.f32 v9, v11  }
0x363: {  	v8 =	vld [tilespmem:s25+$0x10];
	[tilespmem:s12+$0xFFFFF8C0] =	vst v3;
	v3 =	vadd.f32 v4, v12  }
0x364: {  	v4 =	vld [tilespmem:s14+$0x10];
	[tilespmem:s12+$0xFFFFF8D0] =	vst v1  }
0x365: {  	v1 =	vld [tilespmem:s25+$0x20];
	[tilespmem:s12+$0xFFFFF8E0] =	vst v3;
	v2 =	vadd.f32 v2, v6  }
0x366: {  	v3 =	vld [tilespmem:s14+$0x20]  }
0x367: {  	v5 =	vadd.f32 v5, v7;
	v9 =	vld [tilespmem:s25+$0x30];
	[tilespmem:s12+$0x870] =	vst v2  }
0x368: {  	v2 =	vld [tilespmem:s14+$0x8F0]  }
0x369: {  	[tilespmem:s12+$0x0] =	vst v5;
	v4 =	vadd.f32 v4, v8;
	v5 =	vld [tilespmem:s14+$0x30]  }
0x36a: {  	v10 =	vld [tilespmem:s25+$0x40]  }
0x36b: {  	[tilespmem:s12+$0x10] =	vst v4;
	v3 =	vadd.f32 v3, v1;
	v4 =	vld [tilespmem:s14+$0x40]  }
0x36c: {  	v11 =	vld [tilespmem:s25+$0x50]  }
0x36d: {  	[tilespmem:s12+$0x20] =	vst v3;
	v3 =	vld [tilespmem:s14+$0x50];
	v2 =	vadd.f32 v2, v6  }
0x36e: {  	v5 =	vadd.f32 v5, v9;
	v6 =	vld [tilespmem:s25+$0x60]  }
0x36f: {  	v12 =	vld [tilespmem:s14+$0x60];
	[tilespmem:s12+$0x8F0] =	vst v2  }
0x370: {  	v2 =	vld [tilespmem:s14+$0x80];
	[tilespmem:s12+$0x30] =	vst v5;
	v4 =	vadd.f32 v4, v10  }
0x371: {  	v5 =	vld [tilespmem:s14+$0x90]  }
0x372: {  	v13 =	vld [tilespmem:s14+$0xA0];
	[tilespmem:s12+$0x40] =	vst v4;
	v3 =	vadd.f32 v3, v11  }
0x373: {  	v4 =	vld [tilespmem:s14+$0xB0]  }
0x374: {  	v14 =	vld [tilespmem:s14+$0xC0];
	[tilespmem:s12+$0x50] =	vst v3;
	v3 =	vadd.f32 v12, v6  }
0x375: {  	v2 =	vadd.f32 v2, v7;
	v7 =	vld [tilespmem:s14+$0xD0]  }
0x376: {  	v5 =	vadd.f32 v5, v8;
	[tilespmem:s12+$0x60] =	vst v3;
	v3 =	vld [tilespmem:s0+$0x8E0];
	s0 =	smov.u32 s14  }
0x377: {  	[tilespmem:s12+$0x80] =	vst v2;
	v1 =	vadd.f32 v13, v1;
	v8 =	vld [tilespmem:s14+$0xE0]  }
0x378: {  	v13 =	vld [tilespmem:s25+$0x80];
	[tilespmem:s12+$0x90] =	vst v5;
	v2 =	vadd.f32 v4, v9  }
0x379: {  	v4 =	vld [tilespmem:s14+$0x800];
	[tilespmem:s12+$0xA0] =	vst v1;
	v5 =	vadd.f32 v14, v10  }
0x37a: {  	v1 =	vld [tilespmem:s25+$0x90];
	[tilespmem:s12+$0xB0] =	vst v2;
	v7 =	vadd.f32 v7, v11  }
0x37b: {  	v9 =	vld [tilespmem:s14+$0x810];
	[tilespmem:s12+$0xC0] =	vst v5;
	v0 =	vadd.f32 v3, v0  }
0x37c: {  	v2 =	vld [tilespmem:s25+$0xA0];
	[tilespmem:s12+$0xD0] =	vst v7;
	v5 =	vadd.f32 v8, v6  }
0x37d: {  	v6 =	vld [tilespmem:s14+$0x820];
	[tilespmem:s15+$0x8E0] =	vst v0;
	s15 =	smov.u32 s12  }
0x37e: {  	v0 =	vadd.f32 v4, v13;
	v3 =	vld [tilespmem:s25+$0xB0];
	[tilespmem:s12+$0xE0] =	vst v5  }
0x37f: {  	v7 =	vld [tilespmem:s14+$0x830]  }
0x380: {  	[tilespmem:s12+$0x800] =	vst v0;
	v0 =	vadd.f32 v9, v1;
	v4 =	vld [tilespmem:s25+$0xC0]  }
0x381: {  	v8 =	vld [tilespmem:s14+$0x840]  }
0x382: {  	[tilespmem:s12+$0x810] =	vst v0;
	v0 =	vadd.f32 v6, v2;
	v5 =	vld [tilespmem:s25+$0xD0]  }
0x383: {  	v9 =	vld [tilespmem:s14+$0x850]  }
0x384: {  	[tilespmem:s12+$0x820] =	vst v0;
	v6 =	vadd.f32 v7, v3;
	v0 =	vld [tilespmem:s25+$0xE0]  }
0x385: {  	v11 =	vld [tilespmem:s14+$0x860]  }
0x386: {  	v14 =	vld [tilespmem:s14+$0x880];
	[tilespmem:s12+$0x830] =	vst v6;
	v7 =	vadd.f32 v8, v4  }
.Ltmp5:
0x387: {  	v10 =	vld [tilespmem:s14+$0x890];
	(pc) =	sbr.rel @p0 .LBB2_9-.Ltmp5, $4  }
0x388: {  	v6 =	vld [tilespmem:s14+$0x8A0];
	[tilespmem:s12+$0x840] =	vst v7;
	v9 =	vadd.f32 v9, v5  }
0x389: {  	v8 =	vld [tilespmem:s14+$0x8B0]  }
0x38a: {  	v7 =	vld [tilespmem:s14+$0x8C0];
	[tilespmem:s12+$0x850] =	vst v9;
	v12 =	vadd.f32 v11, v0  }
0x38b: {  	s25 =	sadd.s32 $0x200, s25;
	v11 =	vadd.f32 v14, v13;
	v9 =	vld [tilespmem:s14+$0x8D0]  }
0x38c: {  	[tilespmem:s12+$0x860] =	vst v12  }
0x38d: {  	v1 =	vadd.f32 v10, v1;
	v60 =	vld [tilespmem:s0+$0x8E0]  }
0x38e: {  	[tilespmem:s12+$0x880] =	vst v11;
	v2 =	vadd.f32 v6, v2  }
0x38f: {  	[tilespmem:s12+$0x890] =	vst v1;
	v61 =	vadd.f32 v8, v3  }
0x390: {  	[tilespmem:s12+$0x8A0] =	vst v2;
	v62 =	vadd.f32 v7, v4  }
.Ltmp6:
0x391: {  	[tilespmem:s12+$0x8B0] =	vst v61;
	v63 =	vadd.f32 v9, v5;
	(pc) =	sbr.rel @p1 .LBB2_12-.Ltmp6, $4  }
0x392: {  	[tilespmem:s12+$0x8C0] =	vst v62;
	v0 =	vadd.f32 v60, v0  }
0x393: {  	[tilespmem:s12+$0x8D0] =	vst v63  }
0x394: {  	s31 =	sadd.s32 $0xC00, s13;
	[tilespmem:s15+$0x8E0] =	vst v0  }
0x395: {  	[hbm4b:s31+s5] =	stream.linear.scatter [tilespmem:s10], [sflag:$0x8], $0x2000, $0x38;
	[tilespmem:$0x14000] =	vst v63  }
0x396: {  	s0 =	sadd.s32 s8, s21  }
.Ltmp7:
0x397: {  	s8 =	sshll.u32 s0, $0x8;
	s0 =	sshll.u32 s0, $0x7;
	(pc) =	sbr.rel .LBB2_2-.Ltmp7, $4  }
0x398: {  	s12 =	simm.s32 $0x6000;
	s8 =	sadd.s32 s1, s8;
	s0 =	sand.u32 $0x1FFC00, s0  }
0x399: {  	[tilespmem:s12], [sflag:$0x4] =	stream.linear.gather [hbm4b:s8+s5], $0x2000, $0x38;
	[tilespmem:$0x14000] =	vst v63  }
0x39a: {  	s31 =	simm.s32 $0xB000;
	s22 =	sadd.s32 $0x1, s22;
	s0 =	sadd.s32 s0, s11  }
0x39b: {  	[tilespmem:s31], [sflag:$0x4] =	stream.strided.gather [hbm4b:s0+s23], $0x1000, s24, s23, $0x38;
	[tilespmem:$0x14000] =	vst v63  }
.LBB2_13:
0x39c: {  	_ =	sfence.sel $0x180000  }
0x39d: {  	[bflag:$0x0] =	sbarrier.arrive $0xFFFF  }
0x39e: {  	_ =	strace $0x90000047  }
0x39f: {  	s0 =	stileid.u32;
	[bflag:$0x2] =	sbarrier.arrive $0xFFFF  }
0x3a0: {  	p0 =	sne.s32 s0, $0x0;
	s0 =	rddreg [dreg:$0x3]  }
0x3a1: {  	s0 =	sadd.s32 @!p0 $0x100000, s0  }
0x3a2: {  	[sflag:s0] =	ssyncadd.tile.s32 @!p0 $0x1;
	_ =	shalt  }
.Lfunc_end2:
_tile_overlayer_lowered:
.L_overlay_start_2:
0x3a3: {  	(tag) =	ssettag $0x2  }
0x3a4: {  	s0 =	rddreg [dreg:$0x0];
	s2 =	stileid.u32  }
0x3a5: {  	s1 =	rddreg [dreg:$0x1];
	p0 =	sne.s32 s2, $0x0  }
0x3a6: {  	s3 =	rddreg [dreg:$0x2];
	[bflag:$0x3] =	sbarrier.arrive $0xFFFF;
	s2 =	simm.s32 @!p0 $0x1C09  }
0x3a7: {  	[timem:s3], [sflag:s2] =	dma.local @!p0 [hbm:s0], s1  }
0x3a8: {  	s0 =	simm.s32 @!p0 $0x9  }
0x3a9: {  	_ =	swait.ge @!p0 [sflag:s0], s1  }
0x3aa: {  	s1 =	ssub.s32 @!p0 $0x0, s1;
	[sflag:s0] =	ssyncset.done @!p0 $0x0  }
0x3ab: {  	[sflag:s0] =	ssyncadd.s32 @!p0 s1  }
0x3ac: {  	[bflag:$0x3] =	sbarrier.arrive $0xFFFF  }
0x3ad: {  	_ =	shalt  }

</sc_bundles>
